<compile_context>
chip_gen: v7x
topology: tpu7x:2x2x1
jax: 0.10.2.dev20260603
libtpu: 0.0.44.dev20260713+nightly
codegen_flags: <defaults>
</compile_context>

<pallas_src>
import functools

import jax
import jax.numpy as jnp
from jax import lax
from jax.experimental import pallas as pl
from jax.experimental.pallas import tpu as pltpu
from jax.experimental.pallas import tpu_sc as plsc

N = 10000
E = 320000
NR = 10240
EP = 32 * 80 * 128
EPT = EP // 32
RB = 2048
GRID = NR // RB

_INT_MIN = -(2 ** 31)



def _pcall(body, **kw):
    return pl.pallas_call(body, **kw)


def _mm_body(x_ref, w_ref, o_ref):
    o_ref[...] = jnp.dot(x_ref[...], w_ref[...],
                         preferred_element_type=jnp.float32)


def _mm_gated_body(x_ref, g_ref, w_ref, o_ref):
    o_ref[...] = jnp.dot(x_ref[...] * g_ref[...], w_ref[...],
                         preferred_element_type=jnp.float32)


def _tc_mm(x, w):
    return _pcall(
        _mm_body,
        grid=(GRID,),
        in_specs=[pl.BlockSpec((RB, 128), lambda i: (i, 0)),
                  pl.BlockSpec((128, 128), lambda i: (0, 0))],
        out_specs=pl.BlockSpec((RB, 128), lambda i: (i, 0)),
        out_shape=jax.ShapeDtypeStruct((NR, 128), jnp.float32),
    )(x, w)


def _tc_mm_gated(x, g, w):
    return _pcall(
        _mm_gated_body,
        grid=(GRID,),
        in_specs=[pl.BlockSpec((RB, 128), lambda i: (i, 0)),
                  pl.BlockSpec((RB, 128), lambda i: (i, 0)),
                  pl.BlockSpec((128, 128), lambda i: (0, 0))],
        out_specs=pl.BlockSpec((RB, 128), lambda i: (i, 0)),
        out_shape=jax.ShapeDtypeStruct((NR, 128), jnp.float32),
    )(x, g, w)


def _scale_body(hw_ref, deg_ref, z_ref, dinv_ref):
    d = deg_ref[...]
    degv = lax.slice(d, (0, 0), (RB, 1)) + 1.0
    dinv = 1.0 / jnp.sqrt(degv)
    dinv_bc = jnp.broadcast_to(dinv, (RB, 128))
    dinv_ref[...] = dinv_bc
    z_ref[...] = dinv_bc * hw_ref[...]


def _tc_scale(hw, degp):
    return _pcall(
        _scale_body,
        grid=(GRID,),
        in_specs=[pl.BlockSpec((RB, 128), lambda i: (i, 0)),
                  pl.BlockSpec((RB, 16), lambda i: (i, 0))],
        out_specs=[pl.BlockSpec((RB, 128), lambda i: (i, 0)),
                   pl.BlockSpec((RB, 128), lambda i: (i, 0))],
        out_shape=[jax.ShapeDtypeStruct((NR, 128), jnp.float32),
                   jax.ShapeDtypeStruct((NR, 128), jnp.float32)],
    )(hw, degp)


def _post_body(parts_ref, hw_ref, dinv_ref, b_ref, p_ref, h_ref, y_ref):
    pp_ = parts_ref[...]
    s = pp_[0] + pp_[1]
    dinv = dinv_ref[...]
    agg = dinv * s + hw_ref[...] * dinv * dinv
    bb = b_ref[...]
    h = jnp.maximum(agg + bb[0:1, :], 0.0)
    h_ref[...] = h
    pvec = p_ref[...]
    rinv = 1.0 / jnp.sqrt(jnp.sum(pvec * pvec) * (1.0 / 128.0))
    y_ref[...] = jnp.dot(h, pvec, preferred_element_type=jnp.float32) * rinv


def _tc_post(parts, hw, dinv, b2d, pbc):
    return _pcall(
        _post_body,
        grid=(GRID,),
        in_specs=[pl.BlockSpec((2, RB, 128), lambda i: (0, i, 0)),
                  pl.BlockSpec((RB, 128), lambda i: (i, 0)),
                  pl.BlockSpec((RB, 128), lambda i: (i, 0)),
                  pl.BlockSpec((8, 128), lambda i: (0, 0)),
                  pl.BlockSpec((128, 128), lambda i: (0, 0))],
        out_specs=[pl.BlockSpec((RB, 128), lambda i: (i, 0)),
                   pl.BlockSpec((RB, 128), lambda i: (i, 0))],
        out_shape=[jax.ShapeDtypeStruct((NR, 128), jnp.float32),
                   jax.ShapeDtypeStruct((NR, 128), jnp.float32)],
    )(parts, hw, dinv, b2d, pbc)


def _topk_body(y_ref, mprev_ref, m_ref, g_ref, *, kk):
    y = y_ref[...] + 0.0
    sbits = lax.bitcast_convert_type(y, jnp.int32)
    v = sbits ^ (lax.shift_right_arithmetic(sbits, 31) & jnp.int32(0x7FFFFFFF))
    ri = lax.broadcasted_iota(jnp.int32, (80, 128), 0)
    ci = lax.broadcasted_iota(jnp.int32, (80, 128), 1)
    idx = ri * 128 + ci
    int_min = jnp.int32(_INT_MIN)
    valid = (mprev_ref[...] > 0.0) & (idx < N)
    v = jnp.where(valid, v, int_min)

    def tbody(t, tc):
        cand = tc ^ lax.shift_left(jnp.int32(1), jnp.int32(31) - t)
        cnt = jnp.sum((v >= cand).astype(jnp.int32))
        return jnp.where(cnt >= kk, cand, tc)
    tc = lax.fori_loop(0, 32, tbody, int_min)

    cnt_gt = jnp.sum((v > tc).astype(jnp.int32))
    r = jnp.int32(kk) - cnt_gt
    wt = jnp.where(v == tc, jnp.int32(16383) - idx, jnp.int32(-1))

    def t2body(t, t2):
        cand = t2 | lax.shift_left(jnp.int32(1), jnp.int32(13) - t)
        cnt = jnp.sum((wt >= cand).astype(jnp.int32))
        return jnp.where(cnt >= r, cand, t2)
    t2 = lax.fori_loop(0, 14, t2body, jnp.int32(0))

    sel = (v > tc) | ((v == tc) & (wt >= t2))
    m = sel.astype(jnp.float32)
    m_ref[...] = m
    g_ref[...] = m * jnp.tanh(y_ref[...])


def _tc_topk(y2d, mprev2d, kk):
    return _pcall(
        functools.partial(_topk_body, kk=kk),
        in_specs=[pl.BlockSpec((80, 128), lambda: (0, 0)),
                  pl.BlockSpec((80, 128), lambda: (0, 0))],
        out_specs=[pl.BlockSpec((80, 128), lambda: (0, 0)),
                   pl.BlockSpec((80, 128), lambda: (0, 0))],
        out_shape=[jax.ShapeDtypeStruct((80, 128), jnp.float32),
                   jax.ShapeDtypeStruct((80, 128), jnp.float32)],
    )(y2d, mprev2d)


def _pool_body(h_ref, m_ref, o_ref):
    @pl.when(pl.program_id(0) == 0)
    def _():
        o_ref[...] = jnp.zeros((8, 128), jnp.float32)
    ssum = jnp.sum(h_ref[...] * m_ref[...], axis=0, keepdims=True)
    o_ref[...] += jnp.broadcast_to(ssum, (8, 128))


def _tc_pool(h, mbc):
    return _pcall(
        _pool_body,
        grid=(GRID,),
        in_specs=[pl.BlockSpec((RB, 128), lambda i: (i, 0)),
                  pl.BlockSpec((RB, 128), lambda i: (i, 0))],
        out_specs=pl.BlockSpec((8, 128), lambda i: (0, 0)),
        out_shape=jax.ShapeDtypeStruct((8, 128), jnp.float32),
    )(h, mbc)


def _final_body(pool_ref, wd_ref, bd_ref, o_ref, *, lout):
    logits = jnp.dot(pool_ref[...], wd_ref[...],
                     preferred_element_type=jnp.float32) + bd_ref[...]
    lane = lax.broadcasted_iota(jnp.int32, (8, 128), 1)
    ok = lane < lout
    lm = jnp.where(ok, logits, jnp.float32(-1e30))
    mx = jnp.max(lm, axis=1, keepdims=True)
    e = jnp.where(ok, jnp.exp(lm - mx), 0.0)
    o_ref[...] = e / jnp.sum(e, axis=1, keepdims=True)


def _tc_final(pooled, wdp, bdp, lout):
    return _pcall(
        functools.partial(_final_body, lout=lout),
        in_specs=[pl.BlockSpec((8, 128), lambda: (0, 0)),
                  pl.BlockSpec((128, 128), lambda: (0, 0)),
                  pl.BlockSpec((8, 128), lambda: (0, 0))],
        out_specs=pl.BlockSpec((8, 128), lambda: (0, 0)),
        out_shape=jax.ShapeDtypeStruct((8, 128), jnp.float32),
    )(pooled, wdp, bdp)



def _sc_mesh():
    return plsc.VectorSubcoreMesh(core_axis_name="c", subcore_axis_name="s")


def _make_scatter():
    @functools.partial(
        pl.kernel,
        mesh=_sc_mesh(),
        out_type=jax.ShapeDtypeStruct((2, NR, 128), jnp.float32),
        scratch_types=[
            pltpu.VMEM((EPT // 128, 128), jnp.int32),
            pltpu.VMEM((EPT // 128, 128), jnp.int32),
            pltpu.VMEM((128, 128), jnp.float32),
            pltpu.VMEM_SHARED((NR, 128), jnp.float32),
            pltpu.SemaphoreType.DMA,
            pltpu.SemaphoreType.DMA,
        ],
    )
    def k(src_hbm, dst_hbm, tab_hbm, zero_hbm, out_hbm,
          src_idx, dst_idx, buf, acc, gsem, ssem):
        c = lax.axis_index("c")
        s = lax.axis_index("s")
        wid = s * 2 + c
        row0 = s * (NR // 16)
        pltpu.sync_copy(zero_hbm.at[pl.ds(row0, NR // 16)],
                        acc.at[pl.ds(row0, NR // 16)])
        pltpu.sync_copy(src_hbm.at[wid], src_idx)
        pltpu.sync_copy(dst_hbm.at[wid], dst_idx)
        plsc.subcore_barrier()
        pltpu.async_copy(tab_hbm.at[src_idx.at[0]], buf, gsem)

        nch = EPT // 128

        def body(g, carry):
            pltpu.make_async_copy(tab_hbm.at[src_idx.at[g]], buf,
                                  gsem).wait()
            pltpu.async_copy(buf, acc.at[dst_idx.at[g]], ssem, add=True)
            pltpu.make_async_copy(buf, acc.at[dst_idx.at[g]], ssem).wait()

            @pl.when(g + 1 < nch)
            def _():
                pltpu.async_copy(tab_hbm.at[src_idx.at[g + 1]], buf, gsem)
            return carry

        lax.fori_loop(0, nch, body, 0)
        plsc.subcore_barrier()
        pltpu.sync_copy(acc.at[pl.ds(row0, NR // 16)],
                        out_hbm.at[c].at[pl.ds(row0, NR // 16)])

    return k


def _make_deghist():
    @functools.partial(
        pl.kernel,
        mesh=_sc_mesh(),
        compiler_params=pltpu.CompilerParams(needs_layout_passes=False),
        out_type=jax.ShapeDtypeStruct((32, NR), jnp.float32),
        scratch_types=[
            pltpu.VMEM((EP // 32 // 128, 128), jnp.int32),
            pltpu.VMEM((EP // 32 // 128, 128), jnp.int32),
            pltpu.VMEM((NR,), jnp.float32),
            pltpu.VMEM((NR,), jnp.float32),
        ],
    )
    def k(src_hbm, dst_hbm, m_hbm, zero_hbm, out_hbm,
          src_idx, dst_idx, m_tile, hist):
        c = lax.axis_index("c")
        s = lax.axis_index("s")
        wid = s * 2 + c
        pltpu.sync_copy(zero_hbm, hist)
        pltpu.sync_copy(m_hbm, m_tile)
        pltpu.sync_copy(src_hbm.at[wid], src_idx)
        pltpu.sync_copy(dst_hbm.at[wid], dst_idx)

        def body(g, carry):
            for j in range(8):
                sv = src_idx[g, pl.ds(16 * j, 16)]
                dv = dst_idx[g, pl.ds(16 * j, 16)]
                mv = plsc.load_gather(m_tile, [sv])
                plsc.addupdate_scatter(hist, [dv], mv)
            return carry

        lax.fori_loop(0, EP // 32 // 128, body, 0)
        pltpu.sync_copy(hist, out_hbm.at[wid])

    return k


def _degsum_body(h_ref, o_ref):
    d = jnp.sum(h_ref[...], axis=0, keepdims=True)
    o_ref[...] = jnp.broadcast_to(d, (8, RB))


def _tc_degsum(hists):
    return _pcall(
        _degsum_body,
        grid=(GRID,),
        in_specs=[pl.BlockSpec((32, RB), lambda i: (0, i))],
        out_specs=pl.BlockSpec((8, RB), lambda i: (0, i)),
        out_shape=jax.ShapeDtypeStruct((8, NR), jnp.float32),
    )(hists)



def _b2d(b):
    return jnp.broadcast_to(b[None, :], (8, 128)).astype(jnp.float32)


def _pbc(p):
    return jnp.broadcast_to(p[:, None], (128, 128)).astype(jnp.float32)


def kernel(x, edge_index, i, W1, b1, p1, W2, b2, p2, W3, b3, Wd, bd):
    del i
    f32 = jnp.float32
    src = edge_index[0]
    dst = edge_index[1]
    pad_e = EP - E
    srcp = jnp.concatenate([src, jnp.full((pad_e,), N, jnp.int32)])
    dstp = jnp.concatenate([dst, jnp.full((pad_e,), N + 8, jnp.int32)])
    xp = jnp.pad(x, ((0, NR - N), (0, 0)))
    zero_nr128 = jnp.zeros((NR, 128), f32)
    ones2d = jnp.ones((80, 128), f32)

    src32 = srcp.reshape(32, EP // 32 // 128, 128)
    dst32 = dstp.reshape(32, EP // 32 // 128, 128)
    zero_nr = jnp.zeros((NR,), f32)

    rows_k = _make_scatter()
    deghist_k = _make_deghist()

    def agg(tab):
        return rows_k(src32, dst32, tab, zero_nr128)

    def deg(m_flat):
        hists = deghist_k(src32, dst32, m_flat, zero_nr)
        dsum = _tc_degsum(hists)
        return jnp.broadcast_to(dsum[0].reshape(NR, 1), (NR, 16))

    k1 = (N + 1) // 2
    k2 = (k1 + 1) // 2

    deg1 = deg(jnp.ones((NR,), f32))
    hw1 = _tc_mm(xp, W1)
    z1, dinv1 = _tc_scale(hw1, deg1)
    h1, y1bc = _tc_post(agg(z1), hw1, dinv1, _b2d(b1), _pbc(p1))
    m1_2d, g1_2d = _tc_topk(y1bc[:, 0].reshape(80, 128), ones2d, k1)
    g1bc = jnp.broadcast_to(g1_2d.reshape(NR, 1), (NR, 128))

    deg2 = deg(m1_2d.reshape(NR))
    hw2 = _tc_mm_gated(h1, g1bc, W2)
    z2, dinv2 = _tc_scale(hw2, deg2)
    h2, y2bc = _tc_post(agg(z2), hw2, dinv2, _b2d(b2), _pbc(p2))
    m2_2d, g2_2d = _tc_topk(y2bc[:, 0].reshape(80, 128), m1_2d, k2)
    g2bc = jnp.broadcast_to(g2_2d.reshape(NR, 1), (NR, 128))

    deg3 = deg(m2_2d.reshape(NR))
    hw3 = _tc_mm_gated(h2, g2bc, W3)
    z3, dinv3 = _tc_scale(hw3, deg3)
    h3, _ = _tc_post(agg(z3), hw3, dinv3, _b2d(b3), _pbc(p1))

    m2bc = jnp.broadcast_to(m2_2d.reshape(NR, 1), (NR, 128))
    pooled = _tc_pool(h3, m2bc)
    lout = Wd.shape[1]
    wdp = jnp.zeros((128, 128), f32).at[:, :lout].set(Wd)
    bdp = jnp.zeros((8, 128), f32).at[:, :lout].set(
        jnp.broadcast_to(bd[None, :], (8, lout)))
    outp = _tc_final(pooled, wdp, bdp, lout)
    return outp[0:1, 0:lout]

# --- scband reference (transcript-rebuilt; emitter-appended) ---
"""Pipeline reference for scband-my-first-gnn-9491877724971 (READ-ONLY COPY).

The authoritative reference and input builder live on the scoring server;
editing this copy changes nothing except your own understanding.
"""

import jax, jax.numpy as jnp
import numpy as np

N = 10000
E = 320000
F = 128
H = 128
L = 2


def _gcn_conv(x, src, dst, ew, W, b):
    n = x.shape[0]
    deg = jax.ops.segment_sum(ew, dst, num_segments=n) + 1.0
    dinv = 1.0 / jnp.sqrt(deg)
    h = x @ W
    coef = ew * dinv[src] * dinv[dst]
    agg = jax.ops.segment_sum(h[src] * coef[:, None], dst, num_segments=n)
    agg = agg + h * (dinv * dinv)[:, None]
    return jax.nn.relu(agg + b)


def _topk_pool(x, src, dst, ew, i, p, ratio):
    n = x.shape[0]
    k = int(np.ceil(ratio * n))
    y = (x @ p) / jnp.linalg.norm(p)
    _, idx = jax.lax.top_k(y, k)
    idx = jnp.sort(idx)
    x1 = x[idx] * jnp.tanh(y[idx])[:, None]
    maskb = jnp.zeros((n,), dtype=bool).at[idx].set(True)
    new_id = jnp.cumsum(maskb.astype(jnp.int32)) - 1
    keep = (maskb[src] & maskb[dst]).astype(x.dtype)
    src1 = jnp.clip(new_id[src], 0, k - 1)
    dst1 = jnp.clip(new_id[dst], 0, k - 1)
    return x1, src1, dst1, ew * keep, i[idx]


def setup_inputs(seed: int = 0):
    key = jax.random.key(seed)
    ks = jax.random.split(key, 10)
    x = jax.random.normal(ks[0], (N, F), dtype=jnp.float32)
    edge_index = jax.random.randint(ks[1], (2, E), 0, N, dtype=jnp.int32)
    i = jnp.zeros((N,), dtype=jnp.int32)
    s = 0.05
    W1 = jax.random.normal(ks[2], (F, H), dtype=jnp.float32) * s
    b1 = jnp.zeros((H,), dtype=jnp.float32)
    p1 = jax.random.normal(ks[3], (H,), dtype=jnp.float32)
    W2 = jax.random.normal(ks[4], (H, H), dtype=jnp.float32) * s
    b2 = jnp.zeros((H,), dtype=jnp.float32)
    p2 = jax.random.normal(ks[5], (H,), dtype=jnp.float32)
    W3 = jax.random.normal(ks[6], (H, H), dtype=jnp.float32) * s
    b3 = jnp.zeros((H,), dtype=jnp.float32)
    Wd = jax.random.normal(ks[7], (H, L), dtype=jnp.float32) * s
    bd = jnp.zeros((L,), dtype=jnp.float32)
    return {"x": x, "edge_index": edge_index, "i": i, "W1": W1, "b1": b1, "p1": p1, "W2": W2, "b2": b2, "p2": p2, "W3": W3, "b3": b3, "Wd": Wd, "bd": bd}


def reference(x, edge_index, i, W1, b1, p1, W2, b2, p2, W3, b3, Wd, bd):
    src = edge_index[0]
    dst = edge_index[1]
    ew = jnp.ones((src.shape[0],), dtype=x.dtype)
    h = _gcn_conv(x, src, dst, ew, W1, b1)
    x1, s1, d1, e1, i1 = _topk_pool(h, src, dst, ew, i, p1, 0.5)
    h1 = _gcn_conv(x1, s1, d1, e1, W2, b2)
    x2, s2, d2, e2, i2 = _topk_pool(h1, s1, d1, e1, i1, p2, 0.5)
    h2 = _gcn_conv(x2, s2, d2, e2, W3, b3)
    pooled = jax.ops.segment_sum(h2, i2, num_segments=1)
    out = jax.nn.softmax(pooled @ Wd + bd, axis=-1)
    return out

if __name__ == "__main__":
    import jax
    _d = setup_inputs()
    print(jax.jit(kernel)(*tuple(_d.values())))

</pallas_src>

<mosaic_0001>
#map = affine_map<(d0, d1) -> (0, 0, 0)>
#map1 = affine_map<(d0, d1) -> (0, 0)>
module attributes {stable_mosaic.version = 14 : i64} {
  func.func @k(%arg0: i32, %arg1: i32, %arg2: memref<32x80x128xi32, #tpu.memory_space<hbm>>, %arg3: memref<32x80x128xi32, #tpu.memory_space<hbm>>, %arg4: memref<10240x128xf32, #tpu.memory_space<hbm>>, %arg5: memref<10240x128xf32, #tpu.memory_space<hbm>>, %arg6: memref<2x10240x128xf32, #tpu.memory_space<hbm>>, %arg7: memref<80x128xi32, #tpu.memory_space<vmem>>, %arg8: memref<80x128xi32, #tpu.memory_space<vmem>>, %arg9: memref<128x128xf32, #tpu.memory_space<vmem>>, %arg10: memref<10240x128xf32, #tpu.memory_space<vmem_shared>>, %arg11: memref<!tpu.dma_semaphore, #tpu.memory_space<semaphore_mem>>, %arg12: memref<!tpu.dma_semaphore, #tpu.memory_space<semaphore_mem>>) attributes {dimension_semantics = [#tpu.dimension_semantics<core_parallel>, #tpu.dimension_semantics<subcore_parallel>], iteration_bounds = array<i64: 2, 16>, scalar_prefetch = 0 : i64, scratch_operands = 6 : i64, tpu.core_type = #tpu.core_type<sc_vector_subcore>, window_params = [{transform_indices = #map}, {transform_indices = #map}, {transform_indices = #map1}, {transform_indices = #map1}, {transform_indices = #map}]} {
    %mul3A = arith.constant 2 : i32
    %mul3A_0 = arith.muli %arg1, %mul3A : i32
    %add3A = arith.addi %mul3A_0, %arg0 : i32
    %mul3A_1 = arith.constant 640 : i32
    %mul3A_2 = arith.muli %arg1, %mul3A_1 : i32
    "tpu.region"() ({
      %run_scoped3A = tpu.sem_alloc : memref<!tpu.dma_semaphore, #tpu.memory_space<semaphore_mem>>
      %dma_start3A_15 = arith.constant 0 : i32
      %dma_start3A_16 = tpu.memref_slice %arg10[%mul3A_2, %dma_start3A_15] : memref<10240x128xf32, #tpu.memory_space<vmem_shared>> -> memref<640x128xf32, #tpu.memory_space<vmem_shared>>
      %dma_start3A_17 = arith.constant 0 : i32
      %dma_start3A_18 = tpu.memref_slice %arg5[%mul3A_2, %dma_start3A_17] : memref<10240x128xf32, #tpu.memory_space<hbm>> -> memref<640x128xf32, #tpu.memory_space<hbm>>
      tpu.enqueue_dma source(%dma_start3A_18 : memref<640x128xf32, #tpu.memory_space<hbm>>) target(%dma_start3A_16 : memref<640x128xf32, #tpu.memory_space<vmem_shared>>) target_semaphore(%run_scoped3A : memref<!tpu.dma_semaphore, #tpu.memory_space<semaphore_mem>>)
      %dma_wait3A = arith.constant 0 : i32
      %dma_wait3A_19 = tpu.memref_slice %arg10[%mul3A_2, %dma_wait3A] : memref<10240x128xf32, #tpu.memory_space<vmem_shared>> -> memref<640x128xf32, #tpu.memory_space<vmem_shared>>
      %dma_wait3A_20 = arith.constant 0 : i32
      %dma_wait3A_21 = tpu.memref_slice %arg5[%mul3A_2, %dma_wait3A_20] : memref<10240x128xf32, #tpu.memory_space<hbm>> -> memref<640x128xf32, #tpu.memory_space<hbm>>
      tpu.wait_dma2 semaphore(%run_scoped3A : memref<!tpu.dma_semaphore, #tpu.memory_space<semaphore_mem>>) src(%dma_wait3A_21 : memref<640x128xf32, #tpu.memory_space<hbm>>) dst(%dma_wait3A_19 : memref<640x128xf32, #tpu.memory_space<vmem_shared>>)
      tpu.yield
    }) : () -> ()
    "tpu.region"() ({
      %run_scoped3A = tpu.sem_alloc : memref<!tpu.dma_semaphore, #tpu.memory_space<semaphore_mem>>
      %dma_start3A_15 = arith.constant 0 : i32
      %dma_start3A_16 = arith.constant 0 : i32
      %dma_start3A_17 = tpu.memref_slice %arg2[%add3A, %dma_start3A_15, %dma_start3A_16] : memref<32x80x128xi32, #tpu.memory_space<hbm>> -> memref<1x80x128xi32, #tpu.memory_space<hbm>>
      %dma_start3A_18 = tpu.memref_squeeze %dma_start3A_17 : memref<1x80x128xi32, #tpu.memory_space<hbm>> -> memref<80x128xi32, #tpu.memory_space<hbm>>
      %dma_start3A_19 = arith.constant 0 : i32
      %dma_start3A_20 = arith.constant 0 : i32
      %dma_start3A_21 = tpu.memref_slice %arg2[%add3A, %dma_start3A_19, %dma_start3A_20] : memref<32x80x128xi32, #tpu.memory_space<hbm>> -> memref<1x80x128xi32, #tpu.memory_space<hbm>>
      %dma_start3A_22 = tpu.memref_squeeze %dma_start3A_21 : memref<1x80x128xi32, #tpu.memory_space<hbm>> -> memref<80x128xi32, #tpu.memory_space<hbm>>
      tpu.enqueue_dma source(%dma_start3A_22 : memref<80x128xi32, #tpu.memory_space<hbm>>) target(%arg7 : memref<80x128xi32, #tpu.memory_space<vmem>>) target_semaphore(%run_scoped3A : memref<!tpu.dma_semaphore, #tpu.memory_space<semaphore_mem>>)
      %dma_wait3A = arith.constant 0 : i32
      %dma_wait3A_23 = arith.constant 0 : i32
      %dma_wait3A_24 = tpu.memref_slice %arg2[%add3A, %dma_wait3A, %dma_wait3A_23] : memref<32x80x128xi32, #tpu.memory_space<hbm>> -> memref<1x80x128xi32, #tpu.memory_space<hbm>>
      %dma_wait3A_25 = tpu.memref_squeeze %dma_wait3A_24 : memref<1x80x128xi32, #tpu.memory_space<hbm>> -> memref<80x128xi32, #tpu.memory_space<hbm>>
      %dma_wait3A_26 = arith.constant 0 : i32
      %dma_wait3A_27 = arith.constant 0 : i32
      %dma_wait3A_28 = tpu.memref_slice %arg2[%add3A, %dma_wait3A_26, %dma_wait3A_27] : memref<32x80x128xi32, #tpu.memory_space<hbm>> -> memref<1x80x128xi32, #tpu.memory_space<hbm>>
      %dma_wait3A_29 = tpu.memref_squeeze %dma_wait3A_28 : memref<1x80x128xi32, #tpu.memory_space<hbm>> -> memref<80x128xi32, #tpu.memory_space<hbm>>
      tpu.wait_dma2 semaphore(%run_scoped3A : memref<!tpu.dma_semaphore, #tpu.memory_space<semaphore_mem>>) src(%dma_wait3A_29 : memref<80x128xi32, #tpu.memory_space<hbm>>) dst(%arg7 : memref<80x128xi32, #tpu.memory_space<vmem>>)
      tpu.yield
    }) : () -> ()
    "tpu.region"() ({
      %run_scoped3A = tpu.sem_alloc : memref<!tpu.dma_semaphore, #tpu.memory_space<semaphore_mem>>
      %dma_start3A_15 = arith.constant 0 : i32
      %dma_start3A_16 = arith.constant 0 : i32
      %dma_start3A_17 = tpu.memref_slice %arg3[%add3A, %dma_start3A_15, %dma_start3A_16] : memref<32x80x128xi32, #tpu.memory_space<hbm>> -> memref<1x80x128xi32, #tpu.memory_space<hbm>>
      %dma_start3A_18 = tpu.memref_squeeze %dma_start3A_17 : memref<1x80x128xi32, #tpu.memory_space<hbm>> -> memref<80x128xi32, #tpu.memory_space<hbm>>
      %dma_start3A_19 = arith.constant 0 : i32
      %dma_start3A_20 = arith.constant 0 : i32
      %dma_start3A_21 = tpu.memref_slice %arg3[%add3A, %dma_start3A_19, %dma_start3A_20] : memref<32x80x128xi32, #tpu.memory_space<hbm>> -> memref<1x80x128xi32, #tpu.memory_space<hbm>>
      %dma_start3A_22 = tpu.memref_squeeze %dma_start3A_21 : memref<1x80x128xi32, #tpu.memory_space<hbm>> -> memref<80x128xi32, #tpu.memory_space<hbm>>
      tpu.enqueue_dma source(%dma_start3A_22 : memref<80x128xi32, #tpu.memory_space<hbm>>) target(%arg8 : memref<80x128xi32, #tpu.memory_space<vmem>>) target_semaphore(%run_scoped3A : memref<!tpu.dma_semaphore, #tpu.memory_space<semaphore_mem>>)
      %dma_wait3A = arith.constant 0 : i32
      %dma_wait3A_23 = arith.constant 0 : i32
      %dma_wait3A_24 = tpu.memref_slice %arg3[%add3A, %dma_wait3A, %dma_wait3A_23] : memref<32x80x128xi32, #tpu.memory_space<hbm>> -> memref<1x80x128xi32, #tpu.memory_space<hbm>>
      %dma_wait3A_25 = tpu.memref_squeeze %dma_wait3A_24 : memref<1x80x128xi32, #tpu.memory_space<hbm>> -> memref<80x128xi32, #tpu.memory_space<hbm>>
      %dma_wait3A_26 = arith.constant 0 : i32
      %dma_wait3A_27 = arith.constant 0 : i32
      %dma_wait3A_28 = tpu.memref_slice %arg3[%add3A, %dma_wait3A_26, %dma_wait3A_27] : memref<32x80x128xi32, #tpu.memory_space<hbm>> -> memref<1x80x128xi32, #tpu.memory_space<hbm>>
      %dma_wait3A_29 = tpu.memref_squeeze %dma_wait3A_28 : memref<1x80x128xi32, #tpu.memory_space<hbm>> -> memref<80x128xi32, #tpu.memory_space<hbm>>
      tpu.wait_dma2 semaphore(%run_scoped3A : memref<!tpu.dma_semaphore, #tpu.memory_space<semaphore_mem>>) src(%dma_wait3A_29 : memref<80x128xi32, #tpu.memory_space<hbm>>) dst(%arg8 : memref<80x128xi32, #tpu.memory_space<vmem>>)
      tpu.yield
    }) : () -> ()
    %barrier3A = arith.constant 0 : index
    tpu.barrier barrier_id(%barrier3A)
    %dma_start3A = arith.constant 0 : i32
    %dma_start3A_3 = arith.constant 0 : i32
    %dma_start3A_4 = tpu.memref_slice %arg7[%dma_start3A, %dma_start3A_3] : memref<80x128xi32, #tpu.memory_space<vmem>> -> memref<1x128xi32, #tpu.memory_space<vmem>>
    %dma_start3A_5 = tpu.memref_squeeze %dma_start3A_4 : memref<1x128xi32, #tpu.memory_space<vmem>> -> memref<128xi32, #tpu.memory_space<vmem>>
    %dma_start3A_6 = arith.constant 0 : i32
    %dma_start3A_7 = arith.constant 0 : i32
    %dma_start3A_8 = tpu.memref_slice %arg4[%dma_start3A_6, %dma_start3A_7] : memref<10240x128xf32, #tpu.memory_space<hbm>> -> memref<10240x128xf32, #tpu.memory_space<hbm>>
    tpu.enqueue_indirect_dma source(%dma_start3A_8 : memref<10240x128xf32, #tpu.memory_space<hbm>>) target(%arg9 : memref<128x128xf32, #tpu.memory_space<vmem>>) offsets(%dma_start3A_5 : memref<128xi32, #tpu.memory_space<vmem>>) semaphore(%arg11 : memref<!tpu.dma_semaphore, #tpu.memory_space<semaphore_mem>>)
    %scan3A = arith.constant 0 : i32
    %scan3A_9 = arith.constant 0 : i32
    %scan3A_10 = arith.constant 80 : i32
    %scan3A_11 = arith.addi %scan3A_9, %scan3A_10 : i32
    %scan3A_12 = arith.constant 1 : i32
    scf.for %scan3A_15 = %scan3A_9 to %scan3A_11 step %scan3A_12  : i32 {
      %dma_wait3A = arith.constant 0 : i32
      %dma_wait3A_16 = tpu.memref_slice %arg7[%scan3A_15, %dma_wait3A] : memref<80x128xi32, #tpu.memory_space<vmem>> -> memref<1x128xi32, #tpu.memory_space<vmem>>
      %dma_wait3A_17 = tpu.memref_squeeze %dma_wait3A_16 : memref<1x128xi32, #tpu.memory_space<vmem>> -> memref<128xi32, #tpu.memory_space<vmem>>
      %dma_wait3A_18 = arith.constant 0 : i32
      %dma_wait3A_19 = arith.constant 0 : i32
      %dma_wait3A_20 = tpu.memref_slice %arg4[%dma_wait3A_18, %dma_wait3A_19] : memref<10240x128xf32, #tpu.memory_space<hbm>> -> memref<10240x128xf32, #tpu.memory_space<hbm>>
      tpu.wait_indirect_dma semaphore(%arg11 : memref<!tpu.dma_semaphore, #tpu.memory_space<semaphore_mem>>) src(%dma_wait3A_20 : memref<10240x128xf32, #tpu.memory_space<hbm>>) dst(%arg9 : memref<128x128xf32, #tpu.memory_space<vmem>>)
      %dma_start3A_21 = arith.constant 0 : i32
      %dma_start3A_22 = tpu.memref_slice %arg8[%scan3A_15, %dma_start3A_21] : memref<80x128xi32, #tpu.memory_space<vmem>> -> memref<1x128xi32, #tpu.memory_space<vmem>>
      %dma_start3A_23 = tpu.memref_squeeze %dma_start3A_22 : memref<1x128xi32, #tpu.memory_space<vmem>> -> memref<128xi32, #tpu.memory_space<vmem>>
      %dma_start3A_24 = arith.constant 0 : i32
      %dma_start3A_25 = arith.constant 0 : i32
      %dma_start3A_26 = tpu.memref_slice %arg10[%dma_start3A_24, %dma_start3A_25] : memref<10240x128xf32, #tpu.memory_space<vmem_shared>> -> memref<10240x128xf32, #tpu.memory_space<vmem_shared>>
      tpu.enqueue_indirect_dma source(%arg9 : memref<128x128xf32, #tpu.memory_space<vmem>>) target(%dma_start3A_26 : memref<10240x128xf32, #tpu.memory_space<vmem_shared>>) offsets(%dma_start3A_23 : memref<128xi32, #tpu.memory_space<vmem>>) semaphore(%arg12 : memref<!tpu.dma_semaphore, #tpu.memory_space<semaphore_mem>>) {add = true}
      %dma_wait3A_27 = arith.constant 0 : i32
      %dma_wait3A_28 = tpu.memref_slice %arg8[%scan3A_15, %dma_wait3A_27] : memref<80x128xi32, #tpu.memory_space<vmem>> -> memref<1x128xi32, #tpu.memory_space<vmem>>
      %dma_wait3A_29 = tpu.memref_squeeze %dma_wait3A_28 : memref<1x128xi32, #tpu.memory_space<vmem>> -> memref<128xi32, #tpu.memory_space<vmem>>
      %dma_wait3A_30 = arith.constant 0 : i32
      %dma_wait3A_31 = arith.constant 0 : i32
      %dma_wait3A_32 = tpu.memref_slice %arg10[%dma_wait3A_30, %dma_wait3A_31] : memref<10240x128xf32, #tpu.memory_space<vmem_shared>> -> memref<10240x128xf32, #tpu.memory_space<vmem_shared>>
      tpu.wait_indirect_dma semaphore(%arg12 : memref<!tpu.dma_semaphore, #tpu.memory_space<semaphore_mem>>) src(%arg9 : memref<128x128xf32, #tpu.memory_space<vmem>>) dst(%dma_wait3A_32 : memref<10240x128xf32, #tpu.memory_space<vmem_shared>>)
      %add3A_33 = arith.constant 1 : i32
      %add3A_34 = arith.addi %scan3A_15, %add3A_33 : i32
      %lt3A = arith.constant 80 : i32
      %lt3A_35 = arith.cmpi slt, %add3A_34, %lt3A : i32
      %convert_element_type3A = arith.extui %lt3A_35 : i1 to i32
      %cond3A = arith.constant 0 : i32
      %cond3A_36 = arith.cmpi ne, %convert_element_type3A, %cond3A : i32
      scf.if %cond3A_36 {
        %add3A_37 = arith.constant 1 : i32
        %add3A_38 = arith.addi %scan3A_15, %add3A_37 : i32
        %dma_start3A_39 = arith.constant 0 : i32
        %dma_start3A_40 = tpu.memref_slice %arg7[%add3A_38, %dma_start3A_39] : memref<80x128xi32, #tpu.memory_space<vmem>> -> memref<1x128xi32, #tpu.memory_space<vmem>>
        %dma_start3A_41 = tpu.memref_squeeze %dma_start3A_40 : memref<1x128xi32, #tpu.memory_space<vmem>> -> memref<128xi32, #tpu.memory_space<vmem>>
        %dma_start3A_42 = arith.constant 0 : i32
        %dma_start3A_43 = arith.constant 0 : i32
        %dma_start3A_44 = tpu.memref_slice %arg4[%dma_start3A_42, %dma_start3A_43] : memref<10240x128xf32, #tpu.memory_space<hbm>> -> memref<10240x128xf32, #tpu.memory_space<hbm>>
        tpu.enqueue_indirect_dma source(%dma_start3A_44 : memref<10240x128xf32, #tpu.memory_space<hbm>>) target(%arg9 : memref<128x128xf32, #tpu.memory_space<vmem>>) offsets(%dma_start3A_41 : memref<128xi32, #tpu.memory_space<vmem>>) semaphore(%arg11 : memref<!tpu.dma_semaphore, #tpu.memory_space<semaphore_mem>>)
      } else {
      }
    }
    %scan3A_13 = arith.constant 80 : i32
    %barrier3A_14 = arith.constant 0 : index
    tpu.barrier barrier_id(%barrier3A_14)
    "tpu.region"() ({
      %run_scoped3A = tpu.sem_alloc : memref<!tpu.dma_semaphore, #tpu.memory_space<semaphore_mem>>
      %dma_start3A_15 = arith.constant 0 : i32
      %dma_start3A_16 = arith.constant 0 : i32
      %dma_start3A_17 = tpu.memref_slice %arg6[%arg0, %dma_start3A_15, %dma_start3A_16] : memref<2x10240x128xf32, #tpu.memory_space<hbm>> -> memref<1x10240x128xf32, #tpu.memory_space<hbm>>
      %dma_start3A_18 = tpu.memref_squeeze %dma_start3A_17 : memref<1x10240x128xf32, #tpu.memory_space<hbm>> -> memref<10240x128xf32, #tpu.memory_space<hbm>>
      %dma_start3A_19 = arith.constant 0 : i32
      %dma_start3A_20 = tpu.memref_slice %dma_start3A_18[%mul3A_2, %dma_start3A_19] : memref<10240x128xf32, #tpu.memory_space<hbm>> -> memref<640x128xf32, #tpu.memory_space<hbm>>
      %dma_start3A_21 = arith.constant 0 : i32
      %dma_start3A_22 = tpu.memref_slice %arg10[%mul3A_2, %dma_start3A_21] : memref<10240x128xf32, #tpu.memory_space<vmem_shared>> -> memref<640x128xf32, #tpu.memory_space<vmem_shared>>
      tpu.enqueue_dma source(%dma_start3A_22 : memref<640x128xf32, #tpu.memory_space<vmem_shared>>) target(%dma_start3A_20 : memref<640x128xf32, #tpu.memory_space<hbm>>) target_semaphore(%run_scoped3A : memref<!tpu.dma_semaphore, #tpu.memory_space<semaphore_mem>>)
      %dma_wait3A = arith.constant 0 : i32
      %dma_wait3A_23 = arith.constant 0 : i32
      %dma_wait3A_24 = tpu.memref_slice %arg6[%arg0, %dma_wait3A, %dma_wait3A_23] : memref<2x10240x128xf32, #tpu.memory_space<hbm>> -> memref<1x10240x128xf32, #tpu.memory_space<hbm>>
      %dma_wait3A_25 = tpu.memref_squeeze %dma_wait3A_24 : memref<1x10240x128xf32, #tpu.memory_space<hbm>> -> memref<10240x128xf32, #tpu.memory_space<hbm>>
      %dma_wait3A_26 = arith.constant 0 : i32
      %dma_wait3A_27 = tpu.memref_slice %dma_wait3A_25[%mul3A_2, %dma_wait3A_26] : memref<10240x128xf32, #tpu.memory_space<hbm>> -> memref<640x128xf32, #tpu.memory_space<hbm>>
      %dma_wait3A_28 = arith.constant 0 : i32
      %dma_wait3A_29 = tpu.memref_slice %arg10[%mul3A_2, %dma_wait3A_28] : memref<10240x128xf32, #tpu.memory_space<vmem_shared>> -> memref<640x128xf32, #tpu.memory_space<vmem_shared>>
      tpu.wait_dma2 semaphore(%run_scoped3A : memref<!tpu.dma_semaphore, #tpu.memory_space<semaphore_mem>>) src(%dma_wait3A_29 : memref<640x128xf32, #tpu.memory_space<vmem_shared>>) dst(%dma_wait3A_27 : memref<640x128xf32, #tpu.memory_space<hbm>>)
      tpu.yield
    }) : () -> ()
    return
  }
}

#map = affine_map<(d0, d1) -> (0, 0, 0)>
#map1 = affine_map<(d0, d1) -> (0)>
#map2 = affine_map<(d0, d1) -> (0, 0)>
module attributes {stable_mosaic.version = 14 : i64} {
  func.func @k(%arg0: i32, %arg1: i32, %arg2: memref<32x80x128xi32, #tpu.memory_space<hbm>>, %arg3: memref<32x80x128xi32, #tpu.memory_space<hbm>>, %arg4: memref<10240xf32, #tpu.memory_space<hbm>>, %arg5: memref<10240xf32, #tpu.memory_space<hbm>>, %arg6: memref<32x10240xf32, #tpu.memory_space<hbm>>, %arg7: memref<80x128xi32, #tpu.memory_space<vmem>>, %arg8: memref<80x128xi32, #tpu.memory_space<vmem>>, %arg9: memref<10240xf32, #tpu.memory_space<vmem>>, %arg10: memref<10240xf32, #tpu.memory_space<vmem>>) attributes {dimension_semantics = [#tpu.dimension_semantics<core_parallel>, #tpu.dimension_semantics<subcore_parallel>], iteration_bounds = array<i64: 2, 16>, scalar_prefetch = 0 : i64, scratch_operands = 4 : i64, tpu.core_type = #tpu.core_type<sc_vector_subcore>, window_params = [{transform_indices = #map}, {transform_indices = #map}, {transform_indices = #map1}, {transform_indices = #map1}, {transform_indices = #map2}]} {
    %mul3A = arith.constant 2 : i32
    %mul3A_0 = arith.muli %arg1, %mul3A : i32
    %add3A = arith.addi %mul3A_0, %arg0 : i32
    "tpu.region"() ({
      %run_scoped3A = tpu.sem_alloc : memref<!tpu.dma_semaphore, #tpu.memory_space<semaphore_mem>>
      tpu.enqueue_dma source(%arg5 : memref<10240xf32, #tpu.memory_space<hbm>>) target(%arg10 : memref<10240xf32, #tpu.memory_space<vmem>>) target_semaphore(%run_scoped3A : memref<!tpu.dma_semaphore, #tpu.memory_space<semaphore_mem>>)
      tpu.wait_dma2 semaphore(%run_scoped3A : memref<!tpu.dma_semaphore, #tpu.memory_space<semaphore_mem>>) src(%arg5 : memref<10240xf32, #tpu.memory_space<hbm>>) dst(%arg10 : memref<10240xf32, #tpu.memory_space<vmem>>)
      tpu.yield
    }) : () -> ()
    "tpu.region"() ({
      %run_scoped3A = tpu.sem_alloc : memref<!tpu.dma_semaphore, #tpu.memory_space<semaphore_mem>>
      tpu.enqueue_dma source(%arg4 : memref<10240xf32, #tpu.memory_space<hbm>>) target(%arg9 : memref<10240xf32, #tpu.memory_space<vmem>>) target_semaphore(%run_scoped3A : memref<!tpu.dma_semaphore, #tpu.memory_space<semaphore_mem>>)
      tpu.wait_dma2 semaphore(%run_scoped3A : memref<!tpu.dma_semaphore, #tpu.memory_space<semaphore_mem>>) src(%arg4 : memref<10240xf32, #tpu.memory_space<hbm>>) dst(%arg9 : memref<10240xf32, #tpu.memory_space<vmem>>)
      tpu.yield
    }) : () -> ()
    "tpu.region"() ({
      %run_scoped3A = tpu.sem_alloc : memref<!tpu.dma_semaphore, #tpu.memory_space<semaphore_mem>>
      %dma_start3A = arith.constant 0 : i32
      %dma_start3A_6 = arith.constant 0 : i32
      %dma_start3A_7 = tpu.memref_slice %arg2[%add3A, %dma_start3A, %dma_start3A_6] : memref<32x80x128xi32, #tpu.memory_space<hbm>> -> memref<1x80x128xi32, #tpu.memory_space<hbm>>
      %dma_start3A_8 = tpu.memref_squeeze %dma_start3A_7 : memref<1x80x128xi32, #tpu.memory_space<hbm>> -> memref<80x128xi32, #tpu.memory_space<hbm>>
      %dma_start3A_9 = arith.constant 0 : i32
      %dma_start3A_10 = arith.constant 0 : i32
      %dma_start3A_11 = tpu.memref_slice %arg2[%add3A, %dma_start3A_9, %dma_start3A_10] : memref<32x80x128xi32, #tpu.memory_space<hbm>> -> memref<1x80x128xi32, #tpu.memory_space<hbm>>
      %dma_start3A_12 = tpu.memref_squeeze %dma_start3A_11 : memref<1x80x128xi32, #tpu.memory_space<hbm>> -> memref<80x128xi32, #tpu.memory_space<hbm>>
      tpu.enqueue_dma source(%dma_start3A_12 : memref<80x128xi32, #tpu.memory_space<hbm>>) target(%arg7 : memref<80x128xi32, #tpu.memory_space<vmem>>) target_semaphore(%run_scoped3A : memref<!tpu.dma_semaphore, #tpu.memory_space<semaphore_mem>>)
      %dma_wait3A = arith.constant 0 : i32
      %dma_wait3A_13 = arith.constant 0 : i32
      %dma_wait3A_14 = tpu.memref_slice %arg2[%add3A, %dma_wait3A, %dma_wait3A_13] : memref<32x80x128xi32, #tpu.memory_space<hbm>> -> memref<1x80x128xi32, #tpu.memory_space<hbm>>
      %dma_wait3A_15 = tpu.memref_squeeze %dma_wait3A_14 : memref<1x80x128xi32, #tpu.memory_space<hbm>> -> memref<80x128xi32, #tpu.memory_space<hbm>>
      %dma_wait3A_16 = arith.constant 0 : i32
      %dma_wait3A_17 = arith.constant 0 : i32
      %dma_wait3A_18 = tpu.memref_slice %arg2[%add3A, %dma_wait3A_16, %dma_wait3A_17] : memref<32x80x128xi32, #tpu.memory_space<hbm>> -> memref<1x80x128xi32, #tpu.memory_space<hbm>>
      %dma_wait3A_19 = tpu.memref_squeeze %dma_wait3A_18 : memref<1x80x128xi32, #tpu.memory_space<hbm>> -> memref<80x128xi32, #tpu.memory_space<hbm>>
      tpu.wait_dma2 semaphore(%run_scoped3A : memref<!tpu.dma_semaphore, #tpu.memory_space<semaphore_mem>>) src(%dma_wait3A_19 : memref<80x128xi32, #tpu.memory_space<hbm>>) dst(%arg7 : memref<80x128xi32, #tpu.memory_space<vmem>>)
      tpu.yield
    }) : () -> ()
    "tpu.region"() ({
      %run_scoped3A = tpu.sem_alloc : memref<!tpu.dma_semaphore, #tpu.memory_space<semaphore_mem>>
      %dma_start3A = arith.constant 0 : i32
      %dma_start3A_6 = arith.constant 0 : i32
      %dma_start3A_7 = tpu.memref_slice %arg3[%add3A, %dma_start3A, %dma_start3A_6] : memref<32x80x128xi32, #tpu.memory_space<hbm>> -> memref<1x80x128xi32, #tpu.memory_space<hbm>>
      %dma_start3A_8 = tpu.memref_squeeze %dma_start3A_7 : memref<1x80x128xi32, #tpu.memory_space<hbm>> -> memref<80x128xi32, #tpu.memory_space<hbm>>
      %dma_start3A_9 = arith.constant 0 : i32
      %dma_start3A_10 = arith.constant 0 : i32
      %dma_start3A_11 = tpu.memref_slice %arg3[%add3A, %dma_start3A_9, %dma_start3A_10] : memref<32x80x128xi32, #tpu.memory_space<hbm>> -> memref<1x80x128xi32, #tpu.memory_space<hbm>>
      %dma_start3A_12 = tpu.memref_squeeze %dma_start3A_11 : memref<1x80x128xi32, #tpu.memory_space<hbm>> -> memref<80x128xi32, #tpu.memory_space<hbm>>
      tpu.enqueue_dma source(%dma_start3A_12 : memref<80x128xi32, #tpu.memory_space<hbm>>) target(%arg8 : memref<80x128xi32, #tpu.memory_space<vmem>>) target_semaphore(%run_scoped3A : memref<!tpu.dma_semaphore, #tpu.memory_space<semaphore_mem>>)
      %dma_wait3A = arith.constant 0 : i32
      %dma_wait3A_13 = arith.constant 0 : i32
      %dma_wait3A_14 = tpu.memref_slice %arg3[%add3A, %dma_wait3A, %dma_wait3A_13] : memref<32x80x128xi32, #tpu.memory_space<hbm>> -> memref<1x80x128xi32, #tpu.memory_space<hbm>>
      %dma_wait3A_15 = tpu.memref_squeeze %dma_wait3A_14 : memref<1x80x128xi32, #tpu.memory_space<hbm>> -> memref<80x128xi32, #tpu.memory_space<hbm>>
      %dma_wait3A_16 = arith.constant 0 : i32
      %dma_wait3A_17 = arith.constant 0 : i32
      %dma_wait3A_18 = tpu.memref_slice %arg3[%add3A, %dma_wait3A_16, %dma_wait3A_17] : memref<32x80x128xi32, #tpu.memory_space<hbm>> -> memref<1x80x128xi32, #tpu.memory_space<hbm>>
      %dma_wait3A_19 = tpu.memref_squeeze %dma_wait3A_18 : memref<1x80x128xi32, #tpu.memory_space<hbm>> -> memref<80x128xi32, #tpu.memory_space<hbm>>
      tpu.wait_dma2 semaphore(%run_scoped3A : memref<!tpu.dma_semaphore, #tpu.memory_space<semaphore_mem>>) src(%dma_wait3A_19 : memref<80x128xi32, #tpu.memory_space<hbm>>) dst(%arg8 : memref<80x128xi32, #tpu.memory_space<vmem>>)
      tpu.yield
    }) : () -> ()
    %scan3A = arith.constant 0 : i32
    %scan3A_1 = arith.constant 0 : i32
    %scan3A_2 = arith.constant 80 : i32
    %scan3A_3 = arith.addi %scan3A_1, %scan3A_2 : i32
    %scan3A_4 = arith.constant 1 : i32
    scf.for %scan3A_6 = %scan3A_1 to %scan3A_3 step %scan3A_4  : i32 {
      %get3A = arith.index_cast %scan3A_6 : i32 to index
      %get3A_7 = arith.constant 0 : index
      %get3A_8 = tpu.vector_load %arg7[%get3A, %get3A_7] {strides = array<i32>} : memref<80x128xi32, #tpu.memory_space<vmem>>, vector<16xi32>,
      %get3A_9 = arith.index_cast %scan3A_6 : i32 to index
      %get3A_10 = arith.constant 0 : index
      %get3A_11 = tpu.vector_load %arg8[%get3A_9, %get3A_10] {strides = array<i32>} : memref<80x128xi32, #tpu.memory_space<vmem>>, vector<16xi32>,
      %gather3A = tpu.vector_load_idx %arg9[%get3A_8] : memref<10240xf32, #tpu.memory_space<vmem>>[vector<16xi32>], vector<16xf32>,
      tpu.vector_store_idx %arg10[%get3A_11], %gather3A {add = true} : memref<10240xf32, #tpu.memory_space<vmem>>[vector<16xi32>], vector<16xf32>,
      %get3A_12 = arith.index_cast %scan3A_6 : i32 to index
      %get3A_13 = arith.constant 16 : index
      %get3A_14 = tpu.vector_load %arg7[%get3A_12, %get3A_13] {strides = array<i32>} : memref<80x128xi32, #tpu.memory_space<vmem>>, vector<16xi32>,
      %get3A_15 = arith.index_cast %scan3A_6 : i32 to index
      %get3A_16 = arith.constant 16 : index
      %get3A_17 = tpu.vector_load %arg8[%get3A_15, %get3A_16] {strides = array<i32>} : memref<80x128xi32, #tpu.memory_space<vmem>>, vector<16xi32>,
      %gather3A_18 = tpu.vector_load_idx %arg9[%get3A_14] : memref<10240xf32, #tpu.memory_space<vmem>>[vector<16xi32>], vector<16xf32>,
      tpu.vector_store_idx %arg10[%get3A_17], %gather3A_18 {add = true} : memref<10240xf32, #tpu.memory_space<vmem>>[vector<16xi32>], vector<16xf32>,
      %get3A_19 = arith.index_cast %scan3A_6 : i32 to index
      %get3A_20 = arith.constant 32 : index
      %get3A_21 = tpu.vector_load %arg7[%get3A_19, %get3A_20] {strides = array<i32>} : memref<80x128xi32, #tpu.memory_space<vmem>>, vector<16xi32>,
      %get3A_22 = arith.index_cast %scan3A_6 : i32 to index
      %get3A_23 = arith.constant 32 : index
      %get3A_24 = tpu.vector_load %arg8[%get3A_22, %get3A_23] {strides = array<i32>} : memref<80x128xi32, #tpu.memory_space<vmem>>, vector<16xi32>,
      %gather3A_25 = tpu.vector_load_idx %arg9[%get3A_21] : memref<10240xf32, #tpu.memory_space<vmem>>[vector<16xi32>], vector<16xf32>,
      tpu.vector_store_idx %arg10[%get3A_24], %gather3A_25 {add = true} : memref<10240xf32, #tpu.memory_space<vmem>>[vector<16xi32>], vector<16xf32>,
      %get3A_26 = arith.index_cast %scan3A_6 : i32 to index
      %get3A_27 = arith.constant 48 : index
      %get3A_28 = tpu.vector_load %arg7[%get3A_26, %get3A_27] {strides = array<i32>} : memref<80x128xi32, #tpu.memory_space<vmem>>, vector<16xi32>,
      %get3A_29 = arith.index_cast %scan3A_6 : i32 to index
      %get3A_30 = arith.constant 48 : index
      %get3A_31 = tpu.vector_load %arg8[%get3A_29, %get3A_30] {strides = array<i32>} : memref<80x128xi32, #tpu.memory_space<vmem>>, vector<16xi32>,
      %gather3A_32 = tpu.vector_load_idx %arg9[%get3A_28] : memref<10240xf32, #tpu.memory_space<vmem>>[vector<16xi32>], vector<16xf32>,
      tpu.vector_store_idx %arg10[%get3A_31], %gather3A_32 {add = true} : memref<10240xf32, #tpu.memory_space<vmem>>[vector<16xi32>], vector<16xf32>,
      %get3A_33 = arith.index_cast %scan3A_6 : i32 to index
      %get3A_34 = arith.constant 64 : index
      %get3A_35 = tpu.vector_load %arg7[%get3A_33, %get3A_34] {strides = array<i32>} : memref<80x128xi32, #tpu.memory_space<vmem>>, vector<16xi32>,
      %get3A_36 = arith.index_cast %scan3A_6 : i32 to index
      %get3A_37 = arith.constant 64 : index
      %get3A_38 = tpu.vector_load %arg8[%get3A_36, %get3A_37] {strides = array<i32>} : memref<80x128xi32, #tpu.memory_space<vmem>>, vector<16xi32>,
      %gather3A_39 = tpu.vector_load_idx %arg9[%get3A_35] : memref<10240xf32, #tpu.memory_space<vmem>>[vector<16xi32>], vector<16xf32>,
      tpu.vector_store_idx %arg10[%get3A_38], %gather3A_39 {add = true} : memref<10240xf32, #tpu.memory_space<vmem>>[vector<16xi32>], vector<16xf32>,
      %get3A_40 = arith.index_cast %scan3A_6 : i32 to index
      %get3A_41 = arith.constant 80 : index
      %get3A_42 = tpu.vector_load %arg7[%get3A_40, %get3A_41] {strides = array<i32>} : memref<80x128xi32, #tpu.memory_space<vmem>>, vector<16xi32>,
      %get3A_43 = arith.index_cast %scan3A_6 : i32 to index
      %get3A_44 = arith.constant 80 : index
      %get3A_45 = tpu.vector_load %arg8[%get3A_43, %get3A_44] {strides = array<i32>} : memref<80x128xi32, #tpu.memory_space<vmem>>, vector<16xi32>,
      %gather3A_46 = tpu.vector_load_idx %arg9[%get3A_42] : memref<10240xf32, #tpu.memory_space<vmem>>[vector<16xi32>], vector<16xf32>,
      tpu.vector_store_idx %arg10[%get3A_45], %gather3A_46 {add = true} : memref<10240xf32, #tpu.memory_space<vmem>>[vector<16xi32>], vector<16xf32>,
      %get3A_47 = arith.index_cast %scan3A_6 : i32 to index
      %get3A_48 = arith.constant 96 : index
      %get3A_49 = tpu.vector_load %arg7[%get3A_47, %get3A_48] {strides = array<i32>} : memref<80x128xi32, #tpu.memory_space<vmem>>, vector<16xi32>,
      %get3A_50 = arith.index_cast %scan3A_6 : i32 to index
      %get3A_51 = arith.constant 96 : index
      %get3A_52 = tpu.vector_load %arg8[%get3A_50, %get3A_51] {strides = array<i32>} : memref<80x128xi32, #tpu.memory_space<vmem>>, vector<16xi32>,
      %gather3A_53 = tpu.vector_load_idx %arg9[%get3A_49] : memref<10240xf32, #tpu.memory_space<vmem>>[vector<16xi32>], vector<16xf32>,
      tpu.vector_store_idx %arg10[%get3A_52], %gather3A_53 {add = true} : memref<10240xf32, #tpu.memory_space<vmem>>[vector<16xi32>], vector<16xf32>,
      %get3A_54 = arith.index_cast %scan3A_6 : i32 to index
      %get3A_55 = arith.constant 112 : index
      %get3A_56 = tpu.vector_load %arg7[%get3A_54, %get3A_55] {strides = array<i32>} : memref<80x128xi32, #tpu.memory_space<vmem>>, vector<16xi32>,
      %get3A_57 = arith.index_cast %scan3A_6 : i32 to index
      %get3A_58 = arith.constant 112 : index
      %get3A_59 = tpu.vector_load %arg8[%get3A_57, %get3A_58] {strides = array<i32>} : memref<80x128xi32, #tpu.memory_space<vmem>>, vector<16xi32>,
      %gather3A_60 = tpu.vector_load_idx %arg9[%get3A_56] : memref<10240xf32, #tpu.memory_space<vmem>>[vector<16xi32>], vector<16xf32>,
      tpu.vector_store_idx %arg10[%get3A_59], %gather3A_60 {add = true} : memref<10240xf32, #tpu.memory_space<vmem>>[vector<16xi32>], vector<16xf32>,
    }
    %scan3A_5 = arith.constant 80 : i32
    "tpu.region"() ({
      %run_scoped3A = tpu.sem_alloc : memref<!tpu.dma_semaphore, #tpu.memory_space<semaphore_mem>>
      %dma_start3A = arith.constant 0 : i32
      %dma_start3A_6 = tpu.memref_slice %arg6[%add3A, %dma_start3A] : memref<32x10240xf32, #tpu.memory_space<hbm>> -> memref<1x10240xf32, #tpu.memory_space<hbm>>
      %dma_start3A_7 = tpu.memref_squeeze %dma_start3A_6 : memref<1x10240xf32, #tpu.memory_space<hbm>> -> memref<10240xf32, #tpu.memory_space<hbm>>
      %dma_start3A_8 = arith.constant 0 : i32
      %dma_start3A_9 = tpu.memref_slice %arg6[%add3A, %dma_start3A_8] : memref<32x10240xf32, #tpu.memory_space<hbm>> -> memref<1x10240xf32, #tpu.memory_space<hbm>>
      %dma_start3A_10 = tpu.memref_squeeze %dma_start3A_9 : memref<1x10240xf32, #tpu.memory_space<hbm>> -> memref<10240xf32, #tpu.memory_space<hbm>>
      tpu.enqueue_dma source(%arg10 : memref<10240xf32, #tpu.memory_space<vmem>>) target(%dma_start3A_10 : memref<10240xf32, #tpu.memory_space<hbm>>) target_semaphore(%run_scoped3A : memref<!tpu.dma_semaphore, #tpu.memory_space<semaphore_mem>>)
      %dma_wait3A = arith.constant 0 : i32
      %dma_wait3A_11 = tpu.memref_slice %arg6[%add3A, %dma_wait3A] : memref<32x10240xf32, #tpu.memory_space<hbm>> -> memref<1x10240xf32, #tpu.memory_space<hbm>>
      %dma_wait3A_12 = tpu.memref_squeeze %dma_wait3A_11 : memref<1x10240xf32, #tpu.memory_space<hbm>> -> memref<10240xf32, #tpu.memory_space<hbm>>
      %dma_wait3A_13 = arith.constant 0 : i32
      %dma_wait3A_14 = tpu.memref_slice %arg6[%add3A, %dma_wait3A_13] : memref<32x10240xf32, #tpu.memory_space<hbm>> -> memref<1x10240xf32, #tpu.memory_space<hbm>>
      %dma_wait3A_15 = tpu.memref_squeeze %dma_wait3A_14 : memref<1x10240xf32, #tpu.memory_space<hbm>> -> memref<10240xf32, #tpu.memory_space<hbm>>
      tpu.wait_dma2 semaphore(%run_scoped3A : memref<!tpu.dma_semaphore, #tpu.memory_space<semaphore_mem>>) src(%arg10 : memref<10240xf32, #tpu.memory_space<vmem>>) dst(%dma_wait3A_15 : memref<10240xf32, #tpu.memory_space<hbm>>)
      tpu.yield
    }) : () -> ()
    return
  }
}

#map = affine_map<(d0, d1) -> (0, 0, 0)>
#map1 = affine_map<(d0, d1) -> (0)>
#map2 = affine_map<(d0, d1) -> (0, 0)>
module attributes {stable_mosaic.version = 14 : i64} {
  func.func @k(%arg0: i32, %arg1: i32, %arg2: memref<32x80x128xi32, #tpu.memory_space<hbm>>, %arg3: memref<32x80x128xi32, #tpu.memory_space<hbm>>, %arg4: memref<10240xf32, #tpu.memory_space<hbm>>, %arg5: memref<10240xf32, #tpu.memory_space<hbm>>, %arg6: memref<32x10240xf32, #tpu.memory_space<hbm>>, %arg7: memref<80x128xi32, #tpu.memory_space<vmem>>, %arg8: memref<80x128xi32, #tpu.memory_space<vmem>>, %arg9: memref<10240xf32, #tpu.memory_space<vmem>>, %arg10: memref<10240xf32, #tpu.memory_space<vmem>>) attributes {dimension_semantics = [#tpu.dimension_semantics<core_parallel>, #tpu.dimension_semantics<subcore_parallel>], iteration_bounds = array<i64: 2, 16>, scalar_prefetch = 0 : i64, scratch_operands = 4 : i64, tpu.core_type = #tpu.core_type<sc_vector_subcore>, window_params = [{transform_indices = #map}, {transform_indices = #map}, {transform_indices = #map1}, {transform_indices = #map1}, {transform_indices = #map2}]} {
    %mul3A = arith.constant 2 : i32
    %mul3A_0 = arith.muli %arg1, %mul3A : i32
    %add3A = arith.addi %mul3A_0, %arg0 : i32
    "tpu.region"() ({
      %run_scoped3A = tpu.sem_alloc : memref<!tpu.dma_semaphore, #tpu.memory_space<semaphore_mem>>
      tpu.enqueue_dma source(%arg5 : memref<10240xf32, #tpu.memory_space<hbm>>) target(%arg10 : memref<10240xf32, #tpu.memory_space<vmem>>) target_semaphore(%run_scoped3A : memref<!tpu.dma_semaphore, #tpu.memory_space<semaphore_mem>>)
      tpu.wait_dma2 semaphore(%run_scoped3A : memref<!tpu.dma_semaphore, #tpu.memory_space<semaphore_mem>>) src(%arg5 : memref<10240xf32, #tpu.memory_space<hbm>>) dst(%arg10 : memref<10240xf32, #tpu.memory_space<vmem>>)
      tpu.yield
    }) : () -> ()
    "tpu.region"() ({
      %run_scoped3A = tpu.sem_alloc : memref<!tpu.dma_semaphore, #tpu.memory_space<semaphore_mem>>
      tpu.enqueue_dma source(%arg4 : memref<10240xf32, #tpu.memory_space<hbm>>) target(%arg9 : memref<10240xf32, #tpu.memory_space<vmem>>) target_semaphore(%run_scoped3A : memref<!tpu.dma_semaphore, #tpu.memory_space<semaphore_mem>>)
      tpu.wait_dma2 semaphore(%run_scoped3A : memref<!tpu.dma_semaphore, #tpu.memory_space<semaphore_mem>>) src(%arg4 : memref<10240xf32, #tpu.memory_space<hbm>>) dst(%arg9 : memref<10240xf32, #tpu.memory_space<vmem>>)
      tpu.yield
    }) : () -> ()
    "tpu.region"() ({
      %run_scoped3A = tpu.sem_alloc : memref<!tpu.dma_semaphore, #tpu.memory_space<semaphore_mem>>
      %dma_start3A = arith.constant 0 : i32
      %dma_start3A_6 = arith.constant 0 : i32
      %dma_start3A_7 = tpu.memref_slice %arg2[%add3A, %dma_start3A, %dma_start3A_6] : memref<32x80x128xi32, #tpu.memory_space<hbm>> -> memref<1x80x128xi32, #tpu.memory_space<hbm>>
      %dma_start3A_8 = tpu.memref_squeeze %dma_start3A_7 : memref<1x80x128xi32, #tpu.memory_space<hbm>> -> memref<80x128xi32, #tpu.memory_space<hbm>>
      %dma_start3A_9 = arith.constant 0 : i32
      %dma_start3A_10 = arith.constant 0 : i32
      %dma_start3A_11 = tpu.memref_slice %arg2[%add3A, %dma_start3A_9, %dma_start3A_10] : memref<32x80x128xi32, #tpu.memory_space<hbm>> -> memref<1x80x128xi32, #tpu.memory_space<hbm>>
      %dma_start3A_12 = tpu.memref_squeeze %dma_start3A_11 : memref<1x80x128xi32, #tpu.memory_space<hbm>> -> memref<80x128xi32, #tpu.memory_space<hbm>>
      tpu.enqueue_dma source(%dma_start3A_12 : memref<80x128xi32, #tpu.memory_space<hbm>>) target(%arg7 : memref<80x128xi32, #tpu.memory_space<vmem>>) target_semaphore(%run_scoped3A : memref<!tpu.dma_semaphore, #tpu.memory_space<semaphore_mem>>)
      %dma_wait3A = arith.constant 0 : i32
      %dma_wait3A_13 = arith.constant 0 : i32
      %dma_wait3A_14 = tpu.memref_slice %arg2[%add3A, %dma_wait3A, %dma_wait3A_13] : memref<32x80x128xi32, #tpu.memory_space<hbm>> -> memref<1x80x128xi32, #tpu.memory_space<hbm>>
      %dma_wait3A_15 = tpu.memref_squeeze %dma_wait3A_14 : memref<1x80x128xi32, #tpu.memory_space<hbm>> -> memref<80x128xi32, #tpu.memory_space<hbm>>
      %dma_wait3A_16 = arith.constant 0 : i32
      %dma_wait3A_17 = arith.constant 0 : i32
      %dma_wait3A_18 = tpu.memref_slice %arg2[%add3A, %dma_wait3A_16, %dma_wait3A_17] : memref<32x80x128xi32, #tpu.memory_space<hbm>> -> memref<1x80x128xi32, #tpu.memory_space<hbm>>
      %dma_wait3A_19 = tpu.memref_squeeze %dma_wait3A_18 : memref<1x80x128xi32, #tpu.memory_space<hbm>> -> memref<80x128xi32, #tpu.memory_space<hbm>>
      tpu.wait_dma2 semaphore(%run_scoped3A : memref<!tpu.dma_semaphore, #tpu.memory_space<semaphore_mem>>) src(%dma_wait3A_19 : memref<80x128xi32, #tpu.memory_space<hbm>>) dst(%arg7 : memref<80x128xi32, #tpu.memory_space<vmem>>)
      tpu.yield
    }) : () -> ()
    "tpu.region"() ({
      %run_scoped3A = tpu.sem_alloc : memref<!tpu.dma_semaphore, #tpu.memory_space<semaphore_mem>>
      %dma_start3A = arith.constant 0 : i32
      %dma_start3A_6 = arith.constant 0 : i32
      %dma_start3A_7 = tpu.memref_slice %arg3[%add3A, %dma_start3A, %dma_start3A_6] : memref<32x80x128xi32, #tpu.memory_space<hbm>> -> memref<1x80x128xi32, #tpu.memory_space<hbm>>
      %dma_start3A_8 = tpu.memref_squeeze %dma_start3A_7 : memref<1x80x128xi32, #tpu.memory_space<hbm>> -> memref<80x128xi32, #tpu.memory_space<hbm>>
      %dma_start3A_9 = arith.constant 0 : i32
      %dma_start3A_10 = arith.constant 0 : i32
      %dma_start3A_11 = tpu.memref_slice %arg3[%add3A, %dma_start3A_9, %dma_start3A_10] : memref<32x80x128xi32, #tpu.memory_space<hbm>> -> memref<1x80x128xi32, #tpu.memory_space<hbm>>
      %dma_start3A_12 = tpu.memref_squeeze %dma_start3A_11 : memref<1x80x128xi32, #tpu.memory_space<hbm>> -> memref<80x128xi32, #tpu.memory_space<hbm>>
      tpu.enqueue_dma source(%dma_start3A_12 : memref<80x128xi32, #tpu.memory_space<hbm>>) target(%arg8 : memref<80x128xi32, #tpu.memory_space<vmem>>) target_semaphore(%run_scoped3A : memref<!tpu.dma_semaphore, #tpu.memory_space<semaphore_mem>>)
      %dma_wait3A = arith.constant 0 : i32
      %dma_wait3A_13 = arith.constant 0 : i32
      %dma_wait3A_14 = tpu.memref_slice %arg3[%add3A, %dma_wait3A, %dma_wait3A_13] : memref<32x80x128xi32, #tpu.memory_space<hbm>> -> memref<1x80x128xi32, #tpu.memory_space<hbm>>
      %dma_wait3A_15 = tpu.memref_squeeze %dma_wait3A_14 : memref<1x80x128xi32, #tpu.memory_space<hbm>> -> memref<80x128xi32, #tpu.memory_space<hbm>>
      %dma_wait3A_16 = arith.constant 0 : i32
      %dma_wait3A_17 = arith.constant 0 : i32
      %dma_wait3A_18 = tpu.memref_slice %arg3[%add3A, %dma_wait3A_16, %dma_wait3A_17] : memref<32x80x128xi32, #tpu.memory_space<hbm>> -> memref<1x80x128xi32, #tpu.memory_space<hbm>>
      %dma_wait3A_19 = tpu.memref_squeeze %dma_wait3A_18 : memref<1x80x128xi32, #tpu.memory_space<hbm>> -> memref<80x128xi32, #tpu.memory_space<hbm>>
      tpu.wait_dma2 semaphore(%run_scoped3A : memref<!tpu.dma_semaphore, #tpu.memory_space<semaphore_mem>>) src(%dma_wait3A_19 : memref<80x128xi32, #tpu.memory_space<hbm>>) dst(%arg8 : memref<80x128xi32, #tpu.memory_space<vmem>>)
      tpu.yield
    }) : () -> ()
    %scan3A = arith.constant 0 : i32
    %scan3A_1 = arith.constant 0 : i32
    %scan3A_2 = arith.constant 80 : i32
    %scan3A_3 = arith.addi %scan3A_1, %scan3A_2 : i32
    %scan3A_4 = arith.constant 1 : i32
    scf.for %scan3A_6 = %scan3A_1 to %scan3A_3 step %scan3A_4  : i32 {
      %get3A = arith.index_cast %scan3A_6 : i32 to index
      %get3A_7 = arith.constant 0 : index
      %get3A_8 = tpu.vector_load %arg7[%get3A, %get3A_7] {strides = array<i32>} : memref<80x128xi32, #tpu.memory_space<vmem>>, vector<16xi32>,
      %get3A_9 = arith.index_cast %scan3A_6 : i32 to index
      %get3A_10 = arith.constant 0 : index
      %get3A_11 = tpu.vector_load %arg8[%get3A_9, %get3A_10] {strides = array<i32>} : memref<80x128xi32, #tpu.memory_space<vmem>>, vector<16xi32>,
      %gather3A = tpu.vector_load_idx %arg9[%get3A_8] : memref<10240xf32, #tpu.memory_space<vmem>>[vector<16xi32>], vector<16xf32>,
      tpu.vector_store_idx %arg10[%get3A_11], %gather3A {add = true} : memref<10240xf32, #tpu.memory_space<vmem>>[vector<16xi32>], vector<16xf32>,
      %get3A_12 = arith.index_cast %scan3A_6 : i32 to index
      %get3A_13 = arith.constant 16 : index
      %get3A_14 = tpu.vector_load %arg7[%get3A_12, %get3A_13] {strides = array<i32>} : memref<80x128xi32, #tpu.memory_space<vmem>>, vector<16xi32>,
      %get3A_15 = arith.index_cast %scan3A_6 : i32 to index
      %get3A_16 = arith.constant 16 : index
      %get3A_17 = tpu.vector_load %arg8[%get3A_15, %get3A_16] {strides = array<i32>} : memref<80x128xi32, #tpu.memory_space<vmem>>, vector<16xi32>,
      %gather3A_18 = tpu.vector_load_idx %arg9[%get3A_14] : memref<10240xf32, #tpu.memory_space<vmem>>[vector<16xi32>], vector<16xf32>,
      tpu.vector_store_idx %arg10[%get3A_17], %gather3A_18 {add = true} : memref<10240xf32, #tpu.memory_space<vmem>>[vector<16xi32>], vector<16xf32>,
      %get3A_19 = arith.index_cast %scan3A_6 : i32 to index
      %get3A_20 = arith.constant 32 : index
      %get3A_21 = tpu.vector_load %arg7[%get3A_19, %get3A_20] {strides = array<i32>} : memref<80x128xi32, #tpu.memory_space<vmem>>, vector<16xi32>,
      %get3A_22 = arith.index_cast %scan3A_6 : i32 to index
      %get3A_23 = arith.constant 32 : index
      %get3A_24 = tpu.vector_load %arg8[%get3A_22, %get3A_23] {strides = array<i32>} : memref<80x128xi32, #tpu.memory_space<vmem>>, vector<16xi32>,
      %gather3A_25 = tpu.vector_load_idx %arg9[%get3A_21] : memref<10240xf32, #tpu.memory_space<vmem>>[vector<16xi32>], vector<16xf32>,
      tpu.vector_store_idx %arg10[%get3A_24], %gather3A_25 {add = true} : memref<10240xf32, #tpu.memory_space<vmem>>[vector<16xi32>], vector<16xf32>,
      %get3A_26 = arith.index_cast %scan3A_6 : i32 to index
      %get3A_27 = arith.constant 48 : index
      %get3A_28 = tpu.vector_load %arg7[%get3A_26, %get3A_27] {strides = array<i32>} : memref<80x128xi32, #tpu.memory_space<vmem>>, vector<16xi32>,
      %get3A_29 = arith.index_cast %scan3A_6 : i32 to index
      %get3A_30 = arith.constant 48 : index
      %get3A_31 = tpu.vector_load %arg8[%get3A_29, %get3A_30] {strides = array<i32>} : memref<80x128xi32, #tpu.memory_space<vmem>>, vector<16xi32>,
      %gather3A_32 = tpu.vector_load_idx %arg9[%get3A_28] : memref<10240xf32, #tpu.memory_space<vmem>>[vector<16xi32>], vector<16xf32>,
      tpu.vector_store_idx %arg10[%get3A_31], %gather3A_32 {add = true} : memref<10240xf32, #tpu.memory_space<vmem>>[vector<16xi32>], vector<16xf32>,
      %get3A_33 = arith.index_cast %scan3A_6 : i32 to index
      %get3A_34 = arith.constant 64 : index
      %get3A_35 = tpu.vector_load %arg7[%get3A_33, %get3A_34] {strides = array<i32>} : memref<80x128xi32, #tpu.memory_space<vmem>>, vector<16xi32>,
      %get3A_36 = arith.index_cast %scan3A_6 : i32 to index
      %get3A_37 = arith.constant 64 : index
      %get3A_38 = tpu.vector_load %arg8[%get3A_36, %get3A_37] {strides = array<i32>} : memref<80x128xi32, #tpu.memory_space<vmem>>, vector<16xi32>,
      %gather3A_39 = tpu.vector_load_idx %arg9[%get3A_35] : memref<10240xf32, #tpu.memory_space<vmem>>[vector<16xi32>], vector<16xf32>,
      tpu.vector_store_idx %arg10[%get3A_38], %gather3A_39 {add = true} : memref<10240xf32, #tpu.memory_space<vmem>>[vector<16xi32>], vector<16xf32>,
      %get3A_40 = arith.index_cast %scan3A_6 : i32 to index
      %get3A_41 = arith.constant 80 : index
      %get3A_42 = tpu.vector_load %arg7[%get3A_40, %get3A_41] {strides = array<i32>} : memref<80x128xi32, #tpu.memory_space<vmem>>, vector<16xi32>,
      %get3A_43 = arith.index_cast %scan3A_6 : i32 to index
      %get3A_44 = arith.constant 80 : index
      %get3A_45 = tpu.vector_load %arg8[%get3A_43, %get3A_44] {strides = array<i32>} : memref<80x128xi32, #tpu.memory_space<vmem>>, vector<16xi32>,
      %gather3A_46 = tpu.vector_load_idx %arg9[%get3A_42] : memref<10240xf32, #tpu.memory_space<vmem>>[vector<16xi32>], vector<16xf32>,
      tpu.vector_store_idx %arg10[%get3A_45], %gather3A_46 {add = true} : memref<10240xf32, #tpu.memory_space<vmem>>[vector<16xi32>], vector<16xf32>,
      %get3A_47 = arith.index_cast %scan3A_6 : i32 to index
      %get3A_48 = arith.constant 96 : index
      %get3A_49 = tpu.vector_load %arg7[%get3A_47, %get3A_48] {strides = array<i32>} : memref<80x128xi32, #tpu.memory_space<vmem>>, vector<16xi32>,
      %get3A_50 = arith.index_cast %scan3A_6 : i32 to index
      %get3A_51 = arith.constant 96 : index
      %get3A_52 = tpu.vector_load %arg8[%get3A_50, %get3A_51] {strides = array<i32>} : memref<80x128xi32, #tpu.memory_space<vmem>>, vector<16xi32>,
      %gather3A_53 = tpu.vector_load_idx %arg9[%get3A_49] : memref<10240xf32, #tpu.memory_space<vmem>>[vector<16xi32>], vector<16xf32>,
      tpu.vector_store_idx %arg10[%get3A_52], %gather3A_53 {add = true} : memref<10240xf32, #tpu.memory_space<vmem>>[vector<16xi32>], vector<16xf32>,
      %get3A_54 = arith.index_cast %scan3A_6 : i32 to index
      %get3A_55 = arith.constant 112 : index
      %get3A_56 = tpu.vector_load %arg7[%get3A_54, %get3A_55] {strides = array<i32>} : memref<80x128xi32, #tpu.memory_space<vmem>>, vector<16xi32>,
      %get3A_57 = arith.index_cast %scan3A_6 : i32 to index
      %get3A_58 = arith.constant 112 : index
      %get3A_59 = tpu.vector_load %arg8[%get3A_57, %get3A_58] {strides = array<i32>} : memref<80x128xi32, #tpu.memory_space<vmem>>, vector<16xi32>,
      %gather3A_60 = tpu.vector_load_idx %arg9[%get3A_56] : memref<10240xf32, #tpu.memory_space<vmem>>[vector<16xi32>], vector<16xf32>,
      tpu.vector_store_idx %arg10[%get3A_59], %gather3A_60 {add = true} : memref<10240xf32, #tpu.memory_space<vmem>>[vector<16xi32>], vector<16xf32>,
    }
    %scan3A_5 = arith.constant 80 : i32
    "tpu.region"() ({
      %run_scoped3A = tpu.sem_alloc : memref<!tpu.dma_semaphore, #tpu.memory_space<semaphore_mem>>
      %dma_start3A = arith.constant 0 : i32
      %dma_start3A_6 = tpu.memref_slice %arg6[%add3A, %dma_start3A] : memref<32x10240xf32, #tpu.memory_space<hbm>> -> memref<1x10240xf32, #tpu.memory_space<hbm>>
      %dma_start3A_7 = tpu.memref_squeeze %dma_start3A_6 : memref<1x10240xf32, #tpu.memory_space<hbm>> -> memref<10240xf32, #tpu.memory_space<hbm>>
      %dma_start3A_8 = arith.constant 0 : i32
      %dma_start3A_9 = tpu.memref_slice %arg6[%add3A, %dma_start3A_8] : memref<32x10240xf32, #tpu.memory_space<hbm>> -> memref<1x10240xf32, #tpu.memory_space<hbm>>
      %dma_start3A_10 = tpu.memref_squeeze %dma_start3A_9 : memref<1x10240xf32, #tpu.memory_space<hbm>> -> memref<10240xf32, #tpu.memory_space<hbm>>
      tpu.enqueue_dma source(%arg10 : memref<10240xf32, #tpu.memory_space<vmem>>) target(%dma_start3A_10 : memref<10240xf32, #tpu.memory_space<hbm>>) target_semaphore(%run_scoped3A : memref<!tpu.dma_semaphore, #tpu.memory_space<semaphore_mem>>)
      %dma_wait3A = arith.constant 0 : i32
      %dma_wait3A_11 = tpu.memref_slice %arg6[%add3A, %dma_wait3A] : memref<32x10240xf32, #tpu.memory_space<hbm>> -> memref<1x10240xf32, #tpu.memory_space<hbm>>
      %dma_wait3A_12 = tpu.memref_squeeze %dma_wait3A_11 : memref<1x10240xf32, #tpu.memory_space<hbm>> -> memref<10240xf32, #tpu.memory_space<hbm>>
      %dma_wait3A_13 = arith.constant 0 : i32
      %dma_wait3A_14 = tpu.memref_slice %arg6[%add3A, %dma_wait3A_13] : memref<32x10240xf32, #tpu.memory_space<hbm>> -> memref<1x10240xf32, #tpu.memory_space<hbm>>
      %dma_wait3A_15 = tpu.memref_squeeze %dma_wait3A_14 : memref<1x10240xf32, #tpu.memory_space<hbm>> -> memref<10240xf32, #tpu.memory_space<hbm>>
      tpu.wait_dma2 semaphore(%run_scoped3A : memref<!tpu.dma_semaphore, #tpu.memory_space<semaphore_mem>>) src(%arg10 : memref<10240xf32, #tpu.memory_space<vmem>>) dst(%dma_wait3A_15 : memref<10240xf32, #tpu.memory_space<hbm>>)
      tpu.yield
    }) : () -> ()
    return
  }
}

#map = affine_map<(d0, d1) -> (0, 0, 0)>
#map1 = affine_map<(d0, d1) -> (0, 0)>
module attributes {stable_mosaic.version = 14 : i64} {
  func.func @k(%arg0: i32, %arg1: i32, %arg2: memref<32x80x128xi32, #tpu.memory_space<hbm>>, %arg3: memref<32x80x128xi32, #tpu.memory_space<hbm>>, %arg4: memref<10240x128xf32, #tpu.memory_space<hbm>>, %arg5: memref<10240x128xf32, #tpu.memory_space<hbm>>, %arg6: memref<2x10240x128xf32, #tpu.memory_space<hbm>>, %arg7: memref<80x128xi32, #tpu.memory_space<vmem>>, %arg8: memref<80x128xi32, #tpu.memory_space<vmem>>, %arg9: memref<128x128xf32, #tpu.memory_space<vmem>>, %arg10: memref<10240x128xf32, #tpu.memory_space<vmem_shared>>, %arg11: memref<!tpu.dma_semaphore, #tpu.memory_space<semaphore_mem>>, %arg12: memref<!tpu.dma_semaphore, #tpu.memory_space<semaphore_mem>>) attributes {dimension_semantics = [#tpu.dimension_semantics<core_parallel>, #tpu.dimension_semantics<subcore_parallel>], iteration_bounds = array<i64: 2, 16>, scalar_prefetch = 0 : i64, scratch_operands = 6 : i64, tpu.core_type = #tpu.core_type<sc_vector_subcore>, window_params = [{transform_indices = #map}, {transform_indices = #map}, {transform_indices = #map1}, {transform_indices = #map1}, {transform_indices = #map}]} {
    %mul3A = arith.constant 2 : i32
    %mul3A_0 = arith.muli %arg1, %mul3A : i32
    %add3A = arith.addi %mul3A_0, %arg0 : i32
    %mul3A_1 = arith.constant 640 : i32
    %mul3A_2 = arith.muli %arg1, %mul3A_1 : i32
    "tpu.region"() ({
      %run_scoped3A = tpu.sem_alloc : memref<!tpu.dma_semaphore, #tpu.memory_space<semaphore_mem>>
      %dma_start3A_15 = arith.constant 0 : i32
      %dma_start3A_16 = tpu.memref_slice %arg10[%mul3A_2, %dma_start3A_15] : memref<10240x128xf32, #tpu.memory_space<vmem_shared>> -> memref<640x128xf32, #tpu.memory_space<vmem_shared>>
      %dma_start3A_17 = arith.constant 0 : i32
      %dma_start3A_18 = tpu.memref_slice %arg5[%mul3A_2, %dma_start3A_17] : memref<10240x128xf32, #tpu.memory_space<hbm>> -> memref<640x128xf32, #tpu.memory_space<hbm>>
      tpu.enqueue_dma source(%dma_start3A_18 : memref<640x128xf32, #tpu.memory_space<hbm>>) target(%dma_start3A_16 : memref<640x128xf32, #tpu.memory_space<vmem_shared>>) target_semaphore(%run_scoped3A : memref<!tpu.dma_semaphore, #tpu.memory_space<semaphore_mem>>)
      %dma_wait3A = arith.constant 0 : i32
      %dma_wait3A_19 = tpu.memref_slice %arg10[%mul3A_2, %dma_wait3A] : memref<10240x128xf32, #tpu.memory_space<vmem_shared>> -> memref<640x128xf32, #tpu.memory_space<vmem_shared>>
      %dma_wait3A_20 = arith.constant 0 : i32
      %dma_wait3A_21 = tpu.memref_slice %arg5[%mul3A_2, %dma_wait3A_20] : memref<10240x128xf32, #tpu.memory_space<hbm>> -> memref<640x128xf32, #tpu.memory_space<hbm>>
      tpu.wait_dma2 semaphore(%run_scoped3A : memref<!tpu.dma_semaphore, #tpu.memory_space<semaphore_mem>>) src(%dma_wait3A_21 : memref<640x128xf32, #tpu.memory_space<hbm>>) dst(%dma_wait3A_19 : memref<640x128xf32, #tpu.memory_space<vmem_shared>>)
      tpu.yield
    }) : () -> ()
    "tpu.region"() ({
      %run_scoped3A = tpu.sem_alloc : memref<!tpu.dma_semaphore, #tpu.memory_space<semaphore_mem>>
      %dma_start3A_15 = arith.constant 0 : i32
      %dma_start3A_16 = arith.constant 0 : i32
      %dma_start3A_17 = tpu.memref_slice %arg2[%add3A, %dma_start3A_15, %dma_start3A_16] : memref<32x80x128xi32, #tpu.memory_space<hbm>> -> memref<1x80x128xi32, #tpu.memory_space<hbm>>
      %dma_start3A_18 = tpu.memref_squeeze %dma_start3A_17 : memref<1x80x128xi32, #tpu.memory_space<hbm>> -> memref<80x128xi32, #tpu.memory_space<hbm>>
      %dma_start3A_19 = arith.constant 0 : i32
      %dma_start3A_20 = arith.constant 0 : i32
      %dma_start3A_21 = tpu.memref_slice %arg2[%add3A, %dma_start3A_19, %dma_start3A_20] : memref<32x80x128xi32, #tpu.memory_space<hbm>> -> memref<1x80x128xi32, #tpu.memory_space<hbm>>
      %dma_start3A_22 = tpu.memref_squeeze %dma_start3A_21 : memref<1x80x128xi32, #tpu.memory_space<hbm>> -> memref<80x128xi32, #tpu.memory_space<hbm>>
      tpu.enqueue_dma source(%dma_start3A_22 : memref<80x128xi32, #tpu.memory_space<hbm>>) target(%arg7 : memref<80x128xi32, #tpu.memory_space<vmem>>) target_semaphore(%run_scoped3A : memref<!tpu.dma_semaphore, #tpu.memory_space<semaphore_mem>>)
      %dma_wait3A = arith.constant 0 : i32
      %dma_wait3A_23 = arith.constant 0 : i32
      %dma_wait3A_24 = tpu.memref_slice %arg2[%add3A, %dma_wait3A, %dma_wait3A_23] : memref<32x80x128xi32, #tpu.memory_space<hbm>> -> memref<1x80x128xi32, #tpu.memory_space<hbm>>
      %dma_wait3A_25 = tpu.memref_squeeze %dma_wait3A_24 : memref<1x80x128xi32, #tpu.memory_space<hbm>> -> memref<80x128xi32, #tpu.memory_space<hbm>>
      %dma_wait3A_26 = arith.constant 0 : i32
      %dma_wait3A_27 = arith.constant 0 : i32
      %dma_wait3A_28 = tpu.memref_slice %arg2[%add3A, %dma_wait3A_26, %dma_wait3A_27] : memref<32x80x128xi32, #tpu.memory_space<hbm>> -> memref<1x80x128xi32, #tpu.memory_space<hbm>>
      %dma_wait3A_29 = tpu.memref_squeeze %dma_wait3A_28 : memref<1x80x128xi32, #tpu.memory_space<hbm>> -> memref<80x128xi32, #tpu.memory_space<hbm>>
      tpu.wait_dma2 semaphore(%run_scoped3A : memref<!tpu.dma_semaphore, #tpu.memory_space<semaphore_mem>>) src(%dma_wait3A_29 : memref<80x128xi32, #tpu.memory_space<hbm>>) dst(%arg7 : memref<80x128xi32, #tpu.memory_space<vmem>>)
      tpu.yield
    }) : () -> ()
    "tpu.region"() ({
      %run_scoped3A = tpu.sem_alloc : memref<!tpu.dma_semaphore, #tpu.memory_space<semaphore_mem>>
      %dma_start3A_15 = arith.constant 0 : i32
      %dma_start3A_16 = arith.constant 0 : i32
      %dma_start3A_17 = tpu.memref_slice %arg3[%add3A, %dma_start3A_15, %dma_start3A_16] : memref<32x80x128xi32, #tpu.memory_space<hbm>> -> memref<1x80x128xi32, #tpu.memory_space<hbm>>
      %dma_start3A_18 = tpu.memref_squeeze %dma_start3A_17 : memref<1x80x128xi32, #tpu.memory_space<hbm>> -> memref<80x128xi32, #tpu.memory_space<hbm>>
      %dma_start3A_19 = arith.constant 0 : i32
      %dma_start3A_20 = arith.constant 0 : i32
      %dma_start3A_21 = tpu.memref_slice %arg3[%add3A, %dma_start3A_19, %dma_start3A_20] : memref<32x80x128xi32, #tpu.memory_space<hbm>> -> memref<1x80x128xi32, #tpu.memory_space<hbm>>
      %dma_start3A_22 = tpu.memref_squeeze %dma_start3A_21 : memref<1x80x128xi32, #tpu.memory_space<hbm>> -> memref<80x128xi32, #tpu.memory_space<hbm>>
      tpu.enqueue_dma source(%dma_start3A_22 : memref<80x128xi32, #tpu.memory_space<hbm>>) target(%arg8 : memref<80x128xi32, #tpu.memory_space<vmem>>) target_semaphore(%run_scoped3A : memref<!tpu.dma_semaphore, #tpu.memory_space<semaphore_mem>>)
      %dma_wait3A = arith.constant 0 : i32
      %dma_wait3A_23 = arith.constant 0 : i32
      %dma_wait3A_24 = tpu.memref_slice %arg3[%add3A, %dma_wait3A, %dma_wait3A_23] : memref<32x80x128xi32, #tpu.memory_space<hbm>> -> memref<1x80x128xi32, #tpu.memory_space<hbm>>
      %dma_wait3A_25 = tpu.memref_squeeze %dma_wait3A_24 : memref<1x80x128xi32, #tpu.memory_space<hbm>> -> memref<80x128xi32, #tpu.memory_space<hbm>>
      %dma_wait3A_26 = arith.constant 0 : i32
      %dma_wait3A_27 = arith.constant 0 : i32
      %dma_wait3A_28 = tpu.memref_slice %arg3[%add3A, %dma_wait3A_26, %dma_wait3A_27] : memref<32x80x128xi32, #tpu.memory_space<hbm>> -> memref<1x80x128xi32, #tpu.memory_space<hbm>>
      %dma_wait3A_29 = tpu.memref_squeeze %dma_wait3A_28 : memref<1x80x128xi32, #tpu.memory_space<hbm>> -> memref<80x128xi32, #tpu.memory_space<hbm>>
      tpu.wait_dma2 semaphore(%run_scoped3A : memref<!tpu.dma_semaphore, #tpu.memory_space<semaphore_mem>>) src(%dma_wait3A_29 : memref<80x128xi32, #tpu.memory_space<hbm>>) dst(%arg8 : memref<80x128xi32, #tpu.memory_space<vmem>>)
      tpu.yield
    }) : () -> ()
    %barrier3A = arith.constant 0 : index
    tpu.barrier barrier_id(%barrier3A)
    %dma_start3A = arith.constant 0 : i32
    %dma_start3A_3 = arith.constant 0 : i32
    %dma_start3A_4 = tpu.memref_slice %arg7[%dma_start3A, %dma_start3A_3] : memref<80x128xi32, #tpu.memory_space<vmem>> -> memref<1x128xi32, #tpu.memory_space<vmem>>
    %dma_start3A_5 = tpu.memref_squeeze %dma_start3A_4 : memref<1x128xi32, #tpu.memory_space<vmem>> -> memref<128xi32, #tpu.memory_space<vmem>>
    %dma_start3A_6 = arith.constant 0 : i32
    %dma_start3A_7 = arith.constant 0 : i32
    %dma_start3A_8 = tpu.memref_slice %arg4[%dma_start3A_6, %dma_start3A_7] : memref<10240x128xf32, #tpu.memory_space<hbm>> -> memref<10240x128xf32, #tpu.memory_space<hbm>>
    tpu.enqueue_indirect_dma source(%dma_start3A_8 : memref<10240x128xf32, #tpu.memory_space<hbm>>) target(%arg9 : memref<128x128xf32, #tpu.memory_space<vmem>>) offsets(%dma_start3A_5 : memref<128xi32, #tpu.memory_space<vmem>>) semaphore(%arg11 : memref<!tpu.dma_semaphore, #tpu.memory_space<semaphore_mem>>)
    %scan3A = arith.constant 0 : i32
    %scan3A_9 = arith.constant 0 : i32
    %scan3A_10 = arith.constant 80 : i32
    %scan3A_11 = arith.addi %scan3A_9, %scan3A_10 : i32
    %scan3A_12 = arith.constant 1 : i32
    scf.for %scan3A_15 = %scan3A_9 to %scan3A_11 step %scan3A_12  : i32 {
      %dma_wait3A = arith.constant 0 : i32
      %dma_wait3A_16 = tpu.memref_slice %arg7[%scan3A_15, %dma_wait3A] : memref<80x128xi32, #tpu.memory_space<vmem>> -> memref<1x128xi32, #tpu.memory_space<vmem>>
      %dma_wait3A_17 = tpu.memref_squeeze %dma_wait3A_16 : memref<1x128xi32, #tpu.memory_space<vmem>> -> memref<128xi32, #tpu.memory_space<vmem>>
      %dma_wait3A_18 = arith.constant 0 : i32
      %dma_wait3A_19 = arith.constant 0 : i32
      %dma_wait3A_20 = tpu.memref_slice %arg4[%dma_wait3A_18, %dma_wait3A_19] : memref<10240x128xf32, #tpu.memory_space<hbm>> -> memref<10240x128xf32, #tpu.memory_space<hbm>>
      tpu.wait_indirect_dma semaphore(%arg11 : memref<!tpu.dma_semaphore, #tpu.memory_space<semaphore_mem>>) src(%dma_wait3A_20 : memref<10240x128xf32, #tpu.memory_space<hbm>>) dst(%arg9 : memref<128x128xf32, #tpu.memory_space<vmem>>)
      %dma_start3A_21 = arith.constant 0 : i32
      %dma_start3A_22 = tpu.memref_slice %arg8[%scan3A_15, %dma_start3A_21] : memref<80x128xi32, #tpu.memory_space<vmem>> -> memref<1x128xi32, #tpu.memory_space<vmem>>
      %dma_start3A_23 = tpu.memref_squeeze %dma_start3A_22 : memref<1x128xi32, #tpu.memory_space<vmem>> -> memref<128xi32, #tpu.memory_space<vmem>>
      %dma_start3A_24 = arith.constant 0 : i32
      %dma_start3A_25 = arith.constant 0 : i32
      %dma_start3A_26 = tpu.memref_slice %arg10[%dma_start3A_24, %dma_start3A_25] : memref<10240x128xf32, #tpu.memory_space<vmem_shared>> -> memref<10240x128xf32, #tpu.memory_space<vmem_shared>>
      tpu.enqueue_indirect_dma source(%arg9 : memref<128x128xf32, #tpu.memory_space<vmem>>) target(%dma_start3A_26 : memref<10240x128xf32, #tpu.memory_space<vmem_shared>>) offsets(%dma_start3A_23 : memref<128xi32, #tpu.memory_space<vmem>>) semaphore(%arg12 : memref<!tpu.dma_semaphore, #tpu.memory_space<semaphore_mem>>) {add = true}
      %dma_wait3A_27 = arith.constant 0 : i32
      %dma_wait3A_28 = tpu.memref_slice %arg8[%scan3A_15, %dma_wait3A_27] : memref<80x128xi32, #tpu.memory_space<vmem>> -> memref<1x128xi32, #tpu.memory_space<vmem>>
      %dma_wait3A_29 = tpu.memref_squeeze %dma_wait3A_28 : memref<1x128xi32, #tpu.memory_space<vmem>> -> memref<128xi32, #tpu.memory_space<vmem>>
      %dma_wait3A_30 = arith.constant 0 : i32
      %dma_wait3A_31 = arith.constant 0 : i32
      %dma_wait3A_32 = tpu.memref_slice %arg10[%dma_wait3A_30, %dma_wait3A_31] : memref<10240x128xf32, #tpu.memory_space<vmem_shared>> -> memref<10240x128xf32, #tpu.memory_space<vmem_shared>>
      tpu.wait_indirect_dma semaphore(%arg12 : memref<!tpu.dma_semaphore, #tpu.memory_space<semaphore_mem>>) src(%arg9 : memref<128x128xf32, #tpu.memory_space<vmem>>) dst(%dma_wait3A_32 : memref<10240x128xf32, #tpu.memory_space<vmem_shared>>)
      %add3A_33 = arith.constant 1 : i32
      %add3A_34 = arith.addi %scan3A_15, %add3A_33 : i32
      %lt3A = arith.constant 80 : i32
      %lt3A_35 = arith.cmpi slt, %add3A_34, %lt3A : i32
      %convert_element_type3A = arith.extui %lt3A_35 : i1 to i32
      %cond3A = arith.constant 0 : i32
      %cond3A_36 = arith.cmpi ne, %convert_element_type3A, %cond3A : i32
      scf.if %cond3A_36 {
        %add3A_37 = arith.constant 1 : i32
        %add3A_38 = arith.addi %scan3A_15, %add3A_37 : i32
        %dma_start3A_39 = arith.constant 0 : i32
        %dma_start3A_40 = tpu.memref_slice %arg7[%add3A_38, %dma_start3A_39] : memref<80x128xi32, #tpu.memory_space<vmem>> -> memref<1x128xi32, #tpu.memory_space<vmem>>
        %dma_start3A_41 = tpu.memref_squeeze %dma_start3A_40 : memref<1x128xi32, #tpu.memory_space<vmem>> -> memref<128xi32, #tpu.memory_space<vmem>>
        %dma_start3A_42 = arith.constant 0 : i32
        %dma_start3A_43 = arith.constant 0 : i32
        %dma_start3A_44 = tpu.memref_slice %arg4[%dma_start3A_42, %dma_start3A_43] : memref<10240x128xf32, #tpu.memory_space<hbm>> -> memref<10240x128xf32, #tpu.memory_space<hbm>>
        tpu.enqueue_indirect_dma source(%dma_start3A_44 : memref<10240x128xf32, #tpu.memory_space<hbm>>) target(%arg9 : memref<128x128xf32, #tpu.memory_space<vmem>>) offsets(%dma_start3A_41 : memref<128xi32, #tpu.memory_space<vmem>>) semaphore(%arg11 : memref<!tpu.dma_semaphore, #tpu.memory_space<semaphore_mem>>)
      } else {
      }
    }
    %scan3A_13 = arith.constant 80 : i32
    %barrier3A_14 = arith.constant 0 : index
    tpu.barrier barrier_id(%barrier3A_14)
    "tpu.region"() ({
      %run_scoped3A = tpu.sem_alloc : memref<!tpu.dma_semaphore, #tpu.memory_space<semaphore_mem>>
      %dma_start3A_15 = arith.constant 0 : i32
      %dma_start3A_16 = arith.constant 0 : i32
      %dma_start3A_17 = tpu.memref_slice %arg6[%arg0, %dma_start3A_15, %dma_start3A_16] : memref<2x10240x128xf32, #tpu.memory_space<hbm>> -> memref<1x10240x128xf32, #tpu.memory_space<hbm>>
      %dma_start3A_18 = tpu.memref_squeeze %dma_start3A_17 : memref<1x10240x128xf32, #tpu.memory_space<hbm>> -> memref<10240x128xf32, #tpu.memory_space<hbm>>
      %dma_start3A_19 = arith.constant 0 : i32
      %dma_start3A_20 = tpu.memref_slice %dma_start3A_18[%mul3A_2, %dma_start3A_19] : memref<10240x128xf32, #tpu.memory_space<hbm>> -> memref<640x128xf32, #tpu.memory_space<hbm>>
      %dma_start3A_21 = arith.constant 0 : i32
      %dma_start3A_22 = tpu.memref_slice %arg10[%mul3A_2, %dma_start3A_21] : memref<10240x128xf32, #tpu.memory_space<vmem_shared>> -> memref<640x128xf32, #tpu.memory_space<vmem_shared>>
      tpu.enqueue_dma source(%dma_start3A_22 : memref<640x128xf32, #tpu.memory_space<vmem_shared>>) target(%dma_start3A_20 : memref<640x128xf32, #tpu.memory_space<hbm>>) target_semaphore(%run_scoped3A : memref<!tpu.dma_semaphore, #tpu.memory_space<semaphore_mem>>)
      %dma_wait3A = arith.constant 0 : i32
      %dma_wait3A_23 = arith.constant 0 : i32
      %dma_wait3A_24 = tpu.memref_slice %arg6[%arg0, %dma_wait3A, %dma_wait3A_23] : memref<2x10240x128xf32, #tpu.memory_space<hbm>> -> memref<1x10240x128xf32, #tpu.memory_space<hbm>>
      %dma_wait3A_25 = tpu.memref_squeeze %dma_wait3A_24 : memref<1x10240x128xf32, #tpu.memory_space<hbm>> -> memref<10240x128xf32, #tpu.memory_space<hbm>>
      %dma_wait3A_26 = arith.constant 0 : i32
      %dma_wait3A_27 = tpu.memref_slice %dma_wait3A_25[%mul3A_2, %dma_wait3A_26] : memref<10240x128xf32, #tpu.memory_space<hbm>> -> memref<640x128xf32, #tpu.memory_space<hbm>>
      %dma_wait3A_28 = arith.constant 0 : i32
      %dma_wait3A_29 = tpu.memref_slice %arg10[%mul3A_2, %dma_wait3A_28] : memref<10240x128xf32, #tpu.memory_space<vmem_shared>> -> memref<640x128xf32, #tpu.memory_space<vmem_shared>>
      tpu.wait_dma2 semaphore(%run_scoped3A : memref<!tpu.dma_semaphore, #tpu.memory_space<semaphore_mem>>) src(%dma_wait3A_29 : memref<640x128xf32, #tpu.memory_space<vmem_shared>>) dst(%dma_wait3A_27 : memref<640x128xf32, #tpu.memory_space<hbm>>)
      tpu.yield
    }) : () -> ()
    return
  }
}

#map = affine_map<(d0, d1) -> (0, 0, 0)>
#map1 = affine_map<(d0, d1) -> (0)>
#map2 = affine_map<(d0, d1) -> (0, 0)>
module attributes {stable_mosaic.version = 14 : i64} {
  func.func @k(%arg0: i32, %arg1: i32, %arg2: memref<32x80x128xi32, #tpu.memory_space<hbm>>, %arg3: memref<32x80x128xi32, #tpu.memory_space<hbm>>, %arg4: memref<10240xf32, #tpu.memory_space<hbm>>, %arg5: memref<10240xf32, #tpu.memory_space<hbm>>, %arg6: memref<32x10240xf32, #tpu.memory_space<hbm>>, %arg7: memref<80x128xi32, #tpu.memory_space<vmem>>, %arg8: memref<80x128xi32, #tpu.memory_space<vmem>>, %arg9: memref<10240xf32, #tpu.memory_space<vmem>>, %arg10: memref<10240xf32, #tpu.memory_space<vmem>>) attributes {dimension_semantics = [#tpu.dimension_semantics<core_parallel>, #tpu.dimension_semantics<subcore_parallel>], iteration_bounds = array<i64: 2, 16>, scalar_prefetch = 0 : i64, scratch_operands = 4 : i64, tpu.core_type = #tpu.core_type<sc_vector_subcore>, window_params = [{transform_indices = #map}, {transform_indices = #map}, {transform_indices = #map1}, {transform_indices = #map1}, {transform_indices = #map2}]} {
    %mul3A = arith.constant 2 : i32
    %mul3A_0 = arith.muli %arg1, %mul3A : i32
    %add3A = arith.addi %mul3A_0, %arg0 : i32
    "tpu.region"() ({
      %run_scoped3A = tpu.sem_alloc : memref<!tpu.dma_semaphore, #tpu.memory_space<semaphore_mem>>
      tpu.enqueue_dma source(%arg5 : memref<10240xf32, #tpu.memory_space<hbm>>) target(%arg10 : memref<10240xf32, #tpu.memory_space<vmem>>) target_semaphore(%run_scoped3A : memref<!tpu.dma_semaphore, #tpu.memory_space<semaphore_mem>>)
      tpu.wait_dma2 semaphore(%run_scoped3A : memref<!tpu.dma_semaphore, #tpu.memory_space<semaphore_mem>>) src(%arg5 : memref<10240xf32, #tpu.memory_space<hbm>>) dst(%arg10 : memref<10240xf32, #tpu.memory_space<vmem>>)
      tpu.yield
    }) : () -> ()
    "tpu.region"() ({
      %run_scoped3A = tpu.sem_alloc : memref<!tpu.dma_semaphore, #tpu.memory_space<semaphore_mem>>
      tpu.enqueue_dma source(%arg4 : memref<10240xf32, #tpu.memory_space<hbm>>) target(%arg9 : memref<10240xf32, #tpu.memory_space<vmem>>) target_semaphore(%run_scoped3A : memref<!tpu.dma_semaphore, #tpu.memory_space<semaphore_mem>>)
      tpu.wait_dma2 semaphore(%run_scoped3A : memref<!tpu.dma_semaphore, #tpu.memory_space<semaphore_mem>>) src(%arg4 : memref<10240xf32, #tpu.memory_space<hbm>>) dst(%arg9 : memref<10240xf32, #tpu.memory_space<vmem>>)
      tpu.yield
    }) : () -> ()
    "tpu.region"() ({
      %run_scoped3A = tpu.sem_alloc : memref<!tpu.dma_semaphore, #tpu.memory_space<semaphore_mem>>
      %dma_start3A = arith.constant 0 : i32
      %dma_start3A_6 = arith.constant 0 : i32
      %dma_start3A_7 = tpu.memref_slice %arg2[%add3A, %dma_start3A, %dma_start3A_6] : memref<32x80x128xi32, #tpu.memory_space<hbm>> -> memref<1x80x128xi32, #tpu.memory_space<hbm>>
      %dma_start3A_8 = tpu.memref_squeeze %dma_start3A_7 : memref<1x80x128xi32, #tpu.memory_space<hbm>> -> memref<80x128xi32, #tpu.memory_space<hbm>>
      %dma_start3A_9 = arith.constant 0 : i32
      %dma_start3A_10 = arith.constant 0 : i32
      %dma_start3A_11 = tpu.memref_slice %arg2[%add3A, %dma_start3A_9, %dma_start3A_10] : memref<32x80x128xi32, #tpu.memory_space<hbm>> -> memref<1x80x128xi32, #tpu.memory_space<hbm>>
      %dma_start3A_12 = tpu.memref_squeeze %dma_start3A_11 : memref<1x80x128xi32, #tpu.memory_space<hbm>> -> memref<80x128xi32, #tpu.memory_space<hbm>>
      tpu.enqueue_dma source(%dma_start3A_12 : memref<80x128xi32, #tpu.memory_space<hbm>>) target(%arg7 : memref<80x128xi32, #tpu.memory_space<vmem>>) target_semaphore(%run_scoped3A : memref<!tpu.dma_semaphore, #tpu.memory_space<semaphore_mem>>)
      %dma_wait3A = arith.constant 0 : i32
      %dma_wait3A_13 = arith.constant 0 : i32
      %dma_wait3A_14 = tpu.memref_slice %arg2[%add3A, %dma_wait3A, %dma_wait3A_13] : memref<32x80x128xi32, #tpu.memory_space<hbm>> -> memref<1x80x128xi32, #tpu.memory_space<hbm>>
      %dma_wait3A_15 = tpu.memref_squeeze %dma_wait3A_14 : memref<1x80x128xi32, #tpu.memory_space<hbm>> -> memref<80x128xi32, #tpu.memory_space<hbm>>
      %dma_wait3A_16 = arith.constant 0 : i32
      %dma_wait3A_17 = arith.constant 0 : i32
      %dma_wait3A_18 = tpu.memref_slice %arg2[%add3A, %dma_wait3A_16, %dma_wait3A_17] : memref<32x80x128xi32, #tpu.memory_space<hbm>> -> memref<1x80x128xi32, #tpu.memory_space<hbm>>
      %dma_wait3A_19 = tpu.memref_squeeze %dma_wait3A_18 : memref<1x80x128xi32, #tpu.memory_space<hbm>> -> memref<80x128xi32, #tpu.memory_space<hbm>>
      tpu.wait_dma2 semaphore(%run_scoped3A : memref<!tpu.dma_semaphore, #tpu.memory_space<semaphore_mem>>) src(%dma_wait3A_19 : memref<80x128xi32, #tpu.memory_space<hbm>>) dst(%arg7 : memref<80x128xi32, #tpu.memory_space<vmem>>)
      tpu.yield
    }) : () -> ()
    "tpu.region"() ({
      %run_scoped3A = tpu.sem_alloc : memref<!tpu.dma_semaphore, #tpu.memory_space<semaphore_mem>>
      %dma_start3A = arith.constant 0 : i32
      %dma_start3A_6 = arith.constant 0 : i32
      %dma_start3A_7 = tpu.memref_slice %arg3[%add3A, %dma_start3A, %dma_start3A_6] : memref<32x80x128xi32, #tpu.memory_space<hbm>> -> memref<1x80x128xi32, #tpu.memory_space<hbm>>
      %dma_start3A_8 = tpu.memref_squeeze %dma_start3A_7 : memref<1x80x128xi32, #tpu.memory_space<hbm>> -> memref<80x128xi32, #tpu.memory_space<hbm>>
      %dma_start3A_9 = arith.constant 0 : i32
      %dma_start3A_10 = arith.constant 0 : i32
      %dma_start3A_11 = tpu.memref_slice %arg3[%add3A, %dma_start3A_9, %dma_start3A_10] : memref<32x80x128xi32, #tpu.memory_space<hbm>> -> memref<1x80x128xi32, #tpu.memory_space<hbm>>
      %dma_start3A_12 = tpu.memref_squeeze %dma_start3A_11 : memref<1x80x128xi32, #tpu.memory_space<hbm>> -> memref<80x128xi32, #tpu.memory_space<hbm>>
      tpu.enqueue_dma source(%dma_start3A_12 : memref<80x128xi32, #tpu.memory_space<hbm>>) target(%arg8 : memref<80x128xi32, #tpu.memory_space<vmem>>) target_semaphore(%run_scoped3A : memref<!tpu.dma_semaphore, #tpu.memory_space<semaphore_mem>>)
      %dma_wait3A = arith.constant 0 : i32
      %dma_wait3A_13 = arith.constant 0 : i32
      %dma_wait3A_14 = tpu.memref_slice %arg3[%add3A, %dma_wait3A, %dma_wait3A_13] : memref<32x80x128xi32, #tpu.memory_space<hbm>> -> memref<1x80x128xi32, #tpu.memory_space<hbm>>
      %dma_wait3A_15 = tpu.memref_squeeze %dma_wait3A_14 : memref<1x80x128xi32, #tpu.memory_space<hbm>> -> memref<80x128xi32, #tpu.memory_space<hbm>>
      %dma_wait3A_16 = arith.constant 0 : i32
      %dma_wait3A_17 = arith.constant 0 : i32
      %dma_wait3A_18 = tpu.memref_slice %arg3[%add3A, %dma_wait3A_16, %dma_wait3A_17] : memref<32x80x128xi32, #tpu.memory_space<hbm>> -> memref<1x80x128xi32, #tpu.memory_space<hbm>>
      %dma_wait3A_19 = tpu.memref_squeeze %dma_wait3A_18 : memref<1x80x128xi32, #tpu.memory_space<hbm>> -> memref<80x128xi32, #tpu.memory_space<hbm>>
      tpu.wait_dma2 semaphore(%run_scoped3A : memref<!tpu.dma_semaphore, #tpu.memory_space<semaphore_mem>>) src(%dma_wait3A_19 : memref<80x128xi32, #tpu.memory_space<hbm>>) dst(%arg8 : memref<80x128xi32, #tpu.memory_space<vmem>>)
      tpu.yield
    }) : () -> ()
    %scan3A = arith.constant 0 : i32
    %scan3A_1 = arith.constant 0 : i32
    %scan3A_2 = arith.constant 80 : i32
    %scan3A_3 = arith.addi %scan3A_1, %scan3A_2 : i32
    %scan3A_4 = arith.constant 1 : i32
    scf.for %scan3A_6 = %scan3A_1 to %scan3A_3 step %scan3A_4  : i32 {
      %get3A = arith.index_cast %scan3A_6 : i32 to index
      %get3A_7 = arith.constant 0 : index
      %get3A_8 = tpu.vector_load %arg7[%get3A, %get3A_7] {strides = array<i32>} : memref<80x128xi32, #tpu.memory_space<vmem>>, vector<16xi32>,
      %get3A_9 = arith.index_cast %scan3A_6 : i32 to index
      %get3A_10 = arith.constant 0 : index
      %get3A_11 = tpu.vector_load %arg8[%get3A_9, %get3A_10] {strides = array<i32>} : memref<80x128xi32, #tpu.memory_space<vmem>>, vector<16xi32>,
      %gather3A = tpu.vector_load_idx %arg9[%get3A_8] : memref<10240xf32, #tpu.memory_space<vmem>>[vector<16xi32>], vector<16xf32>,
      tpu.vector_store_idx %arg10[%get3A_11], %gather3A {add = true} : memref<10240xf32, #tpu.memory_space<vmem>>[vector<16xi32>], vector<16xf32>,
      %get3A_12 = arith.index_cast %scan3A_6 : i32 to index
      %get3A_13 = arith.constant 16 : index
      %get3A_14 = tpu.vector_load %arg7[%get3A_12, %get3A_13] {strides = array<i32>} : memref<80x128xi32, #tpu.memory_space<vmem>>, vector<16xi32>,
      %get3A_15 = arith.index_cast %scan3A_6 : i32 to index
      %get3A_16 = arith.constant 16 : index
      %get3A_17 = tpu.vector_load %arg8[%get3A_15, %get3A_16] {strides = array<i32>} : memref<80x128xi32, #tpu.memory_space<vmem>>, vector<16xi32>,
      %gather3A_18 = tpu.vector_load_idx %arg9[%get3A_14] : memref<10240xf32, #tpu.memory_space<vmem>>[vector<16xi32>], vector<16xf32>,
      tpu.vector_store_idx %arg10[%get3A_17], %gather3A_18 {add = true} : memref<10240xf32, #tpu.memory_space<vmem>>[vector<16xi32>], vector<16xf32>,
      %get3A_19 = arith.index_cast %scan3A_6 : i32 to index
      %get3A_20 = arith.constant 32 : index
      %get3A_21 = tpu.vector_load %arg7[%get3A_19, %get3A_20] {strides = array<i32>} : memref<80x128xi32, #tpu.memory_space<vmem>>, vector<16xi32>,
      %get3A_22 = arith.index_cast %scan3A_6 : i32 to index
      %get3A_23 = arith.constant 32 : index
      %get3A_24 = tpu.vector_load %arg8[%get3A_22, %get3A_23] {strides = array<i32>} : memref<80x128xi32, #tpu.memory_space<vmem>>, vector<16xi32>,
      %gather3A_25 = tpu.vector_load_idx %arg9[%get3A_21] : memref<10240xf32, #tpu.memory_space<vmem>>[vector<16xi32>], vector<16xf32>,
      tpu.vector_store_idx %arg10[%get3A_24], %gather3A_25 {add = true} : memref<10240xf32, #tpu.memory_space<vmem>>[vector<16xi32>], vector<16xf32>,
      %get3A_26 = arith.index_cast %scan3A_6 : i32 to index
      %get3A_27 = arith.constant 48 : index
      %get3A_28 = tpu.vector_load %arg7[%get3A_26, %get3A_27] {strides = array<i32>} : memref<80x128xi32, #tpu.memory_space<vmem>>, vector<16xi32>,
      %get3A_29 = arith.index_cast %scan3A_6 : i32 to index
      %get3A_30 = arith.constant 48 : index
      %get3A_31 = tpu.vector_load %arg8[%get3A_29, %get3A_30] {strides = array<i32>} : memref<80x128xi32, #tpu.memory_space<vmem>>, vector<16xi32>,
      %gather3A_32 = tpu.vector_load_idx %arg9[%get3A_28] : memref<10240xf32, #tpu.memory_space<vmem>>[vector<16xi32>], vector<16xf32>,
      tpu.vector_store_idx %arg10[%get3A_31], %gather3A_32 {add = true} : memref<10240xf32, #tpu.memory_space<vmem>>[vector<16xi32>], vector<16xf32>,
      %get3A_33 = arith.index_cast %scan3A_6 : i32 to index
      %get3A_34 = arith.constant 64 : index
      %get3A_35 = tpu.vector_load %arg7[%get3A_33, %get3A_34] {strides = array<i32>} : memref<80x128xi32, #tpu.memory_space<vmem>>, vector<16xi32>,
      %get3A_36 = arith.index_cast %scan3A_6 : i32 to index
      %get3A_37 = arith.constant 64 : index
      %get3A_38 = tpu.vector_load %arg8[%get3A_36, %get3A_37] {strides = array<i32>} : memref<80x128xi32, #tpu.memory_space<vmem>>, vector<16xi32>,
      %gather3A_39 = tpu.vector_load_idx %arg9[%get3A_35] : memref<10240xf32, #tpu.memory_space<vmem>>[vector<16xi32>], vector<16xf32>,
      tpu.vector_store_idx %arg10[%get3A_38], %gather3A_39 {add = true} : memref<10240xf32, #tpu.memory_space<vmem>>[vector<16xi32>], vector<16xf32>,
      %get3A_40 = arith.index_cast %scan3A_6 : i32 to index
      %get3A_41 = arith.constant 80 : index
      %get3A_42 = tpu.vector_load %arg7[%get3A_40, %get3A_41] {strides = array<i32>} : memref<80x128xi32, #tpu.memory_space<vmem>>, vector<16xi32>,
      %get3A_43 = arith.index_cast %scan3A_6 : i32 to index
      %get3A_44 = arith.constant 80 : index
      %get3A_45 = tpu.vector_load %arg8[%get3A_43, %get3A_44] {strides = array<i32>} : memref<80x128xi32, #tpu.memory_space<vmem>>, vector<16xi32>,
      %gather3A_46 = tpu.vector_load_idx %arg9[%get3A_42] : memref<10240xf32, #tpu.memory_space<vmem>>[vector<16xi32>], vector<16xf32>,
      tpu.vector_store_idx %arg10[%get3A_45], %gather3A_46 {add = true} : memref<10240xf32, #tpu.memory_space<vmem>>[vector<16xi32>], vector<16xf32>,
      %get3A_47 = arith.index_cast %scan3A_6 : i32 to index
      %get3A_48 = arith.constant 96 : index
      %get3A_49 = tpu.vector_load %arg7[%get3A_47, %get3A_48] {strides = array<i32>} : memref<80x128xi32, #tpu.memory_space<vmem>>, vector<16xi32>,
      %get3A_50 = arith.index_cast %scan3A_6 : i32 to index
      %get3A_51 = arith.constant 96 : index
      %get3A_52 = tpu.vector_load %arg8[%get3A_50, %get3A_51] {strides = array<i32>} : memref<80x128xi32, #tpu.memory_space<vmem>>, vector<16xi32>,
      %gather3A_53 = tpu.vector_load_idx %arg9[%get3A_49] : memref<10240xf32, #tpu.memory_space<vmem>>[vector<16xi32>], vector<16xf32>,
      tpu.vector_store_idx %arg10[%get3A_52], %gather3A_53 {add = true} : memref<10240xf32, #tpu.memory_space<vmem>>[vector<16xi32>], vector<16xf32>,
      %get3A_54 = arith.index_cast %scan3A_6 : i32 to index
      %get3A_55 = arith.constant 112 : index
      %get3A_56 = tpu.vector_load %arg7[%get3A_54, %get3A_55] {strides = array<i32>} : memref<80x128xi32, #tpu.memory_space<vmem>>, vector<16xi32>,
      %get3A_57 = arith.index_cast %scan3A_6 : i32 to index
      %get3A_58 = arith.constant 112 : index
      %get3A_59 = tpu.vector_load %arg8[%get3A_57, %get3A_58] {strides = array<i32>} : memref<80x128xi32, #tpu.memory_space<vmem>>, vector<16xi32>,
      %gather3A_60 = tpu.vector_load_idx %arg9[%get3A_56] : memref<10240xf32, #tpu.memory_space<vmem>>[vector<16xi32>], vector<16xf32>,
      tpu.vector_store_idx %arg10[%get3A_59], %gather3A_60 {add = true} : memref<10240xf32, #tpu.memory_space<vmem>>[vector<16xi32>], vector<16xf32>,
    }
    %scan3A_5 = arith.constant 80 : i32
    "tpu.region"() ({
      %run_scoped3A = tpu.sem_alloc : memref<!tpu.dma_semaphore, #tpu.memory_space<semaphore_mem>>
      %dma_start3A = arith.constant 0 : i32
      %dma_start3A_6 = tpu.memref_slice %arg6[%add3A, %dma_start3A] : memref<32x10240xf32, #tpu.memory_space<hbm>> -> memref<1x10240xf32, #tpu.memory_space<hbm>>
      %dma_start3A_7 = tpu.memref_squeeze %dma_start3A_6 : memref<1x10240xf32, #tpu.memory_space<hbm>> -> memref<10240xf32, #tpu.memory_space<hbm>>
      %dma_start3A_8 = arith.constant 0 : i32
      %dma_start3A_9 = tpu.memref_slice %arg6[%add3A, %dma_start3A_8] : memref<32x10240xf32, #tpu.memory_space<hbm>> -> memref<1x10240xf32, #tpu.memory_space<hbm>>
      %dma_start3A_10 = tpu.memref_squeeze %dma_start3A_9 : memref<1x10240xf32, #tpu.memory_space<hbm>> -> memref<10240xf32, #tpu.memory_space<hbm>>
      tpu.enqueue_dma source(%arg10 : memref<10240xf32, #tpu.memory_space<vmem>>) target(%dma_start3A_10 : memref<10240xf32, #tpu.memory_space<hbm>>) target_semaphore(%run_scoped3A : memref<!tpu.dma_semaphore, #tpu.memory_space<semaphore_mem>>)
      %dma_wait3A = arith.constant 0 : i32
      %dma_wait3A_11 = tpu.memref_slice %arg6[%add3A, %dma_wait3A] : memref<32x10240xf32, #tpu.memory_space<hbm>> -> memref<1x10240xf32, #tpu.memory_space<hbm>>
      %dma_wait3A_12 = tpu.memref_squeeze %dma_wait3A_11 : memref<1x10240xf32, #tpu.memory_space<hbm>> -> memref<10240xf32, #tpu.memory_space<hbm>>
      %dma_wait3A_13 = arith.constant 0 : i32
      %dma_wait3A_14 = tpu.memref_slice %arg6[%add3A, %dma_wait3A_13] : memref<32x10240xf32, #tpu.memory_space<hbm>> -> memref<1x10240xf32, #tpu.memory_space<hbm>>
      %dma_wait3A_15 = tpu.memref_squeeze %dma_wait3A_14 : memref<1x10240xf32, #tpu.memory_space<hbm>> -> memref<10240xf32, #tpu.memory_space<hbm>>
      tpu.wait_dma2 semaphore(%run_scoped3A : memref<!tpu.dma_semaphore, #tpu.memory_space<semaphore_mem>>) src(%arg10 : memref<10240xf32, #tpu.memory_space<vmem>>) dst(%dma_wait3A_15 : memref<10240xf32, #tpu.memory_space<hbm>>)
      tpu.yield
    }) : () -> ()
    return
  }
}

#map = affine_map<(d0, d1) -> (0, 0, 0)>
#map1 = affine_map<(d0, d1) -> (0, 0)>
module attributes {stable_mosaic.version = 14 : i64} {
  func.func @k(%arg0: i32, %arg1: i32, %arg2: memref<32x80x128xi32, #tpu.memory_space<hbm>>, %arg3: memref<32x80x128xi32, #tpu.memory_space<hbm>>, %arg4: memref<10240x128xf32, #tpu.memory_space<hbm>>, %arg5: memref<10240x128xf32, #tpu.memory_space<hbm>>, %arg6: memref<2x10240x128xf32, #tpu.memory_space<hbm>>, %arg7: memref<80x128xi32, #tpu.memory_space<vmem>>, %arg8: memref<80x128xi32, #tpu.memory_space<vmem>>, %arg9: memref<128x128xf32, #tpu.memory_space<vmem>>, %arg10: memref<10240x128xf32, #tpu.memory_space<vmem_shared>>, %arg11: memref<!tpu.dma_semaphore, #tpu.memory_space<semaphore_mem>>, %arg12: memref<!tpu.dma_semaphore, #tpu.memory_space<semaphore_mem>>) attributes {dimension_semantics = [#tpu.dimension_semantics<core_parallel>, #tpu.dimension_semantics<subcore_parallel>], iteration_bounds = array<i64: 2, 16>, scalar_prefetch = 0 : i64, scratch_operands = 6 : i64, tpu.core_type = #tpu.core_type<sc_vector_subcore>, window_params = [{transform_indices = #map}, {transform_indices = #map}, {transform_indices = #map1}, {transform_indices = #map1}, {transform_indices = #map}]} {
    %mul3A = arith.constant 2 : i32
    %mul3A_0 = arith.muli %arg1, %mul3A : i32
    %add3A = arith.addi %mul3A_0, %arg0 : i32
    %mul3A_1 = arith.constant 640 : i32
    %mul3A_2 = arith.muli %arg1, %mul3A_1 : i32
    "tpu.region"() ({
      %run_scoped3A = tpu.sem_alloc : memref<!tpu.dma_semaphore, #tpu.memory_space<semaphore_mem>>
      %dma_start3A_15 = arith.constant 0 : i32
      %dma_start3A_16 = tpu.memref_slice %arg10[%mul3A_2, %dma_start3A_15] : memref<10240x128xf32, #tpu.memory_space<vmem_shared>> -> memref<640x128xf32, #tpu.memory_space<vmem_shared>>
      %dma_start3A_17 = arith.constant 0 : i32
      %dma_start3A_18 = tpu.memref_slice %arg5[%mul3A_2, %dma_start3A_17] : memref<10240x128xf32, #tpu.memory_space<hbm>> -> memref<640x128xf32, #tpu.memory_space<hbm>>
      tpu.enqueue_dma source(%dma_start3A_18 : memref<640x128xf32, #tpu.memory_space<hbm>>) target(%dma_start3A_16 : memref<640x128xf32, #tpu.memory_space<vmem_shared>>) target_semaphore(%run_scoped3A : memref<!tpu.dma_semaphore, #tpu.memory_space<semaphore_mem>>)
      %dma_wait3A = arith.constant 0 : i32
      %dma_wait3A_19 = tpu.memref_slice %arg10[%mul3A_2, %dma_wait3A] : memref<10240x128xf32, #tpu.memory_space<vmem_shared>> -> memref<640x128xf32, #tpu.memory_space<vmem_shared>>
      %dma_wait3A_20 = arith.constant 0 : i32
      %dma_wait3A_21 = tpu.memref_slice %arg5[%mul3A_2, %dma_wait3A_20] : memref<10240x128xf32, #tpu.memory_space<hbm>> -> memref<640x128xf32, #tpu.memory_space<hbm>>
      tpu.wait_dma2 semaphore(%run_scoped3A : memref<!tpu.dma_semaphore, #tpu.memory_space<semaphore_mem>>) src(%dma_wait3A_21 : memref<640x128xf32, #tpu.memory_space<hbm>>) dst(%dma_wait3A_19 : memref<640x128xf32, #tpu.memory_space<vmem_shared>>)
      tpu.yield
    }) : () -> ()
    "tpu.region"() ({
      %run_scoped3A = tpu.sem_alloc : memref<!tpu.dma_semaphore, #tpu.memory_space<semaphore_mem>>
      %dma_start3A_15 = arith.constant 0 : i32
      %dma_start3A_16 = arith.constant 0 : i32
      %dma_start3A_17 = tpu.memref_slice %arg2[%add3A, %dma_start3A_15, %dma_start3A_16] : memref<32x80x128xi32, #tpu.memory_space<hbm>> -> memref<1x80x128xi32, #tpu.memory_space<hbm>>
      %dma_start3A_18 = tpu.memref_squeeze %dma_start3A_17 : memref<1x80x128xi32, #tpu.memory_space<hbm>> -> memref<80x128xi32, #tpu.memory_space<hbm>>
      %dma_start3A_19 = arith.constant 0 : i32
      %dma_start3A_20 = arith.constant 0 : i32
      %dma_start3A_21 = tpu.memref_slice %arg2[%add3A, %dma_start3A_19, %dma_start3A_20] : memref<32x80x128xi32, #tpu.memory_space<hbm>> -> memref<1x80x128xi32, #tpu.memory_space<hbm>>
      %dma_start3A_22 = tpu.memref_squeeze %dma_start3A_21 : memref<1x80x128xi32, #tpu.memory_space<hbm>> -> memref<80x128xi32, #tpu.memory_space<hbm>>
      tpu.enqueue_dma source(%dma_start3A_22 : memref<80x128xi32, #tpu.memory_space<hbm>>) target(%arg7 : memref<80x128xi32, #tpu.memory_space<vmem>>) target_semaphore(%run_scoped3A : memref<!tpu.dma_semaphore, #tpu.memory_space<semaphore_mem>>)
      %dma_wait3A = arith.constant 0 : i32
      %dma_wait3A_23 = arith.constant 0 : i32
      %dma_wait3A_24 = tpu.memref_slice %arg2[%add3A, %dma_wait3A, %dma_wait3A_23] : memref<32x80x128xi32, #tpu.memory_space<hbm>> -> memref<1x80x128xi32, #tpu.memory_space<hbm>>
      %dma_wait3A_25 = tpu.memref_squeeze %dma_wait3A_24 : memref<1x80x128xi32, #tpu.memory_space<hbm>> -> memref<80x128xi32, #tpu.memory_space<hbm>>
      %dma_wait3A_26 = arith.constant 0 : i32
      %dma_wait3A_27 = arith.constant 0 : i32
      %dma_wait3A_28 = tpu.memref_slice %arg2[%add3A, %dma_wait3A_26, %dma_wait3A_27] : memref<32x80x128xi32, #tpu.memory_space<hbm>> -> memref<1x80x128xi32, #tpu.memory_space<hbm>>
      %dma_wait3A_29 = tpu.memref_squeeze %dma_wait3A_28 : memref<1x80x128xi32, #tpu.memory_space<hbm>> -> memref<80x128xi32, #tpu.memory_space<hbm>>
      tpu.wait_dma2 semaphore(%run_scoped3A : memref<!tpu.dma_semaphore, #tpu.memory_space<semaphore_mem>>) src(%dma_wait3A_29 : memref<80x128xi32, #tpu.memory_space<hbm>>) dst(%arg7 : memref<80x128xi32, #tpu.memory_space<vmem>>)
      tpu.yield
    }) : () -> ()
    "tpu.region"() ({
      %run_scoped3A = tpu.sem_alloc : memref<!tpu.dma_semaphore, #tpu.memory_space<semaphore_mem>>
      %dma_start3A_15 = arith.constant 0 : i32
      %dma_start3A_16 = arith.constant 0 : i32
      %dma_start3A_17 = tpu.memref_slice %arg3[%add3A, %dma_start3A_15, %dma_start3A_16] : memref<32x80x128xi32, #tpu.memory_space<hbm>> -> memref<1x80x128xi32, #tpu.memory_space<hbm>>
      %dma_start3A_18 = tpu.memref_squeeze %dma_start3A_17 : memref<1x80x128xi32, #tpu.memory_space<hbm>> -> memref<80x128xi32, #tpu.memory_space<hbm>>
      %dma_start3A_19 = arith.constant 0 : i32
      %dma_start3A_20 = arith.constant 0 : i32
      %dma_start3A_21 = tpu.memref_slice %arg3[%add3A, %dma_start3A_19, %dma_start3A_20] : memref<32x80x128xi32, #tpu.memory_space<hbm>> -> memref<1x80x128xi32, #tpu.memory_space<hbm>>
      %dma_start3A_22 = tpu.memref_squeeze %dma_start3A_21 : memref<1x80x128xi32, #tpu.memory_space<hbm>> -> memref<80x128xi32, #tpu.memory_space<hbm>>
      tpu.enqueue_dma source(%dma_start3A_22 : memref<80x128xi32, #tpu.memory_space<hbm>>) target(%arg8 : memref<80x128xi32, #tpu.memory_space<vmem>>) target_semaphore(%run_scoped3A : memref<!tpu.dma_semaphore, #tpu.memory_space<semaphore_mem>>)
      %dma_wait3A = arith.constant 0 : i32
      %dma_wait3A_23 = arith.constant 0 : i32
      %dma_wait3A_24 = tpu.memref_slice %arg3[%add3A, %dma_wait3A, %dma_wait3A_23] : memref<32x80x128xi32, #tpu.memory_space<hbm>> -> memref<1x80x128xi32, #tpu.memory_space<hbm>>
      %dma_wait3A_25 = tpu.memref_squeeze %dma_wait3A_24 : memref<1x80x128xi32, #tpu.memory_space<hbm>> -> memref<80x128xi32, #tpu.memory_space<hbm>>
      %dma_wait3A_26 = arith.constant 0 : i32
      %dma_wait3A_27 = arith.constant 0 : i32
      %dma_wait3A_28 = tpu.memref_slice %arg3[%add3A, %dma_wait3A_26, %dma_wait3A_27] : memref<32x80x128xi32, #tpu.memory_space<hbm>> -> memref<1x80x128xi32, #tpu.memory_space<hbm>>
      %dma_wait3A_29 = tpu.memref_squeeze %dma_wait3A_28 : memref<1x80x128xi32, #tpu.memory_space<hbm>> -> memref<80x128xi32, #tpu.memory_space<hbm>>
      tpu.wait_dma2 semaphore(%run_scoped3A : memref<!tpu.dma_semaphore, #tpu.memory_space<semaphore_mem>>) src(%dma_wait3A_29 : memref<80x128xi32, #tpu.memory_space<hbm>>) dst(%arg8 : memref<80x128xi32, #tpu.memory_space<vmem>>)
      tpu.yield
    }) : () -> ()
    %barrier3A = arith.constant 0 : index
    tpu.barrier barrier_id(%barrier3A)
    %dma_start3A = arith.constant 0 : i32
    %dma_start3A_3 = arith.constant 0 : i32
    %dma_start3A_4 = tpu.memref_slice %arg7[%dma_start3A, %dma_start3A_3] : memref<80x128xi32, #tpu.memory_space<vmem>> -> memref<1x128xi32, #tpu.memory_space<vmem>>
    %dma_start3A_5 = tpu.memref_squeeze %dma_start3A_4 : memref<1x128xi32, #tpu.memory_space<vmem>> -> memref<128xi32, #tpu.memory_space<vmem>>
    %dma_start3A_6 = arith.constant 0 : i32
    %dma_start3A_7 = arith.constant 0 : i32
    %dma_start3A_8 = tpu.memref_slice %arg4[%dma_start3A_6, %dma_start3A_7] : memref<10240x128xf32, #tpu.memory_space<hbm>> -> memref<10240x128xf32, #tpu.memory_space<hbm>>
    tpu.enqueue_indirect_dma source(%dma_start3A_8 : memref<10240x128xf32, #tpu.memory_space<hbm>>) target(%arg9 : memref<128x128xf32, #tpu.memory_space<vmem>>) offsets(%dma_start3A_5 : memref<128xi32, #tpu.memory_space<vmem>>) semaphore(%arg11 : memref<!tpu.dma_semaphore, #tpu.memory_space<semaphore_mem>>)
    %scan3A = arith.constant 0 : i32
    %scan3A_9 = arith.constant 0 : i32
    %scan3A_10 = arith.constant 80 : i32
    %scan3A_11 = arith.addi %scan3A_9, %scan3A_10 : i32
    %scan3A_12 = arith.constant 1 : i32
    scf.for %scan3A_15 = %scan3A_9 to %scan3A_11 step %scan3A_12  : i32 {
      %dma_wait3A = arith.constant 0 : i32
      %dma_wait3A_16 = tpu.memref_slice %arg7[%scan3A_15, %dma_wait3A] : memref<80x128xi32, #tpu.memory_space<vmem>> -> memref<1x128xi32, #tpu.memory_space<vmem>>
      %dma_wait3A_17 = tpu.memref_squeeze %dma_wait3A_16 : memref<1x128xi32, #tpu.memory_space<vmem>> -> memref<128xi32, #tpu.memory_space<vmem>>
      %dma_wait3A_18 = arith.constant 0 : i32
      %dma_wait3A_19 = arith.constant 0 : i32
      %dma_wait3A_20 = tpu.memref_slice %arg4[%dma_wait3A_18, %dma_wait3A_19] : memref<10240x128xf32, #tpu.memory_space<hbm>> -> memref<10240x128xf32, #tpu.memory_space<hbm>>
      tpu.wait_indirect_dma semaphore(%arg11 : memref<!tpu.dma_semaphore, #tpu.memory_space<semaphore_mem>>) src(%dma_wait3A_20 : memref<10240x128xf32, #tpu.memory_space<hbm>>) dst(%arg9 : memref<128x128xf32, #tpu.memory_space<vmem>>)
      %dma_start3A_21 = arith.constant 0 : i32
      %dma_start3A_22 = tpu.memref_slice %arg8[%scan3A_15, %dma_start3A_21] : memref<80x128xi32, #tpu.memory_space<vmem>> -> memref<1x128xi32, #tpu.memory_space<vmem>>
      %dma_start3A_23 = tpu.memref_squeeze %dma_start3A_22 : memref<1x128xi32, #tpu.memory_space<vmem>> -> memref<128xi32, #tpu.memory_space<vmem>>
      %dma_start3A_24 = arith.constant 0 : i32
      %dma_start3A_25 = arith.constant 0 : i32
      %dma_start3A_26 = tpu.memref_slice %arg10[%dma_start3A_24, %dma_start3A_25] : memref<10240x128xf32, #tpu.memory_space<vmem_shared>> -> memref<10240x128xf32, #tpu.memory_space<vmem_shared>>
      tpu.enqueue_indirect_dma source(%arg9 : memref<128x128xf32, #tpu.memory_space<vmem>>) target(%dma_start3A_26 : memref<10240x128xf32, #tpu.memory_space<vmem_shared>>) offsets(%dma_start3A_23 : memref<128xi32, #tpu.memory_space<vmem>>) semaphore(%arg12 : memref<!tpu.dma_semaphore, #tpu.memory_space<semaphore_mem>>) {add = true}
      %dma_wait3A_27 = arith.constant 0 : i32
      %dma_wait3A_28 = tpu.memref_slice %arg8[%scan3A_15, %dma_wait3A_27] : memref<80x128xi32, #tpu.memory_space<vmem>> -> memref<1x128xi32, #tpu.memory_space<vmem>>
      %dma_wait3A_29 = tpu.memref_squeeze %dma_wait3A_28 : memref<1x128xi32, #tpu.memory_space<vmem>> -> memref<128xi32, #tpu.memory_space<vmem>>
      %dma_wait3A_30 = arith.constant 0 : i32
      %dma_wait3A_31 = arith.constant 0 : i32
      %dma_wait3A_32 = tpu.memref_slice %arg10[%dma_wait3A_30, %dma_wait3A_31] : memref<10240x128xf32, #tpu.memory_space<vmem_shared>> -> memref<10240x128xf32, #tpu.memory_space<vmem_shared>>
      tpu.wait_indirect_dma semaphore(%arg12 : memref<!tpu.dma_semaphore, #tpu.memory_space<semaphore_mem>>) src(%arg9 : memref<128x128xf32, #tpu.memory_space<vmem>>) dst(%dma_wait3A_32 : memref<10240x128xf32, #tpu.memory_space<vmem_shared>>)
      %add3A_33 = arith.constant 1 : i32
      %add3A_34 = arith.addi %scan3A_15, %add3A_33 : i32
      %lt3A = arith.constant 80 : i32
      %lt3A_35 = arith.cmpi slt, %add3A_34, %lt3A : i32
      %convert_element_type3A = arith.extui %lt3A_35 : i1 to i32
      %cond3A = arith.constant 0 : i32
      %cond3A_36 = arith.cmpi ne, %convert_element_type3A, %cond3A : i32
      scf.if %cond3A_36 {
        %add3A_37 = arith.constant 1 : i32
        %add3A_38 = arith.addi %scan3A_15, %add3A_37 : i32
        %dma_start3A_39 = arith.constant 0 : i32
        %dma_start3A_40 = tpu.memref_slice %arg7[%add3A_38, %dma_start3A_39] : memref<80x128xi32, #tpu.memory_space<vmem>> -> memref<1x128xi32, #tpu.memory_space<vmem>>
        %dma_start3A_41 = tpu.memref_squeeze %dma_start3A_40 : memref<1x128xi32, #tpu.memory_space<vmem>> -> memref<128xi32, #tpu.memory_space<vmem>>
        %dma_start3A_42 = arith.constant 0 : i32
        %dma_start3A_43 = arith.constant 0 : i32
        %dma_start3A_44 = tpu.memref_slice %arg4[%dma_start3A_42, %dma_start3A_43] : memref<10240x128xf32, #tpu.memory_space<hbm>> -> memref<10240x128xf32, #tpu.memory_space<hbm>>
        tpu.enqueue_indirect_dma source(%dma_start3A_44 : memref<10240x128xf32, #tpu.memory_space<hbm>>) target(%arg9 : memref<128x128xf32, #tpu.memory_space<vmem>>) offsets(%dma_start3A_41 : memref<128xi32, #tpu.memory_space<vmem>>) semaphore(%arg11 : memref<!tpu.dma_semaphore, #tpu.memory_space<semaphore_mem>>)
      } else {
      }
    }
    %scan3A_13 = arith.constant 80 : i32
    %barrier3A_14 = arith.constant 0 : index
    tpu.barrier barrier_id(%barrier3A_14)
    "tpu.region"() ({
      %run_scoped3A = tpu.sem_alloc : memref<!tpu.dma_semaphore, #tpu.memory_space<semaphore_mem>>
      %dma_start3A_15 = arith.constant 0 : i32
      %dma_start3A_16 = arith.constant 0 : i32
      %dma_start3A_17 = tpu.memref_slice %arg6[%arg0, %dma_start3A_15, %dma_start3A_16] : memref<2x10240x128xf32, #tpu.memory_space<hbm>> -> memref<1x10240x128xf32, #tpu.memory_space<hbm>>
      %dma_start3A_18 = tpu.memref_squeeze %dma_start3A_17 : memref<1x10240x128xf32, #tpu.memory_space<hbm>> -> memref<10240x128xf32, #tpu.memory_space<hbm>>
      %dma_start3A_19 = arith.constant 0 : i32
      %dma_start3A_20 = tpu.memref_slice %dma_start3A_18[%mul3A_2, %dma_start3A_19] : memref<10240x128xf32, #tpu.memory_space<hbm>> -> memref<640x128xf32, #tpu.memory_space<hbm>>
      %dma_start3A_21 = arith.constant 0 : i32
      %dma_start3A_22 = tpu.memref_slice %arg10[%mul3A_2, %dma_start3A_21] : memref<10240x128xf32, #tpu.memory_space<vmem_shared>> -> memref<640x128xf32, #tpu.memory_space<vmem_shared>>
      tpu.enqueue_dma source(%dma_start3A_22 : memref<640x128xf32, #tpu.memory_space<vmem_shared>>) target(%dma_start3A_20 : memref<640x128xf32, #tpu.memory_space<hbm>>) target_semaphore(%run_scoped3A : memref<!tpu.dma_semaphore, #tpu.memory_space<semaphore_mem>>)
      %dma_wait3A = arith.constant 0 : i32
      %dma_wait3A_23 = arith.constant 0 : i32
      %dma_wait3A_24 = tpu.memref_slice %arg6[%arg0, %dma_wait3A, %dma_wait3A_23] : memref<2x10240x128xf32, #tpu.memory_space<hbm>> -> memref<1x10240x128xf32, #tpu.memory_space<hbm>>
      %dma_wait3A_25 = tpu.memref_squeeze %dma_wait3A_24 : memref<1x10240x128xf32, #tpu.memory_space<hbm>> -> memref<10240x128xf32, #tpu.memory_space<hbm>>
      %dma_wait3A_26 = arith.constant 0 : i32
      %dma_wait3A_27 = tpu.memref_slice %dma_wait3A_25[%mul3A_2, %dma_wait3A_26] : memref<10240x128xf32, #tpu.memory_space<hbm>> -> memref<640x128xf32, #tpu.memory_space<hbm>>
      %dma_wait3A_28 = arith.constant 0 : i32
      %dma_wait3A_29 = tpu.memref_slice %arg10[%mul3A_2, %dma_wait3A_28] : memref<10240x128xf32, #tpu.memory_space<vmem_shared>> -> memref<640x128xf32, #tpu.memory_space<vmem_shared>>
      tpu.wait_dma2 semaphore(%run_scoped3A : memref<!tpu.dma_semaphore, #tpu.memory_space<semaphore_mem>>) src(%dma_wait3A_29 : memref<640x128xf32, #tpu.memory_space<vmem_shared>>) dst(%dma_wait3A_27 : memref<640x128xf32, #tpu.memory_space<hbm>>)
      tpu.yield
    }) : () -> ()
    return
  }
}

module attributes {stable_mosaic.version = 14 : i64} {
  func.func @_mm_body(%arg0: i32, %arg1: memref<2048x128xf32, #tpu.memory_space<vmem>>, %arg2: memref<128x128xf32, #tpu.memory_space<vmem>>, %arg3: memref<2048x128xf32, #tpu.memory_space<vmem>>) attributes {dimension_semantics = [#tpu.dimension_semantics<arbitrary>], iteration_bounds = array<i64: 5>, scalar_prefetch = 0 : i64, scratch_operands = 0 : i64, tpu.core_type = #tpu.core_type<tc>, window_params = [{transform_indices = @transform_0, window_bounds = array<i64: 2048, 128>}, {pipeline_mode = #tpu.pipeline_mode<synchronous>, transform_indices = @transform_1, window_bounds = array<i64: 128, 128>}, {transform_indices = @transform_2, window_bounds = array<i64: 2048, 128>}]} {
    %get3A = arith.constant 0 : index
    %get3A_0 = arith.constant 0 : index
    %get3A_1 = vector.load %arg1[%get3A, %get3A_0] : memref<2048x128xf32, #tpu.memory_space<vmem>>, vector<2048x128xf32>
    %get3A_2 = arith.constant 0 : index
    %get3A_3 = arith.constant 0 : index
    %get3A_4 = vector.load %arg2[%get3A_2, %get3A_3] : memref<128x128xf32, #tpu.memory_space<vmem>>, vector<128x128xf32>
    %dot_general3A = arith.constant dense<0.000000e+00> : vector<2048x128xf32>
    %dot_general3A_5 = tpu.matmul %get3A_1, %get3A_4, %dot_general3A {dimension_numbers = #tpu.dot_dimension_numbers<[1], [0], [0], [1], [0, 0, 1, 1], [], []>, transpose_lhs_hint = false} : vector<2048x128xf32>, vector<128x128xf32>, vector<2048x128xf32> -> vector<2048x128xf32>
    %swap3A = arith.constant 0 : index
    %swap3A_6 = arith.constant 0 : index
    %swap3A_7 = vector.load %arg3[%swap3A, %swap3A_6] : memref<2048x128xf32, #tpu.memory_space<vmem>>, vector<2048x128xf32>
    tpu.vector_store %arg3[%swap3A, %swap3A_6], %dot_general3A_5 {strides = array<i32>} : memref<2048x128xf32, #tpu.memory_space<vmem>>, vector<2048x128xf32>,
    return
  }
  func.func @transform_0(%arg0: i32) -> (i32, i32) {
    %c0_i32 = arith.constant 0 : i32
    %c0_i32_0 = arith.constant 0 : i32
    return %arg0, %c0_i32 : i32, i32
  }
  func.func @transform_1(%arg0: i32) -> (i32, i32) {
    %c0_i32 = arith.constant 0 : i32
    %c0_i32_0 = arith.constant 0 : i32
    %c0_i32_1 = arith.constant 0 : i32
    return %c0_i32, %c0_i32_0 : i32, i32
  }
  func.func @transform_2(%arg0: i32) -> (i32, i32) {
    %c0_i32 = arith.constant 0 : i32
    %c0_i32_0 = arith.constant 0 : i32
    return %arg0, %c0_i32 : i32, i32
  }
}

module attributes {stable_mosaic.version = 14 : i64} {
  func.func @_degsum_body(%arg0: i32, %arg1: memref<32x2048xf32, #tpu.memory_space<vmem>>, %arg2: memref<8x2048xf32, #tpu.memory_space<vmem>>) attributes {dimension_semantics = [#tpu.dimension_semantics<arbitrary>], iteration_bounds = array<i64: 5>, scalar_prefetch = 0 : i64, scratch_operands = 0 : i64, tpu.core_type = #tpu.core_type<tc>, window_params = [{transform_indices = @transform_0, window_bounds = array<i64: 32, 2048>}, {transform_indices = @transform_1, window_bounds = array<i64: 8, 2048>}]} {
    %get3A = arith.constant 0 : index
    %get3A_0 = arith.constant 0 : index
    %get3A_1 = vector.load %arg1[%get3A, %get3A_0] : memref<32x2048xf32, #tpu.memory_space<vmem>>, vector<32x2048xf32>
    %reduce_sum3A = arith.constant dense<0.000000e+00> : vector<2048xf32>
    %reduce_sum3A_2 = vector.multi_reduction <add>, %get3A_1, %reduce_sum3A [0] : vector<32x2048xf32> to vector<2048xf32>
    %broadcast_in_dim3A = vector.shape_cast %reduce_sum3A_2 : vector<2048xf32> to vector<1x2048xf32>
    %broadcast_in_dim3A_3 = vector.shape_cast %broadcast_in_dim3A : vector<1x2048xf32> to vector<1x2048xf32>
    %broadcast_in_dim3A_4 = vector.broadcast %broadcast_in_dim3A_3 : vector<1x2048xf32> to vector<8x2048xf32>
    %swap3A = arith.constant 0 : index
    %swap3A_5 = arith.constant 0 : index
    %swap3A_6 = vector.load %arg2[%swap3A, %swap3A_5] : memref<8x2048xf32, #tpu.memory_space<vmem>>, vector<8x2048xf32>
    tpu.vector_store %arg2[%swap3A, %swap3A_5], %broadcast_in_dim3A_4 {strides = array<i32>} : memref<8x2048xf32, #tpu.memory_space<vmem>>, vector<8x2048xf32>,
    return
  }
  func.func @transform_0(%arg0: i32) -> (i32, i32) {
    %c0_i32 = arith.constant 0 : i32
    %c0_i32_0 = arith.constant 0 : i32
    return %c0_i32, %arg0 : i32, i32
  }
  func.func @transform_1(%arg0: i32) -> (i32, i32) {
    %c0_i32 = arith.constant 0 : i32
    %c0_i32_0 = arith.constant 0 : i32
    return %c0_i32, %arg0 : i32, i32
  }
}

module attributes {stable_mosaic.version = 14 : i64} {
  func.func @_scale_body(%arg0: i32, %arg1: memref<2048x128xf32, #tpu.memory_space<vmem>>, %arg2: memref<2048x16xf32, #tpu.memory_space<vmem>>, %arg3: memref<2048x128xf32, #tpu.memory_space<vmem>>, %arg4: memref<2048x128xf32, #tpu.memory_space<vmem>>) attributes {dimension_semantics = [#tpu.dimension_semantics<arbitrary>], iteration_bounds = array<i64: 5>, scalar_prefetch = 0 : i64, scratch_operands = 0 : i64, tpu.core_type = #tpu.core_type<tc>, window_params = [{transform_indices = @transform_0, window_bounds = array<i64: 2048, 128>}, {transform_indices = @transform_1, window_bounds = array<i64: 2048, 16>}, {transform_indices = @transform_2, window_bounds = array<i64: 2048, 128>}, {transform_indices = @transform_3, window_bounds = array<i64: 2048, 128>}]} {
    %get3A = arith.constant 0 : index
    %get3A_0 = arith.constant 0 : index
    %get3A_1 = vector.load %arg2[%get3A, %get3A_0] : memref<2048x16xf32, #tpu.memory_space<vmem>>, vector<2048x16xf32>
    %slice3A = vector.extract_strided_slice %get3A_1 {offsets = [0, 0], sizes = [2048, 1], strides = [1, 1]} : vector<2048x16xf32> to vector<2048x1xf32>
    %add3A = arith.constant 1.000000e+00 : f32
    %add3A_2 = vector.broadcast %add3A : f32 to vector<2048x1xf32>
    %add3A_3 = arith.addf %slice3A, %add3A_2 : vector<2048x1xf32>
    %sqrt3A = math.sqrt %add3A_3 : vector<2048x1xf32>
    %div3A = arith.constant 1.000000e+00 : f32
    %div3A_4 = vector.broadcast %div3A : f32 to vector<2048x1xf32>
    %div3A_5 = arith.divf %div3A_4, %sqrt3A : vector<2048x1xf32>
    %broadcast_in_dim3A = vector.shape_cast %div3A_5 : vector<2048x1xf32> to vector<2048x1xf32>
    %broadcast_in_dim3A_6 = vector.broadcast %broadcast_in_dim3A : vector<2048x1xf32> to vector<2048x128xf32>
    %swap3A = arith.constant 0 : index
    %swap3A_7 = arith.constant 0 : index
    %swap3A_8 = vector.load %arg4[%swap3A, %swap3A_7] : memref<2048x128xf32, #tpu.memory_space<vmem>>, vector<2048x128xf32>
    tpu.vector_store %arg4[%swap3A, %swap3A_7], %broadcast_in_dim3A_6 {strides = array<i32>} : memref<2048x128xf32, #tpu.memory_space<vmem>>, vector<2048x128xf32>,
    %get3A_9 = arith.constant 0 : index
    %get3A_10 = arith.constant 0 : index
    %get3A_11 = vector.load %arg1[%get3A_9, %get3A_10] : memref<2048x128xf32, #tpu.memory_space<vmem>>, vector<2048x128xf32>
    %mul3A = arith.mulf %broadcast_in_dim3A_6, %get3A_11 : vector<2048x128xf32>
    %swap3A_12 = arith.constant 0 : index
    %swap3A_13 = arith.constant 0 : index
    %swap3A_14 = vector.load %arg3[%swap3A_12, %swap3A_13] : memref<2048x128xf32, #tpu.memory_space<vmem>>, vector<2048x128xf32>
    tpu.vector_store %arg3[%swap3A_12, %swap3A_13], %mul3A {strides = array<i32>} : memref<2048x128xf32, #tpu.memory_space<vmem>>, vector<2048x128xf32>,
    return
  }
  func.func @transform_0(%arg0: i32) -> (i32, i32) {
    %c0_i32 = arith.constant 0 : i32
    %c0_i32_0 = arith.constant 0 : i32
    return %arg0, %c0_i32 : i32, i32
  }
  func.func @transform_1(%arg0: i32) -> (i32, i32) {
    %c0_i32 = arith.constant 0 : i32
    %c0_i32_0 = arith.constant 0 : i32
    return %arg0, %c0_i32 : i32, i32
  }
  func.func @transform_2(%arg0: i32) -> (i32, i32) {
    %c0_i32 = arith.constant 0 : i32
    %c0_i32_0 = arith.constant 0 : i32
    return %arg0, %c0_i32 : i32, i32
  }
  func.func @transform_3(%arg0: i32) -> (i32, i32) {
    %c0_i32 = arith.constant 0 : i32
    %c0_i32_0 = arith.constant 0 : i32
    return %arg0, %c0_i32 : i32, i32
  }
}

module attributes {stable_mosaic.version = 14 : i64} {
  func.func @_post_body(%arg0: i32, %arg1: memref<2x2048x128xf32, #tpu.memory_space<vmem>>, %arg2: memref<2048x128xf32, #tpu.memory_space<vmem>>, %arg3: memref<2048x128xf32, #tpu.memory_space<vmem>>, %arg4: memref<8x128xf32, #tpu.memory_space<vmem>>, %arg5: memref<128x128xf32, #tpu.memory_space<vmem>>, %arg6: memref<2048x128xf32, #tpu.memory_space<vmem>>, %arg7: memref<2048x128xf32, #tpu.memory_space<vmem>>) attributes {dimension_semantics = [#tpu.dimension_semantics<arbitrary>], iteration_bounds = array<i64: 5>, scalar_prefetch = 0 : i64, scratch_operands = 0 : i64, tpu.core_type = #tpu.core_type<tc>, window_params = [{transform_indices = @transform_0, window_bounds = array<i64: 2, 2048, 128>}, {transform_indices = @transform_1, window_bounds = array<i64: 2048, 128>}, {transform_indices = @transform_2, window_bounds = array<i64: 2048, 128>}, {pipeline_mode = #tpu.pipeline_mode<synchronous>, transform_indices = @transform_3, window_bounds = array<i64: 8, 128>}, {pipeline_mode = #tpu.pipeline_mode<synchronous>, transform_indices = @transform_4, window_bounds = array<i64: 128, 128>}, {transform_indices = @transform_5, window_bounds = array<i64: 2048, 128>}, {transform_indices = @transform_6, window_bounds = array<i64: 2048, 128>}]} {
    %get3A = arith.constant 0 : index
    %get3A_0 = arith.constant 0 : index
    %get3A_1 = arith.constant 0 : index
    %get3A_2 = vector.load %arg1[%get3A, %get3A_0, %get3A_1] : memref<2x2048x128xf32, #tpu.memory_space<vmem>>, vector<2x2048x128xf32>
    %slice3A = vector.extract_strided_slice %get3A_2 {offsets = [0, 0, 0], sizes = [1, 2048, 128], strides = [1, 1, 1]} : vector<2x2048x128xf32> to vector<1x2048x128xf32>
    %squeeze3A = vector.shape_cast %slice3A : vector<1x2048x128xf32> to vector<2048x128xf32>
    %slice3A_3 = vector.extract_strided_slice %get3A_2 {offsets = [1, 0, 0], sizes = [1, 2048, 128], strides = [1, 1, 1]} : vector<2x2048x128xf32> to vector<1x2048x128xf32>
    %squeeze3A_4 = vector.shape_cast %slice3A_3 : vector<1x2048x128xf32> to vector<2048x128xf32>
    %add3A = arith.addf %squeeze3A, %squeeze3A_4 : vector<2048x128xf32>
    %get3A_5 = arith.constant 0 : index
    %get3A_6 = arith.constant 0 : index
    %get3A_7 = vector.load %arg3[%get3A_5, %get3A_6] : memref<2048x128xf32, #tpu.memory_space<vmem>>, vector<2048x128xf32>
    %mul3A = arith.mulf %get3A_7, %add3A : vector<2048x128xf32>
    %get3A_8 = arith.constant 0 : index
    %get3A_9 = arith.constant 0 : index
    %get3A_10 = vector.load %arg2[%get3A_8, %get3A_9] : memref<2048x128xf32, #tpu.memory_space<vmem>>, vector<2048x128xf32>
    %mul3A_11 = arith.mulf %get3A_10, %get3A_7 : vector<2048x128xf32>
    %mul3A_12 = arith.mulf %mul3A_11, %get3A_7 : vector<2048x128xf32>
    %add3A_13 = arith.addf %mul3A, %mul3A_12 : vector<2048x128xf32>
    %get3A_14 = arith.constant 0 : index
    %get3A_15 = arith.constant 0 : index
    %get3A_16 = vector.load %arg4[%get3A_14, %get3A_15] : memref<8x128xf32, #tpu.memory_space<vmem>>, vector<8x128xf32>
    %slice3A_17 = vector.extract_strided_slice %get3A_16 {offsets = [0, 0], sizes = [1, 128], strides = [1, 1]} : vector<8x128xf32> to vector<1x128xf32>
    %add3A_18 = vector.broadcast %slice3A_17 : vector<1x128xf32> to vector<2048x128xf32>
    %add3A_19 = arith.addf %add3A_13, %add3A_18 : vector<2048x128xf32>
    %max3A = arith.constant 0.000000e+00 : f32
    %max3A_20 = vector.broadcast %max3A : f32 to vector<2048x128xf32>
    %max3A_21 = arith.maximumf %add3A_19, %max3A_20 : vector<2048x128xf32>
    %swap3A = arith.constant 0 : index
    %swap3A_22 = arith.constant 0 : index
    %swap3A_23 = vector.load %arg6[%swap3A, %swap3A_22] : memref<2048x128xf32, #tpu.memory_space<vmem>>, vector<2048x128xf32>
    tpu.vector_store %arg6[%swap3A, %swap3A_22], %max3A_21 {strides = array<i32>} : memref<2048x128xf32, #tpu.memory_space<vmem>>, vector<2048x128xf32>,
    %get3A_24 = arith.constant 0 : index
    %get3A_25 = arith.constant 0 : index
    %get3A_26 = vector.load %arg5[%get3A_24, %get3A_25] : memref<128x128xf32, #tpu.memory_space<vmem>>, vector<128x128xf32>
    %mul3A_27 = arith.mulf %get3A_26, %get3A_26 : vector<128x128xf32>
    %reduce_sum3A = vector.shape_cast %mul3A_27 : vector<128x128xf32> to vector<1x128x128xf32>
    %reduce_sum3A_28 = arith.constant dense<0.000000e+00> : vector<1xf32>
    %reduce_sum3A_29 = vector.multi_reduction <add>, %reduce_sum3A, %reduce_sum3A_28 [1, 2] : vector<1x128x128xf32> to vector<1xf32>
    %reduce_sum3A_30 = vector.shape_cast %reduce_sum3A_29 : vector<1xf32> to vector<1x1x1xf32>
    %reduce_sum3A_31 = vector.extract %reduce_sum3A_30[0, 0, 0] : f32 from vector<1x1x1xf32>
    %mul3A_32 = arith.constant 7.812500e-03 : f32
    %mul3A_33 = arith.mulf %reduce_sum3A_31, %mul3A_32 : f32
    %sqrt3A = math.sqrt %mul3A_33 : f32
    %div3A = arith.constant 1.000000e+00 : f32
    %div3A_34 = arith.divf %div3A, %sqrt3A : f32
    %dot_general3A = arith.constant dense<0.000000e+00> : vector<2048x128xf32>
    %dot_general3A_35 = tpu.matmul %max3A_21, %get3A_26, %dot_general3A {dimension_numbers = #tpu.dot_dimension_numbers<[1], [0], [0], [1], [0, 0, 1, 1], [], []>, transpose_lhs_hint = false} : vector<2048x128xf32>, vector<128x128xf32>, vector<2048x128xf32> -> vector<2048x128xf32>
    %mul3A_36 = vector.broadcast %div3A_34 : f32 to vector<2048x128xf32>
    %mul3A_37 = arith.mulf %dot_general3A_35, %mul3A_36 : vector<2048x128xf32>
    %swap3A_38 = arith.constant 0 : index
    %swap3A_39 = arith.constant 0 : index
    %swap3A_40 = vector.load %arg7[%swap3A_38, %swap3A_39] : memref<2048x128xf32, #tpu.memory_space<vmem>>, vector<2048x128xf32>
    tpu.vector_store %arg7[%swap3A_38, %swap3A_39], %mul3A_37 {strides = array<i32>} : memref<2048x128xf32, #tpu.memory_space<vmem>>, vector<2048x128xf32>,
    return
  }
  func.func @transform_0(%arg0: i32) -> (i32, i32, i32) {
    %c0_i32 = arith.constant 0 : i32
    %c0_i32_0 = arith.constant 0 : i32
    %c0_i32_1 = arith.constant 0 : i32
    return %c0_i32, %arg0, %c0_i32_0 : i32, i32, i32
  }
  func.func @transform_1(%arg0: i32) -> (i32, i32) {
    %c0_i32 = arith.constant 0 : i32
    %c0_i32_0 = arith.constant 0 : i32
    return %arg0, %c0_i32 : i32, i32
  }
  func.func @transform_2(%arg0: i32) -> (i32, i32) {
    %c0_i32 = arith.constant 0 : i32
    %c0_i32_0 = arith.constant 0 : i32
    return %arg0, %c0_i32 : i32, i32
  }
  func.func @transform_3(%arg0: i32) -> (i32, i32) {
    %c0_i32 = arith.constant 0 : i32
    %c0_i32_0 = arith.constant 0 : i32
    %c0_i32_1 = arith.constant 0 : i32
    return %c0_i32, %c0_i32_0 : i32, i32
  }
  func.func @transform_4(%arg0: i32) -> (i32, i32) {
    %c0_i32 = arith.constant 0 : i32
    %c0_i32_0 = arith.constant 0 : i32
    %c0_i32_1 = arith.constant 0 : i32
    return %c0_i32, %c0_i32_0 : i32, i32
  }
  func.func @transform_5(%arg0: i32) -> (i32, i32) {
    %c0_i32 = arith.constant 0 : i32
    %c0_i32_0 = arith.constant 0 : i32
    return %arg0, %c0_i32 : i32, i32
  }
  func.func @transform_6(%arg0: i32) -> (i32, i32) {
    %c0_i32 = arith.constant 0 : i32
    %c0_i32_0 = arith.constant 0 : i32
    return %arg0, %c0_i32 : i32, i32
  }
}

module attributes {stable_mosaic.version = 14 : i64} {
  func.func @_topk_body(%arg0: memref<80x128xf32, #tpu.memory_space<vmem>>, %arg1: memref<80x128xf32, #tpu.memory_space<vmem>>, %arg2: memref<80x128xf32, #tpu.memory_space<vmem>>, %arg3: memref<80x128xf32, #tpu.memory_space<vmem>>) attributes {dimension_semantics = [], scalar_prefetch = 0 : i64, scratch_operands = 0 : i64, tpu.core_type = #tpu.core_type<tc>} {
    %get3A = arith.constant 0 : index
    %get3A_0 = arith.constant 0 : index
    %get3A_1 = vector.load %arg0[%get3A, %get3A_0] : memref<80x128xf32, #tpu.memory_space<vmem>>, vector<80x128xf32>
    %add3A = arith.constant 0.000000e+00 : f32
    %add3A_2 = vector.broadcast %add3A : f32 to vector<80x128xf32>
    %add3A_3 = arith.addf %get3A_1, %add3A_2 : vector<80x128xf32>
    %bitcast_convert_type3A = tpu.bitcast %add3A_3 : vector<80x128xf32> -> vector<80x128xi32>
    %shift_right_arithmetic3A = arith.constant 31 : i32
    %shift_right_arithmetic3A_4 = vector.broadcast %shift_right_arithmetic3A : i32 to vector<80x128xi32>
    %shift_right_arithmetic3A_5 = arith.shrsi %bitcast_convert_type3A, %shift_right_arithmetic3A_4 : vector<80x128xi32>
    %and3A = arith.constant 2147483647 : i32
    %and3A_6 = vector.broadcast %and3A : i32 to vector<80x128xi32>
    %and3A_7 = arith.andi %shift_right_arithmetic3A_5, %and3A_6 : vector<80x128xi32>
    %xor3A = arith.xori %bitcast_convert_type3A, %and3A_7 : vector<80x128xi32>
    %iota3A = tpu.iota {dimensions = array<i32: 0>} : vector<80x128xi32>
    %iota3A_8 = tpu.iota {dimensions = array<i32: 1>} : vector<80x128xi32>
    %mul3A = arith.constant 128 : i32
    %mul3A_9 = vector.broadcast %mul3A : i32 to vector<80x128xi32>
    %mul3A_10 = arith.muli %iota3A, %mul3A_9 : vector<80x128xi32>
    %add3A_11 = arith.addi %mul3A_10, %iota3A_8 : vector<80x128xi32>
    %get3A_12 = arith.constant 0 : index
    %get3A_13 = arith.constant 0 : index
    %get3A_14 = vector.load %arg1[%get3A_12, %get3A_13] : memref<80x128xf32, #tpu.memory_space<vmem>>, vector<80x128xf32>
    %gt3A = arith.constant 0.000000e+00 : f32
    %gt3A_15 = vector.broadcast %gt3A : f32 to vector<80x128xf32>
    %gt3A_16 = arith.cmpf ogt, %get3A_14, %gt3A_15 : vector<80x128xf32>
    %lt3A = arith.constant 10000 : i32
    %lt3A_17 = vector.broadcast %lt3A : i32 to vector<80x128xi32>
    %lt3A_18 = arith.cmpi slt, %add3A_11, %lt3A_17 : vector<80x128xi32>
    %and3A_19 = arith.andi %gt3A_16, %lt3A_18 : vector<80x128xi1>
    %jit3A = arith.constant -2147483648 : i32
    %broadcast_in_dim3A = vector.broadcast %jit3A : i32 to vector<80x128xi32>
    %select_n3A = arith.select %and3A_19, %xor3A, %broadcast_in_dim3A : vector<80x128xi1>, vector<80x128xi32>
    %scan3A = arith.constant -2147483648 : i32
    %scan3A_20 = arith.constant 0 : i32
    %scan3A_21 = arith.constant 32 : i32
    %scan3A_22 = arith.addi %scan3A_20, %scan3A_21 : i32
    %scan3A_23 = arith.constant 1 : i32
    %scan3A_24 = scf.for %scan3A_64 = %scan3A_20 to %scan3A_22 step %scan3A_23 iter_args(%scan3A_65 = %scan3A) -> (i32)  : i32 {
      %sub3A_66 = arith.constant 31 : i32
      %sub3A_67 = arith.subi %sub3A_66, %scan3A_64 : i32
      %shift_left3A = arith.constant 1 : i32
      %shift_left3A_68 = arith.shli %shift_left3A, %sub3A_67 : i32
      %xor3A_69 = arith.xori %scan3A_65, %shift_left3A_68 : i32
      %ge3A_70 = vector.broadcast %xor3A_69 : i32 to vector<80x128xi32>
      %ge3A_71 = arith.cmpi sge, %select_n3A, %ge3A_70 : vector<80x128xi32>
      %convert_element_type3A_72 = arith.extui %ge3A_71 : vector<80x128xi1> to vector<80x128xi32>
      %reduce_sum3A_73 = vector.shape_cast %convert_element_type3A_72 : vector<80x128xi32> to vector<1x80x128xi32>
      %reduce_sum3A_74 = arith.constant dense<0> : vector<1xi32>
      %reduce_sum3A_75 = vector.multi_reduction <add>, %reduce_sum3A_73, %reduce_sum3A_74 [1, 2] : vector<1x80x128xi32> to vector<1xi32>
      %reduce_sum3A_76 = vector.shape_cast %reduce_sum3A_75 : vector<1xi32> to vector<1x1x1xi32>
      %reduce_sum3A_77 = vector.extract %reduce_sum3A_76[0, 0, 0] : i32 from vector<1x1x1xi32>
      %ge3A_78 = arith.constant 5000 : i32
      %ge3A_79 = arith.cmpi sge, %reduce_sum3A_77, %ge3A_78 : i32
      %select_n3A_80 = arith.select %ge3A_79, %xor3A_69, %scan3A_65 : i32
      scf.yield %select_n3A_80 : i32
    }
    %scan3A_25 = arith.constant 32 : i32
    %gt3A_26 = vector.broadcast %scan3A_24 : i32 to vector<80x128xi32>
    %gt3A_27 = arith.cmpi sgt, %select_n3A, %gt3A_26 : vector<80x128xi32>
    %convert_element_type3A = arith.extui %gt3A_27 : vector<80x128xi1> to vector<80x128xi32>
    %reduce_sum3A = vector.shape_cast %convert_element_type3A : vector<80x128xi32> to vector<1x80x128xi32>
    %reduce_sum3A_28 = arith.constant dense<0> : vector<1xi32>
    %reduce_sum3A_29 = vector.multi_reduction <add>, %reduce_sum3A, %reduce_sum3A_28 [1, 2] : vector<1x80x128xi32> to vector<1xi32>
    %reduce_sum3A_30 = vector.shape_cast %reduce_sum3A_29 : vector<1xi32> to vector<1x1x1xi32>
    %reduce_sum3A_31 = vector.extract %reduce_sum3A_30[0, 0, 0] : i32 from vector<1x1x1xi32>
    %sub3A = arith.constant 5000 : i32
    %sub3A_32 = arith.subi %sub3A, %reduce_sum3A_31 : i32
    %eq3A = vector.broadcast %scan3A_24 : i32 to vector<80x128xi32>
    %eq3A_33 = arith.cmpi eq, %select_n3A, %eq3A : vector<80x128xi32>
    %sub3A_34 = arith.constant 16383 : i32
    %sub3A_35 = vector.broadcast %sub3A_34 : i32 to vector<80x128xi32>
    %sub3A_36 = arith.subi %sub3A_35, %add3A_11 : vector<80x128xi32>
    %jit3A_37 = arith.constant -1 : i32
    %broadcast_in_dim3A_38 = vector.broadcast %jit3A_37 : i32 to vector<80x128xi32>
    %select_n3A_39 = arith.select %eq3A_33, %sub3A_36, %broadcast_in_dim3A_38 : vector<80x128xi1>, vector<80x128xi32>
    %scan3A_40 = arith.constant 0 : i32
    %scan3A_41 = arith.constant 0 : i32
    %scan3A_42 = arith.constant 14 : i32
    %scan3A_43 = arith.addi %scan3A_41, %scan3A_42 : i32
    %scan3A_44 = arith.constant 1 : i32
    %scan3A_45 = scf.for %scan3A_64 = %scan3A_41 to %scan3A_43 step %scan3A_44 iter_args(%scan3A_65 = %scan3A_40) -> (i32)  : i32 {
      %sub3A_66 = arith.constant 13 : i32
      %sub3A_67 = arith.subi %sub3A_66, %scan3A_64 : i32
      %shift_left3A = arith.constant 1 : i32
      %shift_left3A_68 = arith.shli %shift_left3A, %sub3A_67 : i32
      %or3A_69 = arith.ori %scan3A_65, %shift_left3A_68 : i32
      %ge3A_70 = vector.broadcast %or3A_69 : i32 to vector<80x128xi32>
      %ge3A_71 = arith.cmpi sge, %select_n3A_39, %ge3A_70 : vector<80x128xi32>
      %convert_element_type3A_72 = arith.extui %ge3A_71 : vector<80x128xi1> to vector<80x128xi32>
      %reduce_sum3A_73 = vector.shape_cast %convert_element_type3A_72 : vector<80x128xi32> to vector<1x80x128xi32>
      %reduce_sum3A_74 = arith.constant dense<0> : vector<1xi32>
      %reduce_sum3A_75 = vector.multi_reduction <add>, %reduce_sum3A_73, %reduce_sum3A_74 [1, 2] : vector<1x80x128xi32> to vector<1xi32>
      %reduce_sum3A_76 = vector.shape_cast %reduce_sum3A_75 : vector<1xi32> to vector<1x1x1xi32>
      %reduce_sum3A_77 = vector.extract %reduce_sum3A_76[0, 0, 0] : i32 from vector<1x1x1xi32>
      %ge3A_78 = arith.cmpi sge, %reduce_sum3A_77, %sub3A_32 : i32
      %select_n3A_79 = arith.select %ge3A_78, %or3A_69, %scan3A_65 : i32
      scf.yield %select_n3A_79 : i32
    }
    %scan3A_46 = arith.constant 14 : i32
    %gt3A_47 = vector.broadcast %scan3A_24 : i32 to vector<80x128xi32>
    %gt3A_48 = arith.cmpi sgt, %select_n3A, %gt3A_47 : vector<80x128xi32>
    %eq3A_49 = vector.broadcast %scan3A_24 : i32 to vector<80x128xi32>
    %eq3A_50 = arith.cmpi eq, %select_n3A, %eq3A_49 : vector<80x128xi32>
    %ge3A = vector.broadcast %scan3A_45 : i32 to vector<80x128xi32>
    %ge3A_51 = arith.cmpi sge, %select_n3A_39, %ge3A : vector<80x128xi32>
    %and3A_52 = arith.andi %eq3A_50, %ge3A_51 : vector<80x128xi1>
    %or3A = arith.ori %gt3A_48, %and3A_52 : vector<80x128xi1>
    %convert_element_type3A_53 = arith.extui %or3A : vector<80x128xi1> to vector<80x128xi32>
    %convert_element_type3A_54 = arith.sitofp %convert_element_type3A_53 : vector<80x128xi32> to vector<80x128xf32>
    %swap3A = arith.constant 0 : index
    %swap3A_55 = arith.constant 0 : index
    %swap3A_56 = vector.load %arg2[%swap3A, %swap3A_55] : memref<80x128xf32, #tpu.memory_space<vmem>>, vector<80x128xf32>
    tpu.vector_store %arg2[%swap3A, %swap3A_55], %convert_element_type3A_54 {strides = array<i32>} : memref<80x128xf32, #tpu.memory_space<vmem>>, vector<80x128xf32>,
    %get3A_57 = arith.constant 0 : index
    %get3A_58 = arith.constant 0 : index
    %get3A_59 = vector.load %arg0[%get3A_57, %get3A_58] : memref<80x128xf32, #tpu.memory_space<vmem>>, vector<80x128xf32>
    %tanh3A = math.tanh %get3A_59 : vector<80x128xf32>
    %mul3A_60 = arith.mulf %convert_element_type3A_54, %tanh3A : vector<80x128xf32>
    %swap3A_61 = arith.constant 0 : index
    %swap3A_62 = arith.constant 0 : index
    %swap3A_63 = vector.load %arg3[%swap3A_61, %swap3A_62] : memref<80x128xf32, #tpu.memory_space<vmem>>, vector<80x128xf32>
    tpu.vector_store %arg3[%swap3A_61, %swap3A_62], %mul3A_60 {strides = array<i32>} : memref<80x128xf32, #tpu.memory_space<vmem>>, vector<80x128xf32>,
    return
  }
}

module attributes {stable_mosaic.version = 14 : i64} {
  func.func @_mm_gated_body(%arg0: i32, %arg1: memref<2048x128xf32, #tpu.memory_space<vmem>>, %arg2: memref<2048x128xf32, #tpu.memory_space<vmem>>, %arg3: memref<128x128xf32, #tpu.memory_space<vmem>>, %arg4: memref<2048x128xf32, #tpu.memory_space<vmem>>) attributes {dimension_semantics = [#tpu.dimension_semantics<arbitrary>], iteration_bounds = array<i64: 5>, scalar_prefetch = 0 : i64, scratch_operands = 0 : i64, tpu.core_type = #tpu.core_type<tc>, window_params = [{transform_indices = @transform_0, window_bounds = array<i64: 2048, 128>}, {transform_indices = @transform_1, window_bounds = array<i64: 2048, 128>}, {pipeline_mode = #tpu.pipeline_mode<synchronous>, transform_indices = @transform_2, window_bounds = array<i64: 128, 128>}, {transform_indices = @transform_3, window_bounds = array<i64: 2048, 128>}]} {
    %get3A = arith.constant 0 : index
    %get3A_0 = arith.constant 0 : index
    %get3A_1 = vector.load %arg1[%get3A, %get3A_0] : memref<2048x128xf32, #tpu.memory_space<vmem>>, vector<2048x128xf32>
    %get3A_2 = arith.constant 0 : index
    %get3A_3 = arith.constant 0 : index
    %get3A_4 = vector.load %arg2[%get3A_2, %get3A_3] : memref<2048x128xf32, #tpu.memory_space<vmem>>, vector<2048x128xf32>
    %mul3A = arith.mulf %get3A_1, %get3A_4 : vector<2048x128xf32>
    %get3A_5 = arith.constant 0 : index
    %get3A_6 = arith.constant 0 : index
    %get3A_7 = vector.load %arg3[%get3A_5, %get3A_6] : memref<128x128xf32, #tpu.memory_space<vmem>>, vector<128x128xf32>
    %dot_general3A = arith.constant dense<0.000000e+00> : vector<2048x128xf32>
    %dot_general3A_8 = tpu.matmul %mul3A, %get3A_7, %dot_general3A {dimension_numbers = #tpu.dot_dimension_numbers<[1], [0], [0], [1], [0, 0, 1, 1], [], []>, transpose_lhs_hint = false} : vector<2048x128xf32>, vector<128x128xf32>, vector<2048x128xf32> -> vector<2048x128xf32>
    %swap3A = arith.constant 0 : index
    %swap3A_9 = arith.constant 0 : index
    %swap3A_10 = vector.load %arg4[%swap3A, %swap3A_9] : memref<2048x128xf32, #tpu.memory_space<vmem>>, vector<2048x128xf32>
    tpu.vector_store %arg4[%swap3A, %swap3A_9], %dot_general3A_8 {strides = array<i32>} : memref<2048x128xf32, #tpu.memory_space<vmem>>, vector<2048x128xf32>,
    return
  }
  func.func @transform_0(%arg0: i32) -> (i32, i32) {
    %c0_i32 = arith.constant 0 : i32
    %c0_i32_0 = arith.constant 0 : i32
    return %arg0, %c0_i32 : i32, i32
  }
  func.func @transform_1(%arg0: i32) -> (i32, i32) {
    %c0_i32 = arith.constant 0 : i32
    %c0_i32_0 = arith.constant 0 : i32
    return %arg0, %c0_i32 : i32, i32
  }
  func.func @transform_2(%arg0: i32) -> (i32, i32) {
    %c0_i32 = arith.constant 0 : i32
    %c0_i32_0 = arith.constant 0 : i32
    %c0_i32_1 = arith.constant 0 : i32
    return %c0_i32, %c0_i32_0 : i32, i32
  }
  func.func @transform_3(%arg0: i32) -> (i32, i32) {
    %c0_i32 = arith.constant 0 : i32
    %c0_i32_0 = arith.constant 0 : i32
    return %arg0, %c0_i32 : i32, i32
  }
}

module attributes {stable_mosaic.version = 14 : i64} {
  func.func @_topk_body(%arg0: memref<80x128xf32, #tpu.memory_space<vmem>>, %arg1: memref<80x128xf32, #tpu.memory_space<vmem>>, %arg2: memref<80x128xf32, #tpu.memory_space<vmem>>, %arg3: memref<80x128xf32, #tpu.memory_space<vmem>>) attributes {dimension_semantics = [], scalar_prefetch = 0 : i64, scratch_operands = 0 : i64, tpu.core_type = #tpu.core_type<tc>} {
    %get3A = arith.constant 0 : index
    %get3A_0 = arith.constant 0 : index
    %get3A_1 = vector.load %arg0[%get3A, %get3A_0] : memref<80x128xf32, #tpu.memory_space<vmem>>, vector<80x128xf32>
    %add3A = arith.constant 0.000000e+00 : f32
    %add3A_2 = vector.broadcast %add3A : f32 to vector<80x128xf32>
    %add3A_3 = arith.addf %get3A_1, %add3A_2 : vector<80x128xf32>
    %bitcast_convert_type3A = tpu.bitcast %add3A_3 : vector<80x128xf32> -> vector<80x128xi32>
    %shift_right_arithmetic3A = arith.constant 31 : i32
    %shift_right_arithmetic3A_4 = vector.broadcast %shift_right_arithmetic3A : i32 to vector<80x128xi32>
    %shift_right_arithmetic3A_5 = arith.shrsi %bitcast_convert_type3A, %shift_right_arithmetic3A_4 : vector<80x128xi32>
    %and3A = arith.constant 2147483647 : i32
    %and3A_6 = vector.broadcast %and3A : i32 to vector<80x128xi32>
    %and3A_7 = arith.andi %shift_right_arithmetic3A_5, %and3A_6 : vector<80x128xi32>
    %xor3A = arith.xori %bitcast_convert_type3A, %and3A_7 : vector<80x128xi32>
    %iota3A = tpu.iota {dimensions = array<i32: 0>} : vector<80x128xi32>
    %iota3A_8 = tpu.iota {dimensions = array<i32: 1>} : vector<80x128xi32>
    %mul3A = arith.constant 128 : i32
    %mul3A_9 = vector.broadcast %mul3A : i32 to vector<80x128xi32>
    %mul3A_10 = arith.muli %iota3A, %mul3A_9 : vector<80x128xi32>
    %add3A_11 = arith.addi %mul3A_10, %iota3A_8 : vector<80x128xi32>
    %get3A_12 = arith.constant 0 : index
    %get3A_13 = arith.constant 0 : index
    %get3A_14 = vector.load %arg1[%get3A_12, %get3A_13] : memref<80x128xf32, #tpu.memory_space<vmem>>, vector<80x128xf32>
    %gt3A = arith.constant 0.000000e+00 : f32
    %gt3A_15 = vector.broadcast %gt3A : f32 to vector<80x128xf32>
    %gt3A_16 = arith.cmpf ogt, %get3A_14, %gt3A_15 : vector<80x128xf32>
    %lt3A = arith.constant 10000 : i32
    %lt3A_17 = vector.broadcast %lt3A : i32 to vector<80x128xi32>
    %lt3A_18 = arith.cmpi slt, %add3A_11, %lt3A_17 : vector<80x128xi32>
    %and3A_19 = arith.andi %gt3A_16, %lt3A_18 : vector<80x128xi1>
    %jit3A = arith.constant -2147483648 : i32
    %broadcast_in_dim3A = vector.broadcast %jit3A : i32 to vector<80x128xi32>
    %select_n3A = arith.select %and3A_19, %xor3A, %broadcast_in_dim3A : vector<80x128xi1>, vector<80x128xi32>
    %scan3A = arith.constant -2147483648 : i32
    %scan3A_20 = arith.constant 0 : i32
    %scan3A_21 = arith.constant 32 : i32
    %scan3A_22 = arith.addi %scan3A_20, %scan3A_21 : i32
    %scan3A_23 = arith.constant 1 : i32
    %scan3A_24 = scf.for %scan3A_64 = %scan3A_20 to %scan3A_22 step %scan3A_23 iter_args(%scan3A_65 = %scan3A) -> (i32)  : i32 {
      %sub3A_66 = arith.constant 31 : i32
      %sub3A_67 = arith.subi %sub3A_66, %scan3A_64 : i32
      %shift_left3A = arith.constant 1 : i32
      %shift_left3A_68 = arith.shli %shift_left3A, %sub3A_67 : i32
      %xor3A_69 = arith.xori %scan3A_65, %shift_left3A_68 : i32
      %ge3A_70 = vector.broadcast %xor3A_69 : i32 to vector<80x128xi32>
      %ge3A_71 = arith.cmpi sge, %select_n3A, %ge3A_70 : vector<80x128xi32>
      %convert_element_type3A_72 = arith.extui %ge3A_71 : vector<80x128xi1> to vector<80x128xi32>
      %reduce_sum3A_73 = vector.shape_cast %convert_element_type3A_72 : vector<80x128xi32> to vector<1x80x128xi32>
      %reduce_sum3A_74 = arith.constant dense<0> : vector<1xi32>
      %reduce_sum3A_75 = vector.multi_reduction <add>, %reduce_sum3A_73, %reduce_sum3A_74 [1, 2] : vector<1x80x128xi32> to vector<1xi32>
      %reduce_sum3A_76 = vector.shape_cast %reduce_sum3A_75 : vector<1xi32> to vector<1x1x1xi32>
      %reduce_sum3A_77 = vector.extract %reduce_sum3A_76[0, 0, 0] : i32 from vector<1x1x1xi32>
      %ge3A_78 = arith.constant 2500 : i32
      %ge3A_79 = arith.cmpi sge, %reduce_sum3A_77, %ge3A_78 : i32
      %select_n3A_80 = arith.select %ge3A_79, %xor3A_69, %scan3A_65 : i32
      scf.yield %select_n3A_80 : i32
    }
    %scan3A_25 = arith.constant 32 : i32
    %gt3A_26 = vector.broadcast %scan3A_24 : i32 to vector<80x128xi32>
    %gt3A_27 = arith.cmpi sgt, %select_n3A, %gt3A_26 : vector<80x128xi32>
    %convert_element_type3A = arith.extui %gt3A_27 : vector<80x128xi1> to vector<80x128xi32>
    %reduce_sum3A = vector.shape_cast %convert_element_type3A : vector<80x128xi32> to vector<1x80x128xi32>
    %reduce_sum3A_28 = arith.constant dense<0> : vector<1xi32>
    %reduce_sum3A_29 = vector.multi_reduction <add>, %reduce_sum3A, %reduce_sum3A_28 [1, 2] : vector<1x80x128xi32> to vector<1xi32>
    %reduce_sum3A_30 = vector.shape_cast %reduce_sum3A_29 : vector<1xi32> to vector<1x1x1xi32>
    %reduce_sum3A_31 = vector.extract %reduce_sum3A_30[0, 0, 0] : i32 from vector<1x1x1xi32>
    %sub3A = arith.constant 2500 : i32
    %sub3A_32 = arith.subi %sub3A, %reduce_sum3A_31 : i32
    %eq3A = vector.broadcast %scan3A_24 : i32 to vector<80x128xi32>
    %eq3A_33 = arith.cmpi eq, %select_n3A, %eq3A : vector<80x128xi32>
    %sub3A_34 = arith.constant 16383 : i32
    %sub3A_35 = vector.broadcast %sub3A_34 : i32 to vector<80x128xi32>
    %sub3A_36 = arith.subi %sub3A_35, %add3A_11 : vector<80x128xi32>
    %jit3A_37 = arith.constant -1 : i32
    %broadcast_in_dim3A_38 = vector.broadcast %jit3A_37 : i32 to vector<80x128xi32>
    %select_n3A_39 = arith.select %eq3A_33, %sub3A_36, %broadcast_in_dim3A_38 : vector<80x128xi1>, vector<80x128xi32>
    %scan3A_40 = arith.constant 0 : i32
    %scan3A_41 = arith.constant 0 : i32
    %scan3A_42 = arith.constant 14 : i32
    %scan3A_43 = arith.addi %scan3A_41, %scan3A_42 : i32
    %scan3A_44 = arith.constant 1 : i32
    %scan3A_45 = scf.for %scan3A_64 = %scan3A_41 to %scan3A_43 step %scan3A_44 iter_args(%scan3A_65 = %scan3A_40) -> (i32)  : i32 {
      %sub3A_66 = arith.constant 13 : i32
      %sub3A_67 = arith.subi %sub3A_66, %scan3A_64 : i32
      %shift_left3A = arith.constant 1 : i32
      %shift_left3A_68 = arith.shli %shift_left3A, %sub3A_67 : i32
      %or3A_69 = arith.ori %scan3A_65, %shift_left3A_68 : i32
      %ge3A_70 = vector.broadcast %or3A_69 : i32 to vector<80x128xi32>
      %ge3A_71 = arith.cmpi sge, %select_n3A_39, %ge3A_70 : vector<80x128xi32>
      %convert_element_type3A_72 = arith.extui %ge3A_71 : vector<80x128xi1> to vector<80x128xi32>
      %reduce_sum3A_73 = vector.shape_cast %convert_element_type3A_72 : vector<80x128xi32> to vector<1x80x128xi32>
      %reduce_sum3A_74 = arith.constant dense<0> : vector<1xi32>
      %reduce_sum3A_75 = vector.multi_reduction <add>, %reduce_sum3A_73, %reduce_sum3A_74 [1, 2] : vector<1x80x128xi32> to vector<1xi32>
      %reduce_sum3A_76 = vector.shape_cast %reduce_sum3A_75 : vector<1xi32> to vector<1x1x1xi32>
      %reduce_sum3A_77 = vector.extract %reduce_sum3A_76[0, 0, 0] : i32 from vector<1x1x1xi32>
      %ge3A_78 = arith.cmpi sge, %reduce_sum3A_77, %sub3A_32 : i32
      %select_n3A_79 = arith.select %ge3A_78, %or3A_69, %scan3A_65 : i32
      scf.yield %select_n3A_79 : i32
    }
    %scan3A_46 = arith.constant 14 : i32
    %gt3A_47 = vector.broadcast %scan3A_24 : i32 to vector<80x128xi32>
    %gt3A_48 = arith.cmpi sgt, %select_n3A, %gt3A_47 : vector<80x128xi32>
    %eq3A_49 = vector.broadcast %scan3A_24 : i32 to vector<80x128xi32>
    %eq3A_50 = arith.cmpi eq, %select_n3A, %eq3A_49 : vector<80x128xi32>
    %ge3A = vector.broadcast %scan3A_45 : i32 to vector<80x128xi32>
    %ge3A_51 = arith.cmpi sge, %select_n3A_39, %ge3A : vector<80x128xi32>
    %and3A_52 = arith.andi %eq3A_50, %ge3A_51 : vector<80x128xi1>
    %or3A = arith.ori %gt3A_48, %and3A_52 : vector<80x128xi1>
    %convert_element_type3A_53 = arith.extui %or3A : vector<80x128xi1> to vector<80x128xi32>
    %convert_element_type3A_54 = arith.sitofp %convert_element_type3A_53 : vector<80x128xi32> to vector<80x128xf32>
    %swap3A = arith.constant 0 : index
    %swap3A_55 = arith.constant 0 : index
    %swap3A_56 = vector.load %arg2[%swap3A, %swap3A_55] : memref<80x128xf32, #tpu.memory_space<vmem>>, vector<80x128xf32>
    tpu.vector_store %arg2[%swap3A, %swap3A_55], %convert_element_type3A_54 {strides = array<i32>} : memref<80x128xf32, #tpu.memory_space<vmem>>, vector<80x128xf32>,
    %get3A_57 = arith.constant 0 : index
    %get3A_58 = arith.constant 0 : index
    %get3A_59 = vector.load %arg0[%get3A_57, %get3A_58] : memref<80x128xf32, #tpu.memory_space<vmem>>, vector<80x128xf32>
    %tanh3A = math.tanh %get3A_59 : vector<80x128xf32>
    %mul3A_60 = arith.mulf %convert_element_type3A_54, %tanh3A : vector<80x128xf32>
    %swap3A_61 = arith.constant 0 : index
    %swap3A_62 = arith.constant 0 : index
    %swap3A_63 = vector.load %arg3[%swap3A_61, %swap3A_62] : memref<80x128xf32, #tpu.memory_space<vmem>>, vector<80x128xf32>
    tpu.vector_store %arg3[%swap3A_61, %swap3A_62], %mul3A_60 {strides = array<i32>} : memref<80x128xf32, #tpu.memory_space<vmem>>, vector<80x128xf32>,
    return
  }
}

module attributes {stable_mosaic.version = 14 : i64} {
  func.func @_post_body(%arg0: i32, %arg1: memref<2x2048x128xf32, #tpu.memory_space<vmem>>, %arg2: memref<2048x128xf32, #tpu.memory_space<vmem>>, %arg3: memref<2048x128xf32, #tpu.memory_space<vmem>>, %arg4: memref<8x128xf32, #tpu.memory_space<vmem>>, %arg5: memref<128x128xf32, #tpu.memory_space<vmem>>, %arg6: memref<2048x128xf32, #tpu.memory_space<vmem>>, %arg7: memref<2048x128xf32, #tpu.memory_space<vmem>>) attributes {dimension_semantics = [#tpu.dimension_semantics<arbitrary>], iteration_bounds = array<i64: 5>, scalar_prefetch = 0 : i64, scratch_operands = 0 : i64, tpu.core_type = #tpu.core_type<tc>, window_params = [{transform_indices = @transform_0, window_bounds = array<i64: 2, 2048, 128>}, {transform_indices = @transform_1, window_bounds = array<i64: 2048, 128>}, {transform_indices = @transform_2, window_bounds = array<i64: 2048, 128>}, {pipeline_mode = #tpu.pipeline_mode<synchronous>, transform_indices = @transform_3, window_bounds = array<i64: 8, 128>}, {pipeline_mode = #tpu.pipeline_mode<synchronous>, transform_indices = @transform_4, window_bounds = array<i64: 128, 128>}, {transform_indices = @transform_5, window_bounds = array<i64: 2048, 128>}, {transform_indices = @transform_6, window_bounds = array<i64: 2048, 128>}]} {
    %get3A = arith.constant 0 : index
    %get3A_0 = arith.constant 0 : index
    %get3A_1 = arith.constant 0 : index
    %get3A_2 = vector.load %arg1[%get3A, %get3A_0, %get3A_1] : memref<2x2048x128xf32, #tpu.memory_space<vmem>>, vector<2x2048x128xf32>
    %slice3A = vector.extract_strided_slice %get3A_2 {offsets = [0, 0, 0], sizes = [1, 2048, 128], strides = [1, 1, 1]} : vector<2x2048x128xf32> to vector<1x2048x128xf32>
    %squeeze3A = vector.shape_cast %slice3A : vector<1x2048x128xf32> to vector<2048x128xf32>
    %slice3A_3 = vector.extract_strided_slice %get3A_2 {offsets = [1, 0, 0], sizes = [1, 2048, 128], strides = [1, 1, 1]} : vector<2x2048x128xf32> to vector<1x2048x128xf32>
    %squeeze3A_4 = vector.shape_cast %slice3A_3 : vector<1x2048x128xf32> to vector<2048x128xf32>
    %add3A = arith.addf %squeeze3A, %squeeze3A_4 : vector<2048x128xf32>
    %get3A_5 = arith.constant 0 : index
    %get3A_6 = arith.constant 0 : index
    %get3A_7 = vector.load %arg3[%get3A_5, %get3A_6] : memref<2048x128xf32, #tpu.memory_space<vmem>>, vector<2048x128xf32>
    %mul3A = arith.mulf %get3A_7, %add3A : vector<2048x128xf32>
    %get3A_8 = arith.constant 0 : index
    %get3A_9 = arith.constant 0 : index
    %get3A_10 = vector.load %arg2[%get3A_8, %get3A_9] : memref<2048x128xf32, #tpu.memory_space<vmem>>, vector<2048x128xf32>
    %mul3A_11 = arith.mulf %get3A_10, %get3A_7 : vector<2048x128xf32>
    %mul3A_12 = arith.mulf %mul3A_11, %get3A_7 : vector<2048x128xf32>
    %add3A_13 = arith.addf %mul3A, %mul3A_12 : vector<2048x128xf32>
    %get3A_14 = arith.constant 0 : index
    %get3A_15 = arith.constant 0 : index
    %get3A_16 = vector.load %arg4[%get3A_14, %get3A_15] : memref<8x128xf32, #tpu.memory_space<vmem>>, vector<8x128xf32>
    %slice3A_17 = vector.extract_strided_slice %get3A_16 {offsets = [0, 0], sizes = [1, 128], strides = [1, 1]} : vector<8x128xf32> to vector<1x128xf32>
    %add3A_18 = vector.broadcast %slice3A_17 : vector<1x128xf32> to vector<2048x128xf32>
    %add3A_19 = arith.addf %add3A_13, %add3A_18 : vector<2048x128xf32>
    %max3A = arith.constant 0.000000e+00 : f32
    %max3A_20 = vector.broadcast %max3A : f32 to vector<2048x128xf32>
    %max3A_21 = arith.maximumf %add3A_19, %max3A_20 : vector<2048x128xf32>
    %swap3A = arith.constant 0 : index
    %swap3A_22 = arith.constant 0 : index
    %swap3A_23 = vector.load %arg6[%swap3A, %swap3A_22] : memref<2048x128xf32, #tpu.memory_space<vmem>>, vector<2048x128xf32>
    tpu.vector_store %arg6[%swap3A, %swap3A_22], %max3A_21 {strides = array<i32>} : memref<2048x128xf32, #tpu.memory_space<vmem>>, vector<2048x128xf32>,
    %get3A_24 = arith.constant 0 : index
    %get3A_25 = arith.constant 0 : index
    %get3A_26 = vector.load %arg5[%get3A_24, %get3A_25] : memref<128x128xf32, #tpu.memory_space<vmem>>, vector<128x128xf32>
    %mul3A_27 = arith.mulf %get3A_26, %get3A_26 : vector<128x128xf32>
    %reduce_sum3A = vector.shape_cast %mul3A_27 : vector<128x128xf32> to vector<1x128x128xf32>
    %reduce_sum3A_28 = arith.constant dense<0.000000e+00> : vector<1xf32>
    %reduce_sum3A_29 = vector.multi_reduction <add>, %reduce_sum3A, %reduce_sum3A_28 [1, 2] : vector<1x128x128xf32> to vector<1xf32>
    %reduce_sum3A_30 = vector.shape_cast %reduce_sum3A_29 : vector<1xf32> to vector<1x1x1xf32>
    %reduce_sum3A_31 = vector.extract %reduce_sum3A_30[0, 0, 0] : f32 from vector<1x1x1xf32>
    %mul3A_32 = arith.constant 7.812500e-03 : f32
    %mul3A_33 = arith.mulf %reduce_sum3A_31, %mul3A_32 : f32
    %sqrt3A = math.sqrt %mul3A_33 : f32
    %div3A = arith.constant 1.000000e+00 : f32
    %div3A_34 = arith.divf %div3A, %sqrt3A : f32
    %dot_general3A = arith.constant dense<0.000000e+00> : vector<2048x128xf32>
    %dot_general3A_35 = tpu.matmul %max3A_21, %get3A_26, %dot_general3A {dimension_numbers = #tpu.dot_dimension_numbers<[1], [0], [0], [1], [0, 0, 1, 1], [], []>, transpose_lhs_hint = false} : vector<2048x128xf32>, vector<128x128xf32>, vector<2048x128xf32> -> vector<2048x128xf32>
    %mul3A_36 = vector.broadcast %div3A_34 : f32 to vector<2048x128xf32>
    %mul3A_37 = arith.mulf %dot_general3A_35, %mul3A_36 : vector<2048x128xf32>
    %swap3A_38 = arith.constant 0 : index
    %swap3A_39 = arith.constant 0 : index
    %swap3A_40 = vector.load %arg7[%swap3A_38, %swap3A_39] : memref<2048x128xf32, #tpu.memory_space<vmem>>, vector<2048x128xf32>
    tpu.vector_store %arg7[%swap3A_38, %swap3A_39], %mul3A_37 {strides = array<i32>} : memref<2048x128xf32, #tpu.memory_space<vmem>>, vector<2048x128xf32>,
    return
  }
  func.func @transform_0(%arg0: i32) -> (i32, i32, i32) {
    %c0_i32 = arith.constant 0 : i32
    %c0_i32_0 = arith.constant 0 : i32
    %c0_i32_1 = arith.constant 0 : i32
    return %c0_i32, %arg0, %c0_i32_0 : i32, i32, i32
  }
  func.func @transform_1(%arg0: i32) -> (i32, i32) {
    %c0_i32 = arith.constant 0 : i32
    %c0_i32_0 = arith.constant 0 : i32
    return %arg0, %c0_i32 : i32, i32
  }
  func.func @transform_2(%arg0: i32) -> (i32, i32) {
    %c0_i32 = arith.constant 0 : i32
    %c0_i32_0 = arith.constant 0 : i32
    return %arg0, %c0_i32 : i32, i32
  }
  func.func @transform_3(%arg0: i32) -> (i32, i32) {
    %c0_i32 = arith.constant 0 : i32
    %c0_i32_0 = arith.constant 0 : i32
    %c0_i32_1 = arith.constant 0 : i32
    return %c0_i32, %c0_i32_0 : i32, i32
  }
  func.func @transform_4(%arg0: i32) -> (i32, i32) {
    %c0_i32 = arith.constant 0 : i32
    %c0_i32_0 = arith.constant 0 : i32
    %c0_i32_1 = arith.constant 0 : i32
    return %c0_i32, %c0_i32_0 : i32, i32
  }
  func.func @transform_5(%arg0: i32) -> (i32, i32) {
    %c0_i32 = arith.constant 0 : i32
    %c0_i32_0 = arith.constant 0 : i32
    return %arg0, %c0_i32 : i32, i32
  }
  func.func @transform_6(%arg0: i32) -> (i32, i32) {
    %c0_i32 = arith.constant 0 : i32
    %c0_i32_0 = arith.constant 0 : i32
    return %arg0, %c0_i32 : i32, i32
  }
}

module attributes {stable_mosaic.version = 14 : i64} {
  func.func @_pool_body(%arg0: i32, %arg1: memref<2048x128xf32, #tpu.memory_space<vmem>>, %arg2: memref<2048x128xf32, #tpu.memory_space<vmem>>, %arg3: memref<8x128xf32, #tpu.memory_space<vmem>>) attributes {dimension_semantics = [#tpu.dimension_semantics<arbitrary>], iteration_bounds = array<i64: 5>, scalar_prefetch = 0 : i64, scratch_operands = 0 : i64, tpu.core_type = #tpu.core_type<tc>, window_params = [{transform_indices = @transform_0, window_bounds = array<i64: 2048, 128>}, {transform_indices = @transform_1, window_bounds = array<i64: 2048, 128>}, {pipeline_mode = #tpu.pipeline_mode<synchronous>, transform_indices = @transform_2, window_bounds = array<i64: 8, 128>}]} {
    %eq3A = arith.constant 0 : i32
    %eq3A_0 = arith.cmpi eq, %arg0, %eq3A : i32
    %convert_element_type3A = arith.extui %eq3A_0 : i1 to i32
    %cond3A = arith.constant 0 : i32
    %cond3A_1 = arith.cmpi ne, %convert_element_type3A, %cond3A : i32
    scf.if %cond3A_1 {
      %broadcast_in_dim3A_15 = arith.constant 0.000000e+00 : f32
      %broadcast_in_dim3A_16 = vector.broadcast %broadcast_in_dim3A_15 : f32 to vector<8x128xf32>
      %swap3A_17 = arith.constant 0 : index
      %swap3A_18 = arith.constant 0 : index
      %swap3A_19 = vector.load %arg3[%swap3A_17, %swap3A_18] : memref<8x128xf32, #tpu.memory_space<vmem>>, vector<8x128xf32>
      tpu.vector_store %arg3[%swap3A_17, %swap3A_18], %broadcast_in_dim3A_16 {strides = array<i32>} : memref<8x128xf32, #tpu.memory_space<vmem>>, vector<8x128xf32>,
    } else {
    }
    %get3A = arith.constant 0 : index
    %get3A_2 = arith.constant 0 : index
    %get3A_3 = vector.load %arg1[%get3A, %get3A_2] : memref<2048x128xf32, #tpu.memory_space<vmem>>, vector<2048x128xf32>
    %get3A_4 = arith.constant 0 : index
    %get3A_5 = arith.constant 0 : index
    %get3A_6 = vector.load %arg2[%get3A_4, %get3A_5] : memref<2048x128xf32, #tpu.memory_space<vmem>>, vector<2048x128xf32>
    %mul3A = arith.mulf %get3A_3, %get3A_6 : vector<2048x128xf32>
    %reduce_sum3A = arith.constant dense<0.000000e+00> : vector<128xf32>
    %reduce_sum3A_7 = vector.multi_reduction <add>, %mul3A, %reduce_sum3A [0] : vector<2048x128xf32> to vector<128xf32>
    %broadcast_in_dim3A = vector.shape_cast %reduce_sum3A_7 : vector<128xf32> to vector<1x128xf32>
    %get3A_8 = arith.constant 0 : index
    %get3A_9 = arith.constant 0 : index
    %get3A_10 = vector.load %arg3[%get3A_8, %get3A_9] : memref<8x128xf32, #tpu.memory_space<vmem>>, vector<8x128xf32>
    %broadcast_in_dim3A_11 = vector.shape_cast %broadcast_in_dim3A : vector<1x128xf32> to vector<1x128xf32>
    %broadcast_in_dim3A_12 = vector.broadcast %broadcast_in_dim3A_11 : vector<1x128xf32> to vector<8x128xf32>
    %add3A = arith.addf %get3A_10, %broadcast_in_dim3A_12 : vector<8x128xf32>
    %swap3A = arith.constant 0 : index
    %swap3A_13 = arith.constant 0 : index
    %swap3A_14 = vector.load %arg3[%swap3A, %swap3A_13] : memref<8x128xf32, #tpu.memory_space<vmem>>, vector<8x128xf32>
    tpu.vector_store %arg3[%swap3A, %swap3A_13], %add3A {strides = array<i32>} : memref<8x128xf32, #tpu.memory_space<vmem>>, vector<8x128xf32>,
    return
  }
  func.func @transform_0(%arg0: i32) -> (i32, i32) {
    %c0_i32 = arith.constant 0 : i32
    %c0_i32_0 = arith.constant 0 : i32
    return %arg0, %c0_i32 : i32, i32
  }
  func.func @transform_1(%arg0: i32) -> (i32, i32) {
    %c0_i32 = arith.constant 0 : i32
    %c0_i32_0 = arith.constant 0 : i32
    return %arg0, %c0_i32 : i32, i32
  }
  func.func @transform_2(%arg0: i32) -> (i32, i32) {
    %c0_i32 = arith.constant 0 : i32
    %c0_i32_0 = arith.constant 0 : i32
    %c0_i32_1 = arith.constant 0 : i32
    return %c0_i32, %c0_i32_0 : i32, i32
  }
}

module attributes {stable_mosaic.version = 14 : i64} {
  func.func @_final_body(%arg0: memref<8x128xf32, #tpu.memory_space<vmem>>, %arg1: memref<128x128xf32, #tpu.memory_space<vmem>>, %arg2: memref<8x128xf32, #tpu.memory_space<vmem>>, %arg3: memref<8x128xf32, #tpu.memory_space<vmem>>) attributes {dimension_semantics = [], scalar_prefetch = 0 : i64, scratch_operands = 0 : i64, tpu.core_type = #tpu.core_type<tc>} {
    %get3A = arith.constant 0 : index
    %get3A_0 = arith.constant 0 : index
    %get3A_1 = vector.load %arg0[%get3A, %get3A_0] : memref<8x128xf32, #tpu.memory_space<vmem>>, vector<8x128xf32>
    %get3A_2 = arith.constant 0 : index
    %get3A_3 = arith.constant 0 : index
    %get3A_4 = vector.load %arg1[%get3A_2, %get3A_3] : memref<128x128xf32, #tpu.memory_space<vmem>>, vector<128x128xf32>
    %dot_general3A = arith.constant dense<0.000000e+00> : vector<8x128xf32>
    %dot_general3A_5 = tpu.matmul %get3A_1, %get3A_4, %dot_general3A {dimension_numbers = #tpu.dot_dimension_numbers<[1], [0], [0], [1], [0, 0, 1, 1], [], []>, transpose_lhs_hint = false} : vector<8x128xf32>, vector<128x128xf32>, vector<8x128xf32> -> vector<8x128xf32>
    %get3A_6 = arith.constant 0 : index
    %get3A_7 = arith.constant 0 : index
    %get3A_8 = vector.load %arg2[%get3A_6, %get3A_7] : memref<8x128xf32, #tpu.memory_space<vmem>>, vector<8x128xf32>
    %add3A = arith.addf %dot_general3A_5, %get3A_8 : vector<8x128xf32>
    %iota3A = tpu.iota {dimensions = array<i32: 1>} : vector<8x128xi32>
    %lt3A = arith.constant 2 : i32
    %lt3A_9 = vector.broadcast %lt3A : i32 to vector<8x128xi32>
    %lt3A_10 = arith.cmpi slt, %iota3A, %lt3A_9 : vector<8x128xi32>
    %jit3A = arith.constant -1.000000e+30 : f32
    %broadcast_in_dim3A = vector.broadcast %jit3A : f32 to vector<8x128xf32>
    %select_n3A = arith.select %lt3A_10, %add3A, %broadcast_in_dim3A : vector<8x128xi1>, vector<8x128xf32>
    %reduce_max3A = arith.constant dense<0xFF800000> : vector<8xf32>
    %reduce_max3A_11 = vector.multi_reduction <maximumf>, %select_n3A, %reduce_max3A [1] : vector<8x128xf32> to vector<8xf32>
    %broadcast_in_dim3A_12 = vector.shape_cast %reduce_max3A_11 : vector<8xf32> to vector<8x1xf32>
    %sub3A = vector.broadcast %broadcast_in_dim3A_12 : vector<8x1xf32> to vector<8x128xf32>
    %sub3A_13 = arith.subf %select_n3A, %sub3A : vector<8x128xf32>
    %exp3A = math.exp %sub3A_13 : vector<8x128xf32>
    %jit3A_14 = arith.constant 0.000000e+00 : f32
    %broadcast_in_dim3A_15 = vector.broadcast %jit3A_14 : f32 to vector<8x128xf32>
    %select_n3A_16 = arith.select %lt3A_10, %exp3A, %broadcast_in_dim3A_15 : vector<8x128xi1>, vector<8x128xf32>
    %reduce_sum3A = arith.constant dense<0.000000e+00> : vector<8xf32>
    %reduce_sum3A_17 = vector.multi_reduction <add>, %select_n3A_16, %reduce_sum3A [1] : vector<8x128xf32> to vector<8xf32>
    %broadcast_in_dim3A_18 = vector.shape_cast %reduce_sum3A_17 : vector<8xf32> to vector<8x1xf32>
    %div3A = vector.broadcast %broadcast_in_dim3A_18 : vector<8x1xf32> to vector<8x128xf32>
    %div3A_19 = arith.divf %select_n3A_16, %div3A : vector<8x128xf32>
    %swap3A = arith.constant 0 : index
    %swap3A_20 = arith.constant 0 : index
    %swap3A_21 = vector.load %arg3[%swap3A, %swap3A_20] : memref<8x128xf32, #tpu.memory_space<vmem>>, vector<8x128xf32>
    tpu.vector_store %arg3[%swap3A, %swap3A_20], %div3A_19 {strides = array<i32>} : memref<8x128xf32, #tpu.memory_space<vmem>>, vector<8x128xf32>,
    return
  }
}

</mosaic_0001>

<sc_bundles>
// kernel: kernel.24.cloned.1.call-start
scs
__scs_entry_jumppad:
0x0: {  	(pc) =	sbr.rel $0x88, $3  }
0x1: {  	(tag) =	ssettag $0x0;
	lr =	simm.s32 $0x1  }
0x2: {  	[smem:$0x3F95] =	sst lr;
	_ =	strace $0xD0000000  }
0x3: {  	_ = 	snop  }
0x4: {  	_ = 	snop  }
0x5: {  	_ = 	snop  }
0x6: {  	_ = 	snop  }
0x7: {  	_ = 	snop  }
__scs_overlays_trampoline_lowered:
0x8: {  	[smem:$0x3FA4] =	sst s0  }
0x9: {  	[smem:$0x3FA5] =	sst s1  }
0xa: {  	[smem:$0x3FA6] =	sst s2  }
0xb: {  	[smem:$0x3FA7] =	sst s3  }
0xc: {  	[smem:$0x3FA8] =	sst s4  }
0xd: {  	[smem:$0x3FA9] =	sst s5  }
0xe: {  	[smem:$0x3FAA] =	sst s6  }
0xf: {  	[smem:$0x3FAB] =	sst s7  }
0x10: {  	[smem:$0x3FAC] =	sst s8  }
0x11: {  	[smem:$0x3FAD] =	sst s9;
	s0 =	simm.s32 @!p0 $0x0  }
0x12: {  	s1 =	sld [smem:$0x3F93];
	s0 =	simm.s32 @p0 $0x1  }
0x13: {  	[smem:$0x3FAE] =	sst s0;
	s0 =	simm.s32 @!p1 $0x0  }
0x14: {  	s2 =	sld [smem:$0x3F92];
	s0 =	simm.s32 @p1 $0x1  }
0x15: {  	[smem:$0x3FAF] =	sst s0;
	s0 =	simm.s32 @!p2 $0x0  }
0x16: {  	s3 =	sld [smem:$0x3FDB];
	s0 =	simm.s32 @p2 $0x1  }
0x17: {  	s4 =	simm.s32 $0x1BF5;
	[smem:$0x3FB1] =	sst s0  }
0x18: {  	s0 =	sld [smem:$0x3F94];
	_ =	swait.ge [sflag:s4], $0x0  }
0x19: {  	s7 =	sld [smem:$0x3F95]  }
0x1a: {  	s8 =	sadd.s32 $0xFFFFE003, lr  }
0x1b: {  	s9 =	sadd.s32 $0xFFFFFEF7, lr;
	s5 =	simm.s32 $0xFFFFFFFF;
	p2 =	slt.u32 s8, $0xFFFFF086  }
0x1c: {  	p1 =	slt.u32 s9, $0xF7A;
	s5 =	simm.s32 @!p2 $0x0  }
0x1d: {  	s5 =	simm.s32 @p1 $0x1;
	p0 =	seq.s32 s7, s2  }
0x1e: {  	s7 =	smul.u32 @!p0 $0xF7A, s2;
	p2 =	seq.s32 @!p0 s5, $0x0  }
0x1f: {  	s9 =	smul.u32 $0xF7A, s1;
	s8 =	simm.s32 @!p0 $0x1BF5;
	p2 =	por !p2, p0  }
0x20: {  	[sflag:s8] =	ssyncset.s32 @!p0 $0xFFFFF086;
	s6 =	sadd.s32 @!p0 s3, s7;
	s7 =	simm.s32 @!p0 $0x108  }
0x21: {  	s3 =	sadd.s32 s3, s9;
	s6 =	sadd.s32 @!p0 $0x88, s6;
	s7 =	simm.s32 @p2 $0x1082  }
0x22: {  	[simem:s7], [sflag:s8] =	dma.local @!p0 [hbm:s6], $0xF7A  }
0x23: {  	s9 =	sor.u32 $0xD0000000, s2;
	s6 =	simm.s32 $0x108;
	_ =	swait.ge @!p0 [sflag:s8], $0x0  }
0x24: {  	s3 =	sadd.s32 $0x88, s3;
	s6 =	simm.s32 @!p1 $0x1082;
	[sflag:s4] =	ssyncset.s32 $0xFFFFF086  }
0x25: {  	[simem:s6], [sflag:s4] =	dma.local [hbm:s3], $0xF7A  }
0x26: {  	[smem:$0x3F95] =	sst s1;
	(tag) =	ssettag s2;
	_ =	strace s9  }
0x27: {  	s1 =	sld [smem:$0x3FA5]  }
0x28: {  	s2 =	sld [smem:$0x3FA6]  }
0x29: {  	s4 =	sld [smem:$0x3FA8]  }
0x2a: {  	p0 =	seq.s32 s5, $0x0;
	s5 =	sld [smem:$0x3FA9]  }
0x2b: {  	s6 =	sld [smem:$0x3FAA]  }
0x2c: {  	s7 =	sld [smem:$0x3FAB]  }
0x2d: {  	s3 =	simm.s32 $0x108;
	s8 =	sld [smem:$0x3FAC]  }
0x2e: {  	s3 =	simm.s32 @!p0 $0x1082;
	s9 =	sld [smem:$0x3FAD]  }
0x2f: {  	lr =	sadd.s32 s0, s3;
	s0 =	sld [smem:$0x3FA4]  }
0x30: {  	s3 =	sld [smem:$0x3FA7]  }
0x31: {  	[smem:$0x3FB0] =	sst s10  }
0x32: {  	s10 =	sld [smem:$0x3FAE];
	_ =	sdelay $0x3  }
0x33: {  	p0 =	seq.s32 s10, $0x1;
	s10 =	sld [smem:$0x3FB0];
	_ =	sdelay $0x3  }
0x34: {  	[smem:$0x3FB0] =	sst s10  }
0x35: {  	s10 =	sld [smem:$0x3FAF];
	_ =	sdelay $0x3  }
0x36: {  	p1 =	seq.s32 s10, $0x1;
	s10 =	sld [smem:$0x3FB0];
	_ =	sdelay $0x3  }
0x37: {  	[smem:$0x3FB0] =	sst s10  }
0x38: {  	s10 =	sld [smem:$0x3FB1]  }
0x39: {  	_ = 	snop;
	(pc) =	sbr.ind lr, $3  }
0x3a: {  	_ = 	snop  }
0x3b: {  	_ = 	snop  }
0x3c: {  	p2 =	seq.s32 s10, $0x1;
	s10 =	sld [smem:$0x3FB0]  }
0x3d: {  	_ =	shalt  }
0x3e: {  	_ =	shalt  }
0x3f: {  	_ =	shalt  }
0x40: {  	_ =	shalt  }
0x41: {  	_ =	shalt  }
0x42: {  	_ =	shalt  }
0x43: {  	_ =	shalt  }
0x44: {  	_ =	shalt  }
0x45: {  	_ =	shalt  }
0x46: {  	_ =	shalt  }
0x47: {  	_ =	shalt  }
0x48: {  	_ =	shalt  }
0x49: {  	_ =	shalt  }
0x4a: {  	_ =	shalt  }
0x4b: {  	_ =	shalt  }
0x4c: {  	_ =	shalt  }
0x4d: {  	_ =	shalt  }
0x4e: {  	_ =	shalt  }
0x4f: {  	_ =	shalt  }
0x50: {  	_ =	shalt  }
0x51: {  	_ =	shalt  }
0x52: {  	_ =	shalt  }
0x53: {  	_ =	shalt  }
0x54: {  	_ =	shalt  }
0x55: {  	_ =	shalt  }
0x56: {  	_ =	shalt  }
0x57: {  	_ =	shalt  }
0x58: {  	_ =	shalt  }
0x59: {  	_ =	shalt  }
0x5a: {  	_ =	shalt  }
0x5b: {  	_ =	shalt  }
0x5c: {  	_ =	shalt  }
0x5d: {  	_ =	shalt  }
0x5e: {  	_ =	shalt  }
0x5f: {  	_ =	shalt  }
0x60: {  	_ =	shalt  }
0x61: {  	_ =	shalt  }
0x62: {  	_ =	shalt  }
0x63: {  	_ =	shalt  }
0x64: {  	_ =	shalt  }
0x65: {  	_ =	shalt  }
0x66: {  	_ =	shalt  }
0x67: {  	_ =	shalt  }
0x68: {  	_ =	shalt  }
0x69: {  	_ =	shalt  }
0x6a: {  	_ =	shalt  }
0x6b: {  	_ =	shalt  }
0x6c: {  	_ =	shalt  }
0x6d: {  	_ =	shalt  }
0x6e: {  	_ =	shalt  }
0x6f: {  	_ =	shalt  }
0x70: {  	_ =	shalt  }
0x71: {  	_ =	shalt  }
0x72: {  	_ =	shalt  }
0x73: {  	_ =	shalt  }
0x74: {  	_ =	shalt  }
0x75: {  	_ =	shalt  }
0x76: {  	_ =	shalt  }
0x77: {  	_ =	shalt  }
0x78: {  	_ =	shalt  }
0x79: {  	_ =	shalt  }
0x7a: {  	_ =	shalt  }
0x7b: {  	_ =	shalt  }
0x7c: {  	_ =	shalt  }
0x7d: {  	_ =	shalt  }
0x7e: {  	_ =	shalt  }
0x7f: {  	_ =	shalt  }
0x80: {  	_ =	shalt  }
0x81: {  	_ =	shalt  }
0x82: {  	_ =	shalt  }
0x83: {  	_ =	shalt  }
0x84: {  	_ =	shalt  }
0x85: {  	_ =	shalt  }
0x86: {  	_ =	shalt  }
0x87: {  	_ =	shalt  }
.Lfunc_end0:
.L_simem_size_0:
called_computation_lowered:
.L_overlay_start_0:
0x88: {  	s2 =	sld [smem:$0x3FD9]  }
0x89: {  	s3 =	sld [smem:$0x3FFE];
	_ =	sdelay $0x1  }
0x8a: {  	s1 =	srdreg.scid  }
0x8b: {  	s0 =	sand.u32 $0x1, s1  }
0x8c: {  	s16 =	sshll.u32 s0, $0xA;
	s2 =	sadd.s32 s3, s2  }
0x8d: {  	s2 =	sadd.s32 s2, s16  }
0x8e: {  	[smem:$0x3FBC] =	sst s2  }
0x8f: {  	_ = 	snop  }
0x90: {  	(tm) =	ssettm $0x1  }
0x91: {  	s17 =	sld [smem:$0x3FFB];
	_ =	sdelay $0x3  }
0x92: {  	_ =	strace s17  }
0x93: {  	s2 =	sld [smem:$0x3FFC];
	_ =	sdelay $0x3  }
0x94: {  	_ =	strace s2  }
0x95: {  	s2 =	sld [smem:$0x3FFD];
	_ =	sdelay $0x3  }
0x96: {  	_ =	strace s2  }
0x97: {  	_ =	strace $0x8FFFFFFF  }
0x98: {  	s18 =	sld [smem:$0x3FDB];
	_ =	sdelay $0x1  }
0x99: {  	s19 =	simm.s32 $_scs_section_size  }
0x9a: {  	s4 =	simm.s32 $_size__tile_overlayer_lowered;
	s5 =	simm.s32 $_tile_overlayer_lowered  }
0x9b: {  	s22 =	simm.s32 $0x1BFF;
	s21 =	sshll.u32 s5, $0x1;
	s2 =	sadd.s32 s19, s18  }
0x9c: {  	s6 =	simm.s32 $0x0;
	s20 =	sshll.u32 s4, $0x1;
	s4 =	sadd.s32 s21, s2  }
0x9d: {  	[timem:s6], [sflag:s22] =	dma.local [hbm:s4], s20  }
0x9e: {  	_ =	swait.ge [sflag:s22], s20  }
0x9f: {  	s3 =	ssub.s32 $0x0, s20;
	[sflag:s22] =	ssyncset.done $0x0  }
0xa0: {  	[sflag:s22] =	ssyncadd.s32 s3;
	_ =	sdelay $0x1  }
0xa1: {  	s23 =	simm.s32 $0x1B8B  }
0xa2: {  	_ =	swait.ge [sflag:s23], $0x1  }
0xa3: {  	[sflag:s23] =	ssyncset.done $0x0  }
0xa4: {  	s25 =	simm.s32 $0x1B8E;
	s24 =	sld [smem:$0x3FFE];
	[sflag:s23] =	ssyncadd.s32 $0xFFFFFFFF  }
0xa5: {  	s26 =	simm.s32 $execute0_lowered;
	[smem:$0x3FD2] =	sst s25  }
0xa6: {  	s4 =	sshll.u32 s26, $0x1;
	_ =	strace $0x80000046;
	[dreg:$0x1] =	wrdreg $0xFFFFFFFF  }
0xa7: {  	s28 =	simm.s32 $_size_execute0_lowered;
	s2 =	sadd.s32 s2, s4;
	[dreg:$0x0] =	wrdreg $0x0  }
0xa8: {  	s4 =	sshll.u32 s28, $0x1;
	[dreg:$0x2] =	wrdreg s2  }
0xa9: {  	[dreg:$0x3] =	wrdreg s4  }
0xaa: {  	[dreg:$0x4] =	wrdreg $0xC0  }
0xab: {  	_ =	task [dreg:s6], $0x5FFFF  }
0xac: {  	[dreg:$0x1] =	wrdreg $0xFFFFFFFF  }
0xad: {  	[dreg:$0x0] =	wrdreg $0x60  }
0xae: {  	[dreg:$0x2] =	wrdreg s24  }
0xaf: {  	[dreg:$0x3] =	wrdreg $0x9  }
0xb0: {  	_ =	task.clear_ibuf [dreg:s6], $0x4FFFF;
	_ =	strace $0x90000046  }
0xb1: {  	s29 =	simm.s32 $0x9;
	_ =	strace $0x80000048  }
0xb2: {  	_ =	swait.ge [sflag:s29], $0x1  }
0xb3: {  	[sflag:s29] =	ssyncadd.s32 $0xFFFFFFFF  }
0xb4: {  	_ =	strace $0x90000048  }
0xb5: {  	_ =	sfence  }
0xb6: {  	s30 =	sld [smem:$0x0];
	_ =	sdelay $0x2  }
0xb7: {  	s31 =	sshll.u32 s1, $0xD;
	s1 =	sshrl.u32 s1, $0x2  }
0xb8: {  	s3 =	sand.u32 $0x4000, s31;
	s1 =	sadd.s32 s1, s30  }
0xb9: {  	s0 =	sor.u32 s3, s0;
	s1 =	sshll.u32 s1, $0x11  }
0xba: {  	s0 =	sor.u32 s1, s0  }
0xbb: {  	s0 =	sadd.s32 $0x8F2B, s0  }
0xbc: {  	[sflag:s0] =	ssyncadd.remote.s32 $0x1  }
0xbd: {  	_ =	sfence.sel $0xFFFF  }
0xbe: {  	[dreg:$0x0] =	wrdreg $0xFFFFFFFF;
	(pc) =	sbr.abs _section_cstart, $3  }
0xbf: {  	[dreg:$0x1] =	wrdreg $0xFFFFFFFF  }
0xc0: {  	_ =	task.clear_ibuf [dreg:s6], $0x2FFFF;
	_ =	strace $0x9FFFFFFF  }
0xc1: {  	(tm) =	ssettm $0x7FFFFFFF  }
tec
execute0_lowered:
.L_overlay_start_1:
0x0: {  	(tag) =	ssettag $0x1  }
0x1: {  	s1 =	srdreg.scid;
	s0 =	stileid.u32  }
0x2: {  	s5 =	rddreg [dreg:$0x0];
	s2 =	simm.s32 $0x0;
	s9 =	simm.s32 $0x7800  }
0x3: {  	s10 =	simm.s32 $0x1;
	s11 =	simm.s32 $0x5000;
	s12 =	simm.s32 $0x2800  }
0x4: {  	s13 =	simm.s32 $0x80;
	s14 =	simm.s32 $0x400;
	s15 =	simm.s32 $0x0  }
0x5: {  	s4 =	sand.u32 $0x1, s1;
	s30 =	sshll.u32 s0, $0x1;
	s7 =	sshrl.u32 s0, $0x2  }
0x6: {  	s1 =	rddreg [dreg:$0x1];
	s3 =	sor.u32 s4, s30;
	s7 =	smul.u32 $0x14000, s7  }
0x7: {  	[smem:$0x7FF] =	sst s2;
	s6 =	smul.u32 $0x500, s3;
	s3 =	sshll.u32 s3, $0x7  }
0x8: {  	_ =	strace $0x80000047;
	s8 =	ssub.s32 $0x2, s4;
	s3 =	sand.u32 $0x380, s3  }
0x9: {  	s4 =	sadd.s32 $0x17E00, s5;
	s31 =	sshrl.u32 s8, $0x1;
	s7 =	sor.u32 s7, s3  }
0xa: {  	s8 =	ssub.s32 s8, s31;
	s6 =	sadd.s32 s6, s5;
	s7 =	sshrl.u32 s7, $0x3  }
0xb: {  	s3 =	sadd.s32 $0x18400, s5;
	s8 =	smax.u32 s8, $0x1;
	s7 =	sadd.s32 s7, s5  }
0xc: {  	s5 =	sadd.s32 $0x3E00, s6;
	s6 =	sadd.s32 $0xDE00, s6;
	s7 =	sadd.s32 $0x18A00, s7  }
.LBB2_1:
0xd: {  	[tilespmem:s9], [sflag:$0x1] =	stream.linear.gather [hbm4b:s4+s2], $0x2800, $0x38;
	[tilespmem:$0xA000] =	vst v63  }
0xe: {  	_ =	swait.ge [sflag:s10], $0x2800  }
0xf: {  	[sflag:s10] =	ssyncset.done $0x0  }
0x10: {  	[sflag:s10] =	ssyncadd.s32 $0xFFFFD800  }
0x11: {  	[tilespmem:s11], [sflag:$0x1] =	stream.linear.gather [hbm4b:s3+s2], $0x2800, $0x38;
	[tilespmem:$0xA000] =	vst v63  }
0x12: {  	_ =	swait.ge [sflag:s10], $0x2800  }
0x13: {  	[sflag:s10] =	ssyncset.done $0x0  }
0x14: {  	[sflag:s10] =	ssyncadd.s32 $0xFFFFD800  }
0x15: {  	[tilespmem:s2], [sflag:$0x1] =	stream.linear.gather [hbm4b:s5+s2], $0x2800, $0x38;
	[tilespmem:$0xA000] =	vst v63  }
0x16: {  	_ =	swait.ge [sflag:s10], $0x2800  }
0x17: {  	[sflag:s10] =	ssyncset.done $0x0  }
0x18: {  	[sflag:s10] =	ssyncadd.s32 $0xFFFFD800  }
0x19: {  	[tilespmem:s12], [sflag:$0x1] =	stream.linear.gather [hbm4b:s6+s2], $0x2800, $0x38;
	[tilespmem:$0xA000] =	vst v63  }
0x1a: {  	_ =	swait.ge [sflag:s10], $0x2800  }
0x1b: {  	[sflag:s10] =	ssyncset.done $0x0  }
0x1c: {  	s16 =	simm.s32 $0x0;
	[sflag:s10] =	ssyncadd.s32 $0xFFFFD800  }
.LBB2_2:
0x1d: {  	s17 =	sshra.s32 s16, $0x2  }
0x1e: {  	v0 =	vld [tilespmem:s17+$0x0];
	_ =	sdelay $0x4  }
0x1f: {  	v1 =	vld [tilespmem:s17+$0x2800];
	_ =	sdelay $0x2  }
0x20: {  	v0 =	vld.idx.msk [tilespmem:v0+s11+$0x0], $0xffff;
	_ =	sdelay $0x4  }
0x21: {  	[tilespmem:v1+s9+$0x0] =	vst.idx.add.f32.msk $0xffff, v0  }
0x22: {  	v0 =	vld [tilespmem:s17+$0x10];
	_ =	sdelay $0x4  }
0x23: {  	v1 =	vld [tilespmem:s17+$0x2810];
	_ =	sdelay $0x2  }
0x24: {  	v0 =	vld.idx.msk [tilespmem:v0+s11+$0x0], $0xffff;
	_ =	sdelay $0x4  }
0x25: {  	[tilespmem:v1+s9+$0x0] =	vst.idx.add.f32.msk $0xffff, v0  }
0x26: {  	v0 =	vld [tilespmem:s17+$0x20];
	_ =	sdelay $0x4  }
0x27: {  	v1 =	vld [tilespmem:s17+$0x2820];
	_ =	sdelay $0x2  }
0x28: {  	v0 =	vld.idx.msk [tilespmem:v0+s11+$0x0], $0xffff;
	_ =	sdelay $0x4  }
0x29: {  	[tilespmem:v1+s9+$0x0] =	vst.idx.add.f32.msk $0xffff, v0  }
0x2a: {  	v0 =	vld [tilespmem:s17+$0x30];
	_ =	sdelay $0x4  }
0x2b: {  	v1 =	vld [tilespmem:s17+$0x2830];
	_ =	sdelay $0x2  }
0x2c: {  	v0 =	vld.idx.msk [tilespmem:v0+s11+$0x0], $0xffff;
	_ =	sdelay $0x4  }
0x2d: {  	[tilespmem:v1+s9+$0x0] =	vst.idx.add.f32.msk $0xffff, v0  }
0x2e: {  	v0 =	vld [tilespmem:s17+$0x40];
	_ =	sdelay $0x4  }
0x2f: {  	v1 =	vld [tilespmem:s17+$0x2840];
	_ =	sdelay $0x2  }
0x30: {  	v0 =	vld.idx.msk [tilespmem:v0+s11+$0x0], $0xffff;
	_ =	sdelay $0x4  }
0x31: {  	[tilespmem:v1+s9+$0x0] =	vst.idx.add.f32.msk $0xffff, v0  }
0x32: {  	v0 =	vld [tilespmem:s17+$0x50];
	_ =	sdelay $0x4  }
0x33: {  	v1 =	vld [tilespmem:s17+$0x2850];
	_ =	sdelay $0x2  }
0x34: {  	v0 =	vld.idx.msk [tilespmem:v0+s11+$0x0], $0xffff;
	_ =	sdelay $0x4  }
0x35: {  	[tilespmem:v1+s9+$0x0] =	vst.idx.add.f32.msk $0xffff, v0  }
0x36: {  	v0 =	vld [tilespmem:s17+$0x60];
	_ =	sdelay $0x4  }
0x37: {  	v1 =	vld [tilespmem:s17+$0x2860];
	_ =	sdelay $0x2  }
0x38: {  	v0 =	vld.idx.msk [tilespmem:v0+s11+$0x0], $0xffff;
	_ =	sdelay $0x4  }
0x39: {  	[tilespmem:v1+s9+$0x0] =	vst.idx.add.f32.msk $0xffff, v0  }
0x3a: {  	v0 =	vld [tilespmem:s17+$0x70];
	_ =	sdelay $0x4  }
0x3b: {  	v1 =	vld [tilespmem:s17+$0x2870];
	_ =	sdelay $0x2  }
0x3c: {  	p0 =	sne.s32 s16, $0x9E00;
	v0 =	vld.idx.msk [tilespmem:v0+s11+$0x0], $0xffff  }
.Ltmp0:
0x3d: {  	_ = 	snop;
	(pc) =	sbr.rel @p0 .LBB2_2-.Ltmp0, $2  }
0x3e: {  	_ =	sdelay $0x2  }
0x3f: {  	s16 =	sadd.s32 $0x200, s16;
	[tilespmem:v1+s9+$0x0] =	vst.idx.add.f32.msk $0xffff, v0  }
0x40: {  	s15 =	sadd.s32 $0x1, s15  }
0x41: {  	p0 =	sne.s32 s15, s8  }
.Ltmp1:
0x42: {  	_ = 	snop;
	(pc) =	sbr.rel @p0 .LBB2_1-.Ltmp1, $4  }
0x43: {  	[hbm4b:s7+s13] =	stream.strided.scatter [tilespmem:s9], [sflag:$0x1], $0x2800, s14, s13, $0x38;
	[tilespmem:$0xA000] =	vst v63  }
0x44: {  	_ =	swait.ge [sflag:s10], $0x2800  }
0x45: {  	[sflag:s10] =	ssyncset.done $0x0  }
0x46: {  	[sflag:s10] =	ssyncadd.s32 $0xFFFFD800  }
0x47: {  	_ =	sfence.sel $0x180000  }
0x48: {  	[bflag:$0x0] =	sbarrier.arrive $0xFFFF  }
0x49: {  	p0 =	sne.s32 s0, $0x0;
	_ =	strace $0x90000047  }
0x4a: {  	s0 =	sadd.s32 @!p0 $0x100000, s1;
	[bflag:$0x2] =	sbarrier.arrive $0xFFFF  }
0x4b: {  	[sflag:s0] =	ssyncadd.tile.s32 @!p0 $0x1;
	_ =	shalt  }
.Lfunc_end2:
_tile_overlayer_lowered:
.L_overlay_start_2:
0x4c: {  	(tag) =	ssettag $0x2  }
0x4d: {  	s0 =	rddreg [dreg:$0x0];
	s2 =	stileid.u32  }
0x4e: {  	s1 =	rddreg [dreg:$0x1];
	p0 =	sne.s32 s2, $0x0  }
0x4f: {  	s3 =	rddreg [dreg:$0x2];
	[bflag:$0x3] =	sbarrier.arrive $0xFFFF;
	s2 =	simm.s32 @!p0 $0x1C01  }
0x50: {  	[timem:s3], [sflag:s2] =	dma.local @!p0 [hbm:s0], s1  }
0x51: {  	s0 =	simm.s32 @!p0 $0x1  }
0x52: {  	_ =	swait.ge @!p0 [sflag:s0], s1  }
0x53: {  	s1 =	ssub.s32 @!p0 $0x0, s1;
	[sflag:s0] =	ssyncset.done @!p0 $0x0  }
0x54: {  	[sflag:s0] =	ssyncadd.s32 @!p0 s1  }
0x55: {  	[bflag:$0x3] =	sbarrier.arrive $0xFFFF  }
0x56: {  	_ =	shalt  }

// kernel: kernel.27.cloned.1.call-start
scs
__scs_entry_jumppad:
0x0: {  	(pc) =	sbr.rel $0x88, $3  }
0x1: {  	(tag) =	ssettag $0x0;
	lr =	simm.s32 $0x1  }
0x2: {  	[smem:$0x3F95] =	sst lr;
	_ =	strace $0xD0000000  }
0x3: {  	_ = 	snop  }
0x4: {  	_ = 	snop  }
0x5: {  	_ = 	snop  }
0x6: {  	_ = 	snop  }
0x7: {  	_ = 	snop  }
__scs_overlays_trampoline_lowered:
0x8: {  	[smem:$0x3FA4] =	sst s0  }
0x9: {  	[smem:$0x3FA5] =	sst s1  }
0xa: {  	[smem:$0x3FA6] =	sst s2  }
0xb: {  	[smem:$0x3FA7] =	sst s3  }
0xc: {  	[smem:$0x3FA8] =	sst s4  }
0xd: {  	[smem:$0x3FA9] =	sst s5  }
0xe: {  	[smem:$0x3FAA] =	sst s6  }
0xf: {  	[smem:$0x3FAB] =	sst s7  }
0x10: {  	[smem:$0x3FAC] =	sst s8  }
0x11: {  	[smem:$0x3FAD] =	sst s9;
	s0 =	simm.s32 @!p0 $0x0  }
0x12: {  	s1 =	sld [smem:$0x3F93];
	s0 =	simm.s32 @p0 $0x1  }
0x13: {  	[smem:$0x3FAE] =	sst s0;
	s0 =	simm.s32 @!p1 $0x0  }
0x14: {  	s2 =	sld [smem:$0x3F92];
	s0 =	simm.s32 @p1 $0x1  }
0x15: {  	[smem:$0x3FAF] =	sst s0;
	s0 =	simm.s32 @!p2 $0x0  }
0x16: {  	s3 =	sld [smem:$0x3FDB];
	s0 =	simm.s32 @p2 $0x1  }
0x17: {  	s4 =	simm.s32 $0x1BF5;
	[smem:$0x3FB1] =	sst s0  }
0x18: {  	s0 =	sld [smem:$0x3F94];
	_ =	swait.ge [sflag:s4], $0x0  }
0x19: {  	s7 =	sld [smem:$0x3F95]  }
0x1a: {  	s8 =	sadd.s32 $0xFFFFE003, lr  }
0x1b: {  	s9 =	sadd.s32 $0xFFFFFEF7, lr;
	s5 =	simm.s32 $0xFFFFFFFF;
	p2 =	slt.u32 s8, $0xFFFFF086  }
0x1c: {  	p1 =	slt.u32 s9, $0xF7A;
	s5 =	simm.s32 @!p2 $0x0  }
0x1d: {  	s5 =	simm.s32 @p1 $0x1;
	p0 =	seq.s32 s7, s2  }
0x1e: {  	s7 =	smul.u32 @!p0 $0xF7A, s2;
	p2 =	seq.s32 @!p0 s5, $0x0  }
0x1f: {  	s9 =	smul.u32 $0xF7A, s1;
	s8 =	simm.s32 @!p0 $0x1BF5;
	p2 =	por !p2, p0  }
0x20: {  	[sflag:s8] =	ssyncset.s32 @!p0 $0xFFFFF086;
	s6 =	sadd.s32 @!p0 s3, s7;
	s7 =	simm.s32 @!p0 $0x108  }
0x21: {  	s3 =	sadd.s32 s3, s9;
	s6 =	sadd.s32 @!p0 $0x88, s6;
	s7 =	simm.s32 @p2 $0x1082  }
0x22: {  	[simem:s7], [sflag:s8] =	dma.local @!p0 [hbm:s6], $0xF7A  }
0x23: {  	s9 =	sor.u32 $0xD0000000, s2;
	s6 =	simm.s32 $0x108;
	_ =	swait.ge @!p0 [sflag:s8], $0x0  }
0x24: {  	s3 =	sadd.s32 $0x88, s3;
	s6 =	simm.s32 @!p1 $0x1082;
	[sflag:s4] =	ssyncset.s32 $0xFFFFF086  }
0x25: {  	[simem:s6], [sflag:s4] =	dma.local [hbm:s3], $0xF7A  }
0x26: {  	[smem:$0x3F95] =	sst s1;
	(tag) =	ssettag s2;
	_ =	strace s9  }
0x27: {  	s1 =	sld [smem:$0x3FA5]  }
0x28: {  	s2 =	sld [smem:$0x3FA6]  }
0x29: {  	s4 =	sld [smem:$0x3FA8]  }
0x2a: {  	p0 =	seq.s32 s5, $0x0;
	s5 =	sld [smem:$0x3FA9]  }
0x2b: {  	s6 =	sld [smem:$0x3FAA]  }
0x2c: {  	s7 =	sld [smem:$0x3FAB]  }
0x2d: {  	s3 =	simm.s32 $0x108;
	s8 =	sld [smem:$0x3FAC]  }
0x2e: {  	s3 =	simm.s32 @!p0 $0x1082;
	s9 =	sld [smem:$0x3FAD]  }
0x2f: {  	lr =	sadd.s32 s0, s3;
	s0 =	sld [smem:$0x3FA4]  }
0x30: {  	s3 =	sld [smem:$0x3FA7]  }
0x31: {  	[smem:$0x3FB0] =	sst s10  }
0x32: {  	s10 =	sld [smem:$0x3FAE];
	_ =	sdelay $0x3  }
0x33: {  	p0 =	seq.s32 s10, $0x1;
	s10 =	sld [smem:$0x3FB0];
	_ =	sdelay $0x3  }
0x34: {  	[smem:$0x3FB0] =	sst s10  }
0x35: {  	s10 =	sld [smem:$0x3FAF];
	_ =	sdelay $0x3  }
0x36: {  	p1 =	seq.s32 s10, $0x1;
	s10 =	sld [smem:$0x3FB0];
	_ =	sdelay $0x3  }
0x37: {  	[smem:$0x3FB0] =	sst s10  }
0x38: {  	s10 =	sld [smem:$0x3FB1]  }
0x39: {  	_ = 	snop;
	(pc) =	sbr.ind lr, $3  }
0x3a: {  	_ = 	snop  }
0x3b: {  	_ = 	snop  }
0x3c: {  	p2 =	seq.s32 s10, $0x1;
	s10 =	sld [smem:$0x3FB0]  }
0x3d: {  	_ =	shalt  }
0x3e: {  	_ =	shalt  }
0x3f: {  	_ =	shalt  }
0x40: {  	_ =	shalt  }
0x41: {  	_ =	shalt  }
0x42: {  	_ =	shalt  }
0x43: {  	_ =	shalt  }
0x44: {  	_ =	shalt  }
0x45: {  	_ =	shalt  }
0x46: {  	_ =	shalt  }
0x47: {  	_ =	shalt  }
0x48: {  	_ =	shalt  }
0x49: {  	_ =	shalt  }
0x4a: {  	_ =	shalt  }
0x4b: {  	_ =	shalt  }
0x4c: {  	_ =	shalt  }
0x4d: {  	_ =	shalt  }
0x4e: {  	_ =	shalt  }
0x4f: {  	_ =	shalt  }
0x50: {  	_ =	shalt  }
0x51: {  	_ =	shalt  }
0x52: {  	_ =	shalt  }
0x53: {  	_ =	shalt  }
0x54: {  	_ =	shalt  }
0x55: {  	_ =	shalt  }
0x56: {  	_ =	shalt  }
0x57: {  	_ =	shalt  }
0x58: {  	_ =	shalt  }
0x59: {  	_ =	shalt  }
0x5a: {  	_ =	shalt  }
0x5b: {  	_ =	shalt  }
0x5c: {  	_ =	shalt  }
0x5d: {  	_ =	shalt  }
0x5e: {  	_ =	shalt  }
0x5f: {  	_ =	shalt  }
0x60: {  	_ =	shalt  }
0x61: {  	_ =	shalt  }
0x62: {  	_ =	shalt  }
0x63: {  	_ =	shalt  }
0x64: {  	_ =	shalt  }
0x65: {  	_ =	shalt  }
0x66: {  	_ =	shalt  }
0x67: {  	_ =	shalt  }
0x68: {  	_ =	shalt  }
0x69: {  	_ =	shalt  }
0x6a: {  	_ =	shalt  }
0x6b: {  	_ =	shalt  }
0x6c: {  	_ =	shalt  }
0x6d: {  	_ =	shalt  }
0x6e: {  	_ =	shalt  }
0x6f: {  	_ =	shalt  }
0x70: {  	_ =	shalt  }
0x71: {  	_ =	shalt  }
0x72: {  	_ =	shalt  }
0x73: {  	_ =	shalt  }
0x74: {  	_ =	shalt  }
0x75: {  	_ =	shalt  }
0x76: {  	_ =	shalt  }
0x77: {  	_ =	shalt  }
0x78: {  	_ =	shalt  }
0x79: {  	_ =	shalt  }
0x7a: {  	_ =	shalt  }
0x7b: {  	_ =	shalt  }
0x7c: {  	_ =	shalt  }
0x7d: {  	_ =	shalt  }
0x7e: {  	_ =	shalt  }
0x7f: {  	_ =	shalt  }
0x80: {  	_ =	shalt  }
0x81: {  	_ =	shalt  }
0x82: {  	_ =	shalt  }
0x83: {  	_ =	shalt  }
0x84: {  	_ =	shalt  }
0x85: {  	_ =	shalt  }
0x86: {  	_ =	shalt  }
0x87: {  	_ =	shalt  }
.Lfunc_end0:
.L_simem_size_0:
called_computation.1_lowered:
.L_overlay_start_0:
0x88: {  	s2 =	sld [smem:$0x3FD9]  }
0x89: {  	s3 =	sld [smem:$0x3FFE];
	_ =	sdelay $0x1  }
0x8a: {  	s1 =	srdreg.scid  }
0x8b: {  	s0 =	sand.u32 $0x1, s1  }
0x8c: {  	s16 =	sshll.u32 s0, $0xA;
	s2 =	sadd.s32 s3, s2  }
0x8d: {  	s2 =	sadd.s32 s2, s16  }
0x8e: {  	[smem:$0x3FBC] =	sst s2  }
0x8f: {  	_ = 	snop  }
0x90: {  	(tm) =	ssettm $0x1  }
0x91: {  	s17 =	sld [smem:$0x3FFB];
	_ =	sdelay $0x3  }
0x92: {  	_ =	strace s17  }
0x93: {  	s2 =	sld [smem:$0x3FFC];
	_ =	sdelay $0x3  }
0x94: {  	_ =	strace s2  }
0x95: {  	s2 =	sld [smem:$0x3FFD];
	_ =	sdelay $0x3  }
0x96: {  	_ =	strace s2  }
0x97: {  	_ =	strace $0x8FFFFFFF  }
0x98: {  	s18 =	sld [smem:$0x3FDB];
	_ =	sdelay $0x1  }
0x99: {  	s19 =	simm.s32 $_scs_section_size  }
0x9a: {  	s4 =	simm.s32 $_size__tile_overlayer_lowered;
	s5 =	simm.s32 $_tile_overlayer_lowered  }
0x9b: {  	s22 =	simm.s32 $0x1BFF;
	s21 =	sshll.u32 s5, $0x1;
	s2 =	sadd.s32 s19, s18  }
0x9c: {  	s6 =	simm.s32 $0x0;
	s20 =	sshll.u32 s4, $0x1;
	s4 =	sadd.s32 s21, s2  }
0x9d: {  	[timem:s6], [sflag:s22] =	dma.local [hbm:s4], s20  }
0x9e: {  	_ =	swait.ge [sflag:s22], s20  }
0x9f: {  	s3 =	ssub.s32 $0x0, s20;
	[sflag:s22] =	ssyncset.done $0x0  }
0xa0: {  	[sflag:s22] =	ssyncadd.s32 s3;
	_ =	sdelay $0x1  }
0xa1: {  	s23 =	simm.s32 $0x1B8B  }
0xa2: {  	_ =	swait.ge [sflag:s23], $0x1  }
0xa3: {  	[sflag:s23] =	ssyncset.done $0x0  }
0xa4: {  	s25 =	simm.s32 $0x1B8E;
	s24 =	sld [smem:$0x3FFE];
	[sflag:s23] =	ssyncadd.s32 $0xFFFFFFFF  }
0xa5: {  	s26 =	simm.s32 $execute0_lowered;
	[smem:$0x3FD2] =	sst s25  }
0xa6: {  	s4 =	sshll.u32 s26, $0x1;
	_ =	strace $0x80000049;
	[dreg:$0x1] =	wrdreg $0xFFFFFFFF  }
0xa7: {  	s28 =	simm.s32 $_size_execute0_lowered;
	s2 =	sadd.s32 s2, s4;
	[dreg:$0x0] =	wrdreg $0x0  }
0xa8: {  	s4 =	sshll.u32 s28, $0x1;
	[dreg:$0x2] =	wrdreg s2  }
0xa9: {  	[dreg:$0x3] =	wrdreg s4  }
0xaa: {  	[dreg:$0x4] =	wrdreg $0xC0  }
0xab: {  	_ =	task [dreg:s6], $0x5FFFF  }
0xac: {  	[dreg:$0x1] =	wrdreg $0xFFFFFFFF  }
0xad: {  	[dreg:$0x0] =	wrdreg $0x60  }
0xae: {  	[dreg:$0x2] =	wrdreg s24  }
0xaf: {  	[dreg:$0x3] =	wrdreg $0x90000  }
0xb0: {  	[dreg:$0x4] =	wrdreg $0x9  }
0xb1: {  	_ =	task.clear_ibuf [dreg:s6], $0x5FFFF;
	_ =	strace $0x90000049  }
0xb2: {  	s29 =	simm.s32 $0x9;
	_ =	strace $0x8000004B  }
0xb3: {  	_ =	swait.ge [sflag:s29], $0x1  }
0xb4: {  	[sflag:s29] =	ssyncadd.s32 $0xFFFFFFFF  }
0xb5: {  	_ =	strace $0x9000004B  }
0xb6: {  	_ =	sfence  }
0xb7: {  	s30 =	sld [smem:$0x0];
	_ =	sdelay $0x2  }
0xb8: {  	s31 =	sshll.u32 s1, $0xD;
	s1 =	sshrl.u32 s1, $0x2  }
0xb9: {  	s3 =	sand.u32 $0x4000, s31;
	s1 =	sadd.s32 s1, s30  }
0xba: {  	s0 =	sor.u32 s3, s0;
	s1 =	sshll.u32 s1, $0x11  }
0xbb: {  	s0 =	sor.u32 s1, s0  }
0xbc: {  	s0 =	sadd.s32 $0x8F2B, s0  }
0xbd: {  	[sflag:s0] =	ssyncadd.remote.s32 $0x1  }
0xbe: {  	_ =	sfence.sel $0xFFFF  }
0xbf: {  	[dreg:$0x0] =	wrdreg $0xFFFFFFFF;
	(pc) =	sbr.abs _section_cstart, $3  }
0xc0: {  	[dreg:$0x1] =	wrdreg $0xFFFFFFFF  }
0xc1: {  	_ =	task.clear_ibuf [dreg:s6], $0x2FFFF;
	_ =	strace $0x9FFFFFFF  }
0xc2: {  	(tm) =	ssettm $0x7FFFFFFF  }
0xc3: {  	_ =	shalt  }
tec
execute0_lowered:
.L_overlay_start_1:
0x0: {  	(tag) =	ssettag $0x1  }
0x1: {  	s1 =	srdreg.scid;
	s5 =	rddreg [dreg:$0x0]  }
0x2: {  	s0 =	stileid.u32;
	s2 =	rddreg [dreg:$0x1];
	s3 =	simm.s32 $0x0  }
0x3: {  	s14 =	simm.s32 $0x5000;
	s15 =	simm.s32 $0x1;
	s16 =	simm.s32 $0x2  }
0x4: {  	s17 =	simm.s32 $0x4F80;
	s4 =	sand.u32 $0x1, s1;
	s1 =	rddreg [dreg:$0x2]  }
0x5: {  	s28 =	sshll.u32 s0, $0x1;
	[smem:$0x7FF] =	sst s3;
	s18 =	smul.u32 $0x2800, s0  }
0x6: {  	s9 =	smul.u32 $0x50000, s0;
	s31 =	sshll.u32 s0, $0x6;
	s6 =	sor.u32 s4, s28  }
0x7: {  	_ =	strace $0x8000004A;
	s7 =	smul.u32 $0x28000, s4;
	s29 =	ssub.s32 $0x2, s4  }
0x8: {  	s4 =	sadd.s32 $0x18400, s5;
	s6 =	smul.u32 $0x500, s6;
	s10 =	sadd.s32 s18, s5  }
0x9: {  	s11 =	sshrl.u32 s29, $0x1;
	s30 =	sshrl.u32 s9, $0x2;
	s12 =	sadd.s32 s7, s5  }
0xa: {  	s11 =	ssub.s32 s29, s11;
	s13 =	sadd.s32 s30, s2;
	s8 =	sadd.s32 s6, s5  }
0xb: {  	s5 =	sadd.s32 $0x40400, s10;
	s6 =	sor.u32 $0x1C03, s31;
	s19 =	sadd.s32 $0x68400, s12  }
0xc: {  	s9 =	smax.u32 s11, $0x1;
	s10 =	sshrl.u32 s13, $0x3;
	s11 =	simm.s32 $0x3  }
0xd: {  	s12 =	simm.s32 $0x2800;
	s13 =	simm.s32 $0x80;
	s7 =	sadd.s32 $0x3E00, s8  }
0xe: {  	s8 =	sadd.s32 $0xDE00, s8;
	s18 =	sadd.s32 s18, s19;
	s19 =	simm.s32 $0x0  }
.LBB2_1:
0xf: {  	[spmem:s10], [sflag:s6] =	dma.local [hbm:s5], $0x2800  }
0x10: {  	_ =	swait.ge [sflag:s11], $0x2800  }
0x11: {  	[sflag:s11] =	ssyncset.done $0x0  }
0x12: {  	[sflag:s11] =	ssyncadd.s32 $0xFFFFD800  }
0x13: {  	[tilespmem:s3], [sflag:$0x3] =	stream.linear.gather [hbm4b:s7+s3], $0x2800, $0x38;
	[tilespmem:$0x1D000] =	vst v63  }
0x14: {  	_ =	swait.ge [sflag:s11], $0x2800  }
0x15: {  	[sflag:s11] =	ssyncset.done $0x0  }
0x16: {  	[sflag:s11] =	ssyncadd.s32 $0xFFFFD800  }
0x17: {  	[tilespmem:s12], [sflag:$0x3] =	stream.linear.gather [hbm4b:s8+s3], $0x2800, $0x38;
	[tilespmem:$0x1D000] =	vst v63  }
0x18: {  	_ =	swait.ge [sflag:s11], $0x2800  }
0x19: {  	[sflag:s11] =	ssyncset.done $0x0  }
0x1a: {  	[sflag:s11] =	ssyncadd.s32 $0xFFFFD800  }
0x1b: {  	[bflag:$0x0] =	sbarrier.arrive $0xFFFF  }
0x1c: {  	[tilespmem:s14], [sflag:$0x1] =	stream.indirect.gather [hbm4b:s4+s13], $0x80, s3, s13, $0xb8;
	[tilespmem:$0x1D000] =	vst v63  }
0x1d: {  	_ =	swait.ge [sflag:s15], $0x4000  }
0x1e: {  	[sflag:s15] =	ssyncset.done $0x0  }
0x1f: {  	s20 =	simm.s32 $0x2800;
	[sflag:s15] =	ssyncadd.s32 $0xFFFFC000  }
0x20: {  	[spmem:s2] =	stream.indirect.scatter.add.f32 [tilespmem:s14], [sflag:$0x2], $0x80, s20, s13, $0xb8;
	[tilespmem:$0x1D000] =	vst v63  }
0x21: {  	_ =	swait.ge [sflag:s16], $0x4000  }
0x22: {  	[sflag:s16] =	ssyncset.done $0x0  }
0x23: {  	s21 =	simm.s32 $0x80;
	s20 =	simm.s32 $0x200;
	[sflag:s16] =	ssyncadd.s32 $0xFFFFC000  }
.LBB2_2:
0x24: {  	[tilespmem:s14], [sflag:$0x1] =	stream.indirect.gather [hbm4b:s4+s13], $0x80, s21, s13, $0xb8;
	[tilespmem:$0x1D000] =	vst v63  }
0x25: {  	s21 =	smov.u32 s20  }
0x26: {  	p0 =	sne.s32 s20, $0x9C00;
	s20 =	sadd.s32 $0x200, s20;
	_ =	swait.ge [sflag:s15], $0x4000  }
0x27: {  	s21 =	sshra.s32 s21, $0x2;
	[sflag:s15] =	ssyncset.done $0x0  }
.Ltmp0:
0x28: {  	s22 =	sadd.s32 $0x2800, s21;
	[sflag:s15] =	ssyncadd.s32 $0xFFFFC000;
	(pc) =	sbr.rel @p0 .LBB2_2-.Ltmp0, $4  }
0x29: {  	[spmem:s2] =	stream.indirect.scatter.add.f32 [tilespmem:s14], [sflag:$0x2], $0x80, s22, s13, $0xb8;
	[tilespmem:$0x1D000] =	vst v63  }
0x2a: {  	_ =	swait.ge [sflag:s16], $0x4000  }
0x2b: {  	[sflag:s16] =	ssyncset.done $0x0  }
0x2c: {  	s21 =	sadd.s32 $0x80, s21;
	[sflag:s16] =	ssyncadd.s32 $0xFFFFC000  }
0x2d: {  	[tilespmem:s14], [sflag:$0x1] =	stream.indirect.gather [hbm4b:s4+s13], $0x80, s21, s13, $0xb8;
	[tilespmem:$0x1D000] =	vst v63  }
0x2e: {  	_ =	swait.ge [sflag:s15], $0x4000  }
0x2f: {  	[sflag:s15] =	ssyncset.done $0x0  }
0x30: {  	[sflag:s15] =	ssyncadd.s32 $0xFFFFC000  }
0x31: {  	[spmem:s2] =	stream.indirect.scatter.add.f32 [tilespmem:s14], [sflag:$0x2], $0x80, s17, s13, $0xb8;
	[tilespmem:$0x1D000] =	vst v63  }
0x32: {  	_ =	swait.ge [sflag:s16], $0x4000  }
0x33: {  	s19 =	sadd.s32 $0x1, s19;
	[sflag:s16] =	ssyncset.done $0x0  }
0x34: {  	p0 =	sne.s32 s19, s9;
	[sflag:s16] =	ssyncadd.s32 $0xFFFFC000  }
.Ltmp1:
0x35: {  	[bflag:$0x0] =	sbarrier.arrive $0xFFFF;
	(pc) =	sbr.rel @p0 .LBB2_1-.Ltmp1, $4  }
0x36: {  	[hbm:s18], [sflag:s6] =	dma.local [spmem:s10], $0x2800  }
0x37: {  	_ =	swait.ge [sflag:s11], $0x2800  }
0x38: {  	[sflag:s11] =	ssyncset.done $0x0  }
0x39: {  	[sflag:s11] =	ssyncadd.s32 $0xFFFFD800  }
0x3a: {  	_ =	sfence.sel $0x180000  }
0x3b: {  	[bflag:$0x0] =	sbarrier.arrive $0xFFFF  }
0x3c: {  	p0 =	sne.s32 s0, $0x0;
	_ =	strace $0x9000004A  }
0x3d: {  	s0 =	sadd.s32 @!p0 $0x100000, s1;
	[bflag:$0x2] =	sbarrier.arrive $0xFFFF  }
0x3e: {  	[sflag:s0] =	ssyncadd.tile.s32 @!p0 $0x1;
	_ =	shalt  }
.Lfunc_end2:
_tile_overlayer_lowered:
.L_overlay_start_2:
0x3f: {  	(tag) =	ssettag $0x2  }
0x40: {  	s0 =	rddreg [dreg:$0x0];
	s2 =	stileid.u32  }
0x41: {  	s1 =	rddreg [dreg:$0x1];
	p0 =	sne.s32 s2, $0x0  }
0x42: {  	s3 =	rddreg [dreg:$0x2];
	[bflag:$0x3] =	sbarrier.arrive $0xFFFF;
	s2 =	simm.s32 @!p0 $0x1C03  }
0x43: {  	[timem:s3], [sflag:s2] =	dma.local @!p0 [hbm:s0], s1  }
0x44: {  	s0 =	simm.s32 @!p0 $0x3  }
0x45: {  	_ =	swait.ge @!p0 [sflag:s0], s1  }
0x46: {  	s1 =	ssub.s32 @!p0 $0x0, s1;
	[sflag:s0] =	ssyncset.done @!p0 $0x0  }
0x47: {  	[sflag:s0] =	ssyncadd.s32 @!p0 s1  }
0x48: {  	[bflag:$0x3] =	sbarrier.arrive $0xFFFF  }
0x49: {  	_ =	shalt  }

// kernel: kernel.30.cloned.1.call-start
scs
__scs_entry_jumppad:
0x0: {  	(pc) =	sbr.rel $0x88, $3  }
0x1: {  	(tag) =	ssettag $0x0;
	lr =	simm.s32 $0x1  }
0x2: {  	[smem:$0x3F95] =	sst lr;
	_ =	strace $0xD0000000  }
0x3: {  	_ = 	snop  }
0x4: {  	_ = 	snop  }
0x5: {  	_ = 	snop  }
0x6: {  	_ = 	snop  }
0x7: {  	_ = 	snop  }
__scs_overlays_trampoline_lowered:
0x8: {  	[smem:$0x3FA4] =	sst s0  }
0x9: {  	[smem:$0x3FA5] =	sst s1  }
0xa: {  	[smem:$0x3FA6] =	sst s2  }
0xb: {  	[smem:$0x3FA7] =	sst s3  }
0xc: {  	[smem:$0x3FA8] =	sst s4  }
0xd: {  	[smem:$0x3FA9] =	sst s5  }
0xe: {  	[smem:$0x3FAA] =	sst s6  }
0xf: {  	[smem:$0x3FAB] =	sst s7  }
0x10: {  	[smem:$0x3FAC] =	sst s8  }
0x11: {  	[smem:$0x3FAD] =	sst s9;
	s0 =	simm.s32 @!p0 $0x0  }
0x12: {  	s1 =	sld [smem:$0x3F93];
	s0 =	simm.s32 @p0 $0x1  }
0x13: {  	[smem:$0x3FAE] =	sst s0;
	s0 =	simm.s32 @!p1 $0x0  }
0x14: {  	s2 =	sld [smem:$0x3F92];
	s0 =	simm.s32 @p1 $0x1  }
0x15: {  	[smem:$0x3FAF] =	sst s0;
	s0 =	simm.s32 @!p2 $0x0  }
0x16: {  	s3 =	sld [smem:$0x3FDB];
	s0 =	simm.s32 @p2 $0x1  }
0x17: {  	s4 =	simm.s32 $0x1BF5;
	[smem:$0x3FB1] =	sst s0  }
0x18: {  	s0 =	sld [smem:$0x3F94];
	_ =	swait.ge [sflag:s4], $0x0  }
0x19: {  	s7 =	sld [smem:$0x3F95]  }
0x1a: {  	s8 =	sadd.s32 $0xFFFFE003, lr  }
0x1b: {  	s9 =	sadd.s32 $0xFFFFFEF7, lr;
	s5 =	simm.s32 $0xFFFFFFFF;
	p2 =	slt.u32 s8, $0xFFFFF086  }
0x1c: {  	p1 =	slt.u32 s9, $0xF7A;
	s5 =	simm.s32 @!p2 $0x0  }
0x1d: {  	s5 =	simm.s32 @p1 $0x1;
	p0 =	seq.s32 s7, s2  }
0x1e: {  	s7 =	smul.u32 @!p0 $0xF7A, s2;
	p2 =	seq.s32 @!p0 s5, $0x0  }
0x1f: {  	s9 =	smul.u32 $0xF7A, s1;
	s8 =	simm.s32 @!p0 $0x1BF5;
	p2 =	por !p2, p0  }
0x20: {  	[sflag:s8] =	ssyncset.s32 @!p0 $0xFFFFF086;
	s6 =	sadd.s32 @!p0 s3, s7;
	s7 =	simm.s32 @!p0 $0x108  }
0x21: {  	s3 =	sadd.s32 s3, s9;
	s6 =	sadd.s32 @!p0 $0x88, s6;
	s7 =	simm.s32 @p2 $0x1082  }
0x22: {  	[simem:s7], [sflag:s8] =	dma.local @!p0 [hbm:s6], $0xF7A  }
0x23: {  	s9 =	sor.u32 $0xD0000000, s2;
	s6 =	simm.s32 $0x108;
	_ =	swait.ge @!p0 [sflag:s8], $0x0  }
0x24: {  	s3 =	sadd.s32 $0x88, s3;
	s6 =	simm.s32 @!p1 $0x1082;
	[sflag:s4] =	ssyncset.s32 $0xFFFFF086  }
0x25: {  	[simem:s6], [sflag:s4] =	dma.local [hbm:s3], $0xF7A  }
0x26: {  	[smem:$0x3F95] =	sst s1;
	(tag) =	ssettag s2;
	_ =	strace s9  }
0x27: {  	s1 =	sld [smem:$0x3FA5]  }
0x28: {  	s2 =	sld [smem:$0x3FA6]  }
0x29: {  	s4 =	sld [smem:$0x3FA8]  }
0x2a: {  	p0 =	seq.s32 s5, $0x0;
	s5 =	sld [smem:$0x3FA9]  }
0x2b: {  	s6 =	sld [smem:$0x3FAA]  }
0x2c: {  	s7 =	sld [smem:$0x3FAB]  }
0x2d: {  	s3 =	simm.s32 $0x108;
	s8 =	sld [smem:$0x3FAC]  }
0x2e: {  	s3 =	simm.s32 @!p0 $0x1082;
	s9 =	sld [smem:$0x3FAD]  }
0x2f: {  	lr =	sadd.s32 s0, s3;
	s0 =	sld [smem:$0x3FA4]  }
0x30: {  	s3 =	sld [smem:$0x3FA7]  }
0x31: {  	[smem:$0x3FB0] =	sst s10  }
0x32: {  	s10 =	sld [smem:$0x3FAE];
	_ =	sdelay $0x3  }
0x33: {  	p0 =	seq.s32 s10, $0x1;
	s10 =	sld [smem:$0x3FB0];
	_ =	sdelay $0x3  }
0x34: {  	[smem:$0x3FB0] =	sst s10  }
0x35: {  	s10 =	sld [smem:$0x3FAF];
	_ =	sdelay $0x3  }
0x36: {  	p1 =	seq.s32 s10, $0x1;
	s10 =	sld [smem:$0x3FB0];
	_ =	sdelay $0x3  }
0x37: {  	[smem:$0x3FB0] =	sst s10  }
0x38: {  	s10 =	sld [smem:$0x3FB1]  }
0x39: {  	_ = 	snop;
	(pc) =	sbr.ind lr, $3  }
0x3a: {  	_ = 	snop  }
0x3b: {  	_ = 	snop  }
0x3c: {  	p2 =	seq.s32 s10, $0x1;
	s10 =	sld [smem:$0x3FB0]  }
0x3d: {  	_ =	shalt  }
0x3e: {  	_ =	shalt  }
0x3f: {  	_ =	shalt  }
0x40: {  	_ =	shalt  }
0x41: {  	_ =	shalt  }
0x42: {  	_ =	shalt  }
0x43: {  	_ =	shalt  }
0x44: {  	_ =	shalt  }
0x45: {  	_ =	shalt  }
0x46: {  	_ =	shalt  }
0x47: {  	_ =	shalt  }
0x48: {  	_ =	shalt  }
0x49: {  	_ =	shalt  }
0x4a: {  	_ =	shalt  }
0x4b: {  	_ =	shalt  }
0x4c: {  	_ =	shalt  }
0x4d: {  	_ =	shalt  }
0x4e: {  	_ =	shalt  }
0x4f: {  	_ =	shalt  }
0x50: {  	_ =	shalt  }
0x51: {  	_ =	shalt  }
0x52: {  	_ =	shalt  }
0x53: {  	_ =	shalt  }
0x54: {  	_ =	shalt  }
0x55: {  	_ =	shalt  }
0x56: {  	_ =	shalt  }
0x57: {  	_ =	shalt  }
0x58: {  	_ =	shalt  }
0x59: {  	_ =	shalt  }
0x5a: {  	_ =	shalt  }
0x5b: {  	_ =	shalt  }
0x5c: {  	_ =	shalt  }
0x5d: {  	_ =	shalt  }
0x5e: {  	_ =	shalt  }
0x5f: {  	_ =	shalt  }
0x60: {  	_ =	shalt  }
0x61: {  	_ =	shalt  }
0x62: {  	_ =	shalt  }
0x63: {  	_ =	shalt  }
0x64: {  	_ =	shalt  }
0x65: {  	_ =	shalt  }
0x66: {  	_ =	shalt  }
0x67: {  	_ =	shalt  }
0x68: {  	_ =	shalt  }
0x69: {  	_ =	shalt  }
0x6a: {  	_ =	shalt  }
0x6b: {  	_ =	shalt  }
0x6c: {  	_ =	shalt  }
0x6d: {  	_ =	shalt  }
0x6e: {  	_ =	shalt  }
0x6f: {  	_ =	shalt  }
0x70: {  	_ =	shalt  }
0x71: {  	_ =	shalt  }
0x72: {  	_ =	shalt  }
0x73: {  	_ =	shalt  }
0x74: {  	_ =	shalt  }
0x75: {  	_ =	shalt  }
0x76: {  	_ =	shalt  }
0x77: {  	_ =	shalt  }
0x78: {  	_ =	shalt  }
0x79: {  	_ =	shalt  }
0x7a: {  	_ =	shalt  }
0x7b: {  	_ =	shalt  }
0x7c: {  	_ =	shalt  }
0x7d: {  	_ =	shalt  }
0x7e: {  	_ =	shalt  }
0x7f: {  	_ =	shalt  }
0x80: {  	_ =	shalt  }
0x81: {  	_ =	shalt  }
0x82: {  	_ =	shalt  }
0x83: {  	_ =	shalt  }
0x84: {  	_ =	shalt  }
0x85: {  	_ =	shalt  }
0x86: {  	_ =	shalt  }
0x87: {  	_ =	shalt  }
.Lfunc_end0:
.L_simem_size_0:
called_computation.2_lowered:
.L_overlay_start_0:
0x88: {  	s2 =	sld [smem:$0x3FD9]  }
0x89: {  	s3 =	sld [smem:$0x3FFE];
	_ =	sdelay $0x1  }
0x8a: {  	s1 =	srdreg.scid  }
0x8b: {  	s0 =	sand.u32 $0x1, s1  }
0x8c: {  	s16 =	sshll.u32 s0, $0xA;
	s2 =	sadd.s32 s3, s2  }
0x8d: {  	s2 =	sadd.s32 s2, s16  }
0x8e: {  	[smem:$0x3FBC] =	sst s2  }
0x8f: {  	_ = 	snop  }
0x90: {  	(tm) =	ssettm $0x1  }
0x91: {  	s17 =	sld [smem:$0x3FFB];
	_ =	sdelay $0x3  }
0x92: {  	_ =	strace s17  }
0x93: {  	s2 =	sld [smem:$0x3FFC];
	_ =	sdelay $0x3  }
0x94: {  	_ =	strace s2  }
0x95: {  	s2 =	sld [smem:$0x3FFD];
	_ =	sdelay $0x3  }
0x96: {  	_ =	strace s2  }
0x97: {  	_ =	strace $0x8FFFFFFF  }
0x98: {  	s18 =	sld [smem:$0x3FDB];
	_ =	sdelay $0x1  }
0x99: {  	s19 =	simm.s32 $_scs_section_size  }
0x9a: {  	s4 =	simm.s32 $_size__tile_overlayer_lowered;
	s5 =	simm.s32 $_tile_overlayer_lowered  }
0x9b: {  	s22 =	simm.s32 $0x1BFF;
	s21 =	sshll.u32 s5, $0x1;
	s2 =	sadd.s32 s19, s18  }
0x9c: {  	s6 =	simm.s32 $0x0;
	s20 =	sshll.u32 s4, $0x1;
	s4 =	sadd.s32 s21, s2  }
0x9d: {  	[timem:s6], [sflag:s22] =	dma.local [hbm:s4], s20  }
0x9e: {  	_ =	swait.ge [sflag:s22], s20  }
0x9f: {  	s3 =	ssub.s32 $0x0, s20;
	[sflag:s22] =	ssyncset.done $0x0  }
0xa0: {  	[sflag:s22] =	ssyncadd.s32 s3;
	_ =	sdelay $0x1  }
0xa1: {  	s23 =	simm.s32 $0x1B8B  }
0xa2: {  	_ =	swait.ge [sflag:s23], $0x1  }
0xa3: {  	[sflag:s23] =	ssyncset.done $0x0  }
0xa4: {  	s25 =	simm.s32 $0x1B8E;
	s24 =	sld [smem:$0x3FFE];
	[sflag:s23] =	ssyncadd.s32 $0xFFFFFFFF  }
0xa5: {  	s26 =	simm.s32 $execute0_lowered;
	[smem:$0x3FD2] =	sst s25  }
0xa6: {  	s4 =	sshll.u32 s26, $0x1;
	_ =	strace $0x8000004C;
	[dreg:$0x1] =	wrdreg $0xFFFFFFFF  }
0xa7: {  	s28 =	simm.s32 $_size_execute0_lowered;
	s2 =	sadd.s32 s2, s4;
	[dreg:$0x0] =	wrdreg $0x0  }
0xa8: {  	s4 =	sshll.u32 s28, $0x1;
	[dreg:$0x2] =	wrdreg s2  }
0xa9: {  	[dreg:$0x3] =	wrdreg s4  }
0xaa: {  	[dreg:$0x4] =	wrdreg $0xC0  }
0xab: {  	_ =	task [dreg:s6], $0x5FFFF  }
0xac: {  	[dreg:$0x1] =	wrdreg $0xFFFFFFFF  }
0xad: {  	[dreg:$0x0] =	wrdreg $0x60  }
0xae: {  	[dreg:$0x2] =	wrdreg s24  }
0xaf: {  	[dreg:$0x3] =	wrdreg $0x9  }
0xb0: {  	_ =	task.clear_ibuf [dreg:s6], $0x4FFFF;
	_ =	strace $0x9000004C  }
0xb1: {  	s29 =	simm.s32 $0x9;
	_ =	strace $0x8000004E  }
0xb2: {  	_ =	swait.ge [sflag:s29], $0x1  }
0xb3: {  	[sflag:s29] =	ssyncadd.s32 $0xFFFFFFFF  }
0xb4: {  	_ =	strace $0x9000004E  }
0xb5: {  	_ =	sfence  }
0xb6: {  	s30 =	sld [smem:$0x0];
	_ =	sdelay $0x2  }
0xb7: {  	s31 =	sshll.u32 s1, $0xD;
	s1 =	sshrl.u32 s1, $0x2  }
0xb8: {  	s3 =	sand.u32 $0x4000, s31;
	s1 =	sadd.s32 s1, s30  }
0xb9: {  	s0 =	sor.u32 s3, s0;
	s1 =	sshll.u32 s1, $0x11  }
0xba: {  	s0 =	sor.u32 s1, s0  }
0xbb: {  	s0 =	sadd.s32 $0x8F2B, s0  }
0xbc: {  	[sflag:s0] =	ssyncadd.remote.s32 $0x1  }
0xbd: {  	_ =	sfence.sel $0xFFFF  }
0xbe: {  	[dreg:$0x0] =	wrdreg $0xFFFFFFFF;
	(pc) =	sbr.abs _section_cstart, $3  }
0xbf: {  	[dreg:$0x1] =	wrdreg $0xFFFFFFFF  }
0xc0: {  	_ =	task.clear_ibuf [dreg:s6], $0x2FFFF;
	_ =	strace $0x9FFFFFFF  }
0xc1: {  	(tm) =	ssettm $0x7FFFFFFF  }
tec
execute0_lowered:
.L_overlay_start_1:
0x0: {  	(tag) =	ssettag $0x1  }
0x1: {  	s1 =	srdreg.scid;
	s0 =	stileid.u32  }
0x2: {  	s5 =	rddreg [dreg:$0x0];
	s2 =	simm.s32 $0x0;
	s9 =	simm.s32 $0x7800  }
0x3: {  	s10 =	simm.s32 $0x1;
	s11 =	simm.s32 $0x5000;
	s12 =	simm.s32 $0x2800  }
0x4: {  	s13 =	simm.s32 $0x80;
	s14 =	simm.s32 $0x400;
	s15 =	simm.s32 $0x0  }
0x5: {  	s4 =	sand.u32 $0x1, s1;
	s30 =	sshll.u32 s0, $0x1;
	s7 =	sshrl.u32 s0, $0x2  }
0x6: {  	s1 =	rddreg [dreg:$0x1];
	s3 =	sor.u32 s4, s30;
	s7 =	smul.u32 $0x14000, s7  }
0x7: {  	[smem:$0x7FF] =	sst s2;
	s6 =	smul.u32 $0x500, s3;
	s3 =	sshll.u32 s3, $0x7  }
0x8: {  	_ =	strace $0x8000004D;
	s8 =	ssub.s32 $0x2, s4;
	s3 =	sand.u32 $0x380, s3  }
0x9: {  	s4 =	sadd.s32 $0x17E00, s5;
	s31 =	sshrl.u32 s8, $0x1;
	s7 =	sor.u32 s7, s3  }
0xa: {  	s8 =	ssub.s32 s8, s31;
	s6 =	sadd.s32 s6, s5;
	s7 =	sshrl.u32 s7, $0x3  }
0xb: {  	s3 =	sadd.s32 $0x18400, s5;
	s8 =	smax.u32 s8, $0x1;
	s7 =	sadd.s32 s7, s5  }
0xc: {  	s5 =	sadd.s32 $0x3E00, s6;
	s6 =	sadd.s32 $0xDE00, s6;
	s7 =	sadd.s32 $0x18A00, s7  }
.LBB2_1:
0xd: {  	[tilespmem:s9], [sflag:$0x1] =	stream.linear.gather [hbm4b:s4+s2], $0x2800, $0x38;
	[tilespmem:$0xA000] =	vst v63  }
0xe: {  	_ =	swait.ge [sflag:s10], $0x2800  }
0xf: {  	[sflag:s10] =	ssyncset.done $0x0  }
0x10: {  	[sflag:s10] =	ssyncadd.s32 $0xFFFFD800  }
0x11: {  	[tilespmem:s11], [sflag:$0x1] =	stream.linear.gather [hbm4b:s3+s2], $0x2800, $0x38;
	[tilespmem:$0xA000] =	vst v63  }
0x12: {  	_ =	swait.ge [sflag:s10], $0x2800  }
0x13: {  	[sflag:s10] =	ssyncset.done $0x0  }
0x14: {  	[sflag:s10] =	ssyncadd.s32 $0xFFFFD800  }
0x15: {  	[tilespmem:s2], [sflag:$0x1] =	stream.linear.gather [hbm4b:s5+s2], $0x2800, $0x38;
	[tilespmem:$0xA000] =	vst v63  }
0x16: {  	_ =	swait.ge [sflag:s10], $0x2800  }
0x17: {  	[sflag:s10] =	ssyncset.done $0x0  }
0x18: {  	[sflag:s10] =	ssyncadd.s32 $0xFFFFD800  }
0x19: {  	[tilespmem:s12], [sflag:$0x1] =	stream.linear.gather [hbm4b:s6+s2], $0x2800, $0x38;
	[tilespmem:$0xA000] =	vst v63  }
0x1a: {  	_ =	swait.ge [sflag:s10], $0x2800  }
0x1b: {  	[sflag:s10] =	ssyncset.done $0x0  }
0x1c: {  	s16 =	simm.s32 $0x0;
	[sflag:s10] =	ssyncadd.s32 $0xFFFFD800  }
.LBB2_2:
0x1d: {  	s17 =	sshra.s32 s16, $0x2  }
0x1e: {  	v0 =	vld [tilespmem:s17+$0x0];
	_ =	sdelay $0x4  }
0x1f: {  	v1 =	vld [tilespmem:s17+$0x2800];
	_ =	sdelay $0x2  }
0x20: {  	v0 =	vld.idx.msk [tilespmem:v0+s11+$0x0], $0xffff;
	_ =	sdelay $0x4  }
0x21: {  	[tilespmem:v1+s9+$0x0] =	vst.idx.add.f32.msk $0xffff, v0  }
0x22: {  	v0 =	vld [tilespmem:s17+$0x10];
	_ =	sdelay $0x4  }
0x23: {  	v1 =	vld [tilespmem:s17+$0x2810];
	_ =	sdelay $0x2  }
0x24: {  	v0 =	vld.idx.msk [tilespmem:v0+s11+$0x0], $0xffff;
	_ =	sdelay $0x4  }
0x25: {  	[tilespmem:v1+s9+$0x0] =	vst.idx.add.f32.msk $0xffff, v0  }
0x26: {  	v0 =	vld [tilespmem:s17+$0x20];
	_ =	sdelay $0x4  }
0x27: {  	v1 =	vld [tilespmem:s17+$0x2820];
	_ =	sdelay $0x2  }
0x28: {  	v0 =	vld.idx.msk [tilespmem:v0+s11+$0x0], $0xffff;
	_ =	sdelay $0x4  }
0x29: {  	[tilespmem:v1+s9+$0x0] =	vst.idx.add.f32.msk $0xffff, v0  }
0x2a: {  	v0 =	vld [tilespmem:s17+$0x30];
	_ =	sdelay $0x4  }
0x2b: {  	v1 =	vld [tilespmem:s17+$0x2830];
	_ =	sdelay $0x2  }
0x2c: {  	v0 =	vld.idx.msk [tilespmem:v0+s11+$0x0], $0xffff;
	_ =	sdelay $0x4  }
0x2d: {  	[tilespmem:v1+s9+$0x0] =	vst.idx.add.f32.msk $0xffff, v0  }
0x2e: {  	v0 =	vld [tilespmem:s17+$0x40];
	_ =	sdelay $0x4  }
0x2f: {  	v1 =	vld [tilespmem:s17+$0x2840];
	_ =	sdelay $0x2  }
0x30: {  	v0 =	vld.idx.msk [tilespmem:v0+s11+$0x0], $0xffff;
	_ =	sdelay $0x4  }
0x31: {  	[tilespmem:v1+s9+$0x0] =	vst.idx.add.f32.msk $0xffff, v0  }
0x32: {  	v0 =	vld [tilespmem:s17+$0x50];
	_ =	sdelay $0x4  }
0x33: {  	v1 =	vld [tilespmem:s17+$0x2850];
	_ =	sdelay $0x2  }
0x34: {  	v0 =	vld.idx.msk [tilespmem:v0+s11+$0x0], $0xffff;
	_ =	sdelay $0x4  }
0x35: {  	[tilespmem:v1+s9+$0x0] =	vst.idx.add.f32.msk $0xffff, v0  }
0x36: {  	v0 =	vld [tilespmem:s17+$0x60];
	_ =	sdelay $0x4  }
0x37: {  	v1 =	vld [tilespmem:s17+$0x2860];
	_ =	sdelay $0x2  }
0x38: {  	v0 =	vld.idx.msk [tilespmem:v0+s11+$0x0], $0xffff;
	_ =	sdelay $0x4  }
0x39: {  	[tilespmem:v1+s9+$0x0] =	vst.idx.add.f32.msk $0xffff, v0  }
0x3a: {  	v0 =	vld [tilespmem:s17+$0x70];
	_ =	sdelay $0x4  }
0x3b: {  	v1 =	vld [tilespmem:s17+$0x2870];
	_ =	sdelay $0x2  }
0x3c: {  	p0 =	sne.s32 s16, $0x9E00;
	v0 =	vld.idx.msk [tilespmem:v0+s11+$0x0], $0xffff  }
.Ltmp0:
0x3d: {  	_ = 	snop;
	(pc) =	sbr.rel @p0 .LBB2_2-.Ltmp0, $2  }
0x3e: {  	_ =	sdelay $0x2  }
0x3f: {  	s16 =	sadd.s32 $0x200, s16;
	[tilespmem:v1+s9+$0x0] =	vst.idx.add.f32.msk $0xffff, v0  }
0x40: {  	s15 =	sadd.s32 $0x1, s15  }
0x41: {  	p0 =	sne.s32 s15, s8  }
.Ltmp1:
0x42: {  	_ = 	snop;
	(pc) =	sbr.rel @p0 .LBB2_1-.Ltmp1, $4  }
0x43: {  	[hbm4b:s7+s13] =	stream.strided.scatter [tilespmem:s9], [sflag:$0x1], $0x2800, s14, s13, $0x38;
	[tilespmem:$0xA000] =	vst v63  }
0x44: {  	_ =	swait.ge [sflag:s10], $0x2800  }
0x45: {  	[sflag:s10] =	ssyncset.done $0x0  }
0x46: {  	[sflag:s10] =	ssyncadd.s32 $0xFFFFD800  }
0x47: {  	_ =	sfence.sel $0x180000  }
0x48: {  	[bflag:$0x0] =	sbarrier.arrive $0xFFFF  }
0x49: {  	p0 =	sne.s32 s0, $0x0;
	_ =	strace $0x9000004D  }
0x4a: {  	s0 =	sadd.s32 @!p0 $0x100000, s1;
	[bflag:$0x2] =	sbarrier.arrive $0xFFFF  }
0x4b: {  	[sflag:s0] =	ssyncadd.tile.s32 @!p0 $0x1;
	_ =	shalt  }
.Lfunc_end2:
_tile_overlayer_lowered:
.L_overlay_start_2:
0x4c: {  	(tag) =	ssettag $0x2  }
0x4d: {  	s0 =	rddreg [dreg:$0x0];
	s2 =	stileid.u32  }
0x4e: {  	s1 =	rddreg [dreg:$0x1];
	p0 =	sne.s32 s2, $0x0  }
0x4f: {  	s3 =	rddreg [dreg:$0x2];
	[bflag:$0x3] =	sbarrier.arrive $0xFFFF;
	s2 =	simm.s32 @!p0 $0x1C01  }
0x50: {  	[timem:s3], [sflag:s2] =	dma.local @!p0 [hbm:s0], s1  }
0x51: {  	s0 =	simm.s32 @!p0 $0x1  }
0x52: {  	_ =	swait.ge @!p0 [sflag:s0], s1  }
0x53: {  	s1 =	ssub.s32 @!p0 $0x0, s1;
	[sflag:s0] =	ssyncset.done @!p0 $0x0  }
0x54: {  	[sflag:s0] =	ssyncadd.s32 @!p0 s1  }
0x55: {  	[bflag:$0x3] =	sbarrier.arrive $0xFFFF  }
0x56: {  	_ =	shalt  }

// kernel: kernel.33.cloned.1.call-start
scs
__scs_entry_jumppad:
0x0: {  	(pc) =	sbr.rel $0x88, $3  }
0x1: {  	(tag) =	ssettag $0x0;
	lr =	simm.s32 $0x1  }
0x2: {  	[smem:$0x3F95] =	sst lr;
	_ =	strace $0xD0000000  }
0x3: {  	_ = 	snop  }
0x4: {  	_ = 	snop  }
0x5: {  	_ = 	snop  }
0x6: {  	_ = 	snop  }
0x7: {  	_ = 	snop  }
__scs_overlays_trampoline_lowered:
0x8: {  	[smem:$0x3FA4] =	sst s0  }
0x9: {  	[smem:$0x3FA5] =	sst s1  }
0xa: {  	[smem:$0x3FA6] =	sst s2  }
0xb: {  	[smem:$0x3FA7] =	sst s3  }
0xc: {  	[smem:$0x3FA8] =	sst s4  }
0xd: {  	[smem:$0x3FA9] =	sst s5  }
0xe: {  	[smem:$0x3FAA] =	sst s6  }
0xf: {  	[smem:$0x3FAB] =	sst s7  }
0x10: {  	[smem:$0x3FAC] =	sst s8  }
0x11: {  	[smem:$0x3FAD] =	sst s9;
	s0 =	simm.s32 @!p0 $0x0  }
0x12: {  	s1 =	sld [smem:$0x3F93];
	s0 =	simm.s32 @p0 $0x1  }
0x13: {  	[smem:$0x3FAE] =	sst s0;
	s0 =	simm.s32 @!p1 $0x0  }
0x14: {  	s2 =	sld [smem:$0x3F92];
	s0 =	simm.s32 @p1 $0x1  }
0x15: {  	[smem:$0x3FAF] =	sst s0;
	s0 =	simm.s32 @!p2 $0x0  }
0x16: {  	s3 =	sld [smem:$0x3FDB];
	s0 =	simm.s32 @p2 $0x1  }
0x17: {  	s4 =	simm.s32 $0x1BF5;
	[smem:$0x3FB1] =	sst s0  }
0x18: {  	s0 =	sld [smem:$0x3F94];
	_ =	swait.ge [sflag:s4], $0x0  }
0x19: {  	s7 =	sld [smem:$0x3F95]  }
0x1a: {  	s8 =	sadd.s32 $0xFFFFE003, lr  }
0x1b: {  	s9 =	sadd.s32 $0xFFFFFEF7, lr;
	s5 =	simm.s32 $0xFFFFFFFF;
	p2 =	slt.u32 s8, $0xFFFFF086  }
0x1c: {  	p1 =	slt.u32 s9, $0xF7A;
	s5 =	simm.s32 @!p2 $0x0  }
0x1d: {  	s5 =	simm.s32 @p1 $0x1;
	p0 =	seq.s32 s7, s2  }
0x1e: {  	s7 =	smul.u32 @!p0 $0xF7A, s2;
	p2 =	seq.s32 @!p0 s5, $0x0  }
0x1f: {  	s9 =	smul.u32 $0xF7A, s1;
	s8 =	simm.s32 @!p0 $0x1BF5;
	p2 =	por !p2, p0  }
0x20: {  	[sflag:s8] =	ssyncset.s32 @!p0 $0xFFFFF086;
	s6 =	sadd.s32 @!p0 s3, s7;
	s7 =	simm.s32 @!p0 $0x108  }
0x21: {  	s3 =	sadd.s32 s3, s9;
	s6 =	sadd.s32 @!p0 $0x88, s6;
	s7 =	simm.s32 @p2 $0x1082  }
0x22: {  	[simem:s7], [sflag:s8] =	dma.local @!p0 [hbm:s6], $0xF7A  }
0x23: {  	s9 =	sor.u32 $0xD0000000, s2;
	s6 =	simm.s32 $0x108;
	_ =	swait.ge @!p0 [sflag:s8], $0x0  }
0x24: {  	s3 =	sadd.s32 $0x88, s3;
	s6 =	simm.s32 @!p1 $0x1082;
	[sflag:s4] =	ssyncset.s32 $0xFFFFF086  }
0x25: {  	[simem:s6], [sflag:s4] =	dma.local [hbm:s3], $0xF7A  }
0x26: {  	[smem:$0x3F95] =	sst s1;
	(tag) =	ssettag s2;
	_ =	strace s9  }
0x27: {  	s1 =	sld [smem:$0x3FA5]  }
0x28: {  	s2 =	sld [smem:$0x3FA6]  }
0x29: {  	s4 =	sld [smem:$0x3FA8]  }
0x2a: {  	p0 =	seq.s32 s5, $0x0;
	s5 =	sld [smem:$0x3FA9]  }
0x2b: {  	s6 =	sld [smem:$0x3FAA]  }
0x2c: {  	s7 =	sld [smem:$0x3FAB]  }
0x2d: {  	s3 =	simm.s32 $0x108;
	s8 =	sld [smem:$0x3FAC]  }
0x2e: {  	s3 =	simm.s32 @!p0 $0x1082;
	s9 =	sld [smem:$0x3FAD]  }
0x2f: {  	lr =	sadd.s32 s0, s3;
	s0 =	sld [smem:$0x3FA4]  }
0x30: {  	s3 =	sld [smem:$0x3FA7]  }
0x31: {  	[smem:$0x3FB0] =	sst s10  }
0x32: {  	s10 =	sld [smem:$0x3FAE];
	_ =	sdelay $0x3  }
0x33: {  	p0 =	seq.s32 s10, $0x1;
	s10 =	sld [smem:$0x3FB0];
	_ =	sdelay $0x3  }
0x34: {  	[smem:$0x3FB0] =	sst s10  }
0x35: {  	s10 =	sld [smem:$0x3FAF];
	_ =	sdelay $0x3  }
0x36: {  	p1 =	seq.s32 s10, $0x1;
	s10 =	sld [smem:$0x3FB0];
	_ =	sdelay $0x3  }
0x37: {  	[smem:$0x3FB0] =	sst s10  }
0x38: {  	s10 =	sld [smem:$0x3FB1]  }
0x39: {  	_ = 	snop;
	(pc) =	sbr.ind lr, $3  }
0x3a: {  	_ = 	snop  }
0x3b: {  	_ = 	snop  }
0x3c: {  	p2 =	seq.s32 s10, $0x1;
	s10 =	sld [smem:$0x3FB0]  }
0x3d: {  	_ =	shalt  }
0x3e: {  	_ =	shalt  }
0x3f: {  	_ =	shalt  }
0x40: {  	_ =	shalt  }
0x41: {  	_ =	shalt  }
0x42: {  	_ =	shalt  }
0x43: {  	_ =	shalt  }
0x44: {  	_ =	shalt  }
0x45: {  	_ =	shalt  }
0x46: {  	_ =	shalt  }
0x47: {  	_ =	shalt  }
0x48: {  	_ =	shalt  }
0x49: {  	_ =	shalt  }
0x4a: {  	_ =	shalt  }
0x4b: {  	_ =	shalt  }
0x4c: {  	_ =	shalt  }
0x4d: {  	_ =	shalt  }
0x4e: {  	_ =	shalt  }
0x4f: {  	_ =	shalt  }
0x50: {  	_ =	shalt  }
0x51: {  	_ =	shalt  }
0x52: {  	_ =	shalt  }
0x53: {  	_ =	shalt  }
0x54: {  	_ =	shalt  }
0x55: {  	_ =	shalt  }
0x56: {  	_ =	shalt  }
0x57: {  	_ =	shalt  }
0x58: {  	_ =	shalt  }
0x59: {  	_ =	shalt  }
0x5a: {  	_ =	shalt  }
0x5b: {  	_ =	shalt  }
0x5c: {  	_ =	shalt  }
0x5d: {  	_ =	shalt  }
0x5e: {  	_ =	shalt  }
0x5f: {  	_ =	shalt  }
0x60: {  	_ =	shalt  }
0x61: {  	_ =	shalt  }
0x62: {  	_ =	shalt  }
0x63: {  	_ =	shalt  }
0x64: {  	_ =	shalt  }
0x65: {  	_ =	shalt  }
0x66: {  	_ =	shalt  }
0x67: {  	_ =	shalt  }
0x68: {  	_ =	shalt  }
0x69: {  	_ =	shalt  }
0x6a: {  	_ =	shalt  }
0x6b: {  	_ =	shalt  }
0x6c: {  	_ =	shalt  }
0x6d: {  	_ =	shalt  }
0x6e: {  	_ =	shalt  }
0x6f: {  	_ =	shalt  }
0x70: {  	_ =	shalt  }
0x71: {  	_ =	shalt  }
0x72: {  	_ =	shalt  }
0x73: {  	_ =	shalt  }
0x74: {  	_ =	shalt  }
0x75: {  	_ =	shalt  }
0x76: {  	_ =	shalt  }
0x77: {  	_ =	shalt  }
0x78: {  	_ =	shalt  }
0x79: {  	_ =	shalt  }
0x7a: {  	_ =	shalt  }
0x7b: {  	_ =	shalt  }
0x7c: {  	_ =	shalt  }
0x7d: {  	_ =	shalt  }
0x7e: {  	_ =	shalt  }
0x7f: {  	_ =	shalt  }
0x80: {  	_ =	shalt  }
0x81: {  	_ =	shalt  }
0x82: {  	_ =	shalt  }
0x83: {  	_ =	shalt  }
0x84: {  	_ =	shalt  }
0x85: {  	_ =	shalt  }
0x86: {  	_ =	shalt  }
0x87: {  	_ =	shalt  }
.Lfunc_end0:
.L_simem_size_0:
called_computation.3_lowered:
.L_overlay_start_0:
0x88: {  	s2 =	sld [smem:$0x3FD9]  }
0x89: {  	s3 =	sld [smem:$0x3FFE];
	_ =	sdelay $0x1  }
0x8a: {  	s1 =	srdreg.scid  }
0x8b: {  	s0 =	sand.u32 $0x1, s1  }
0x8c: {  	s16 =	sshll.u32 s0, $0xA;
	s2 =	sadd.s32 s3, s2  }
0x8d: {  	s2 =	sadd.s32 s2, s16  }
0x8e: {  	[smem:$0x3FBC] =	sst s2  }
0x8f: {  	_ = 	snop  }
0x90: {  	(tm) =	ssettm $0x1  }
0x91: {  	s17 =	sld [smem:$0x3FFB];
	_ =	sdelay $0x3  }
0x92: {  	_ =	strace s17  }
0x93: {  	s2 =	sld [smem:$0x3FFC];
	_ =	sdelay $0x3  }
0x94: {  	_ =	strace s2  }
0x95: {  	s2 =	sld [smem:$0x3FFD];
	_ =	sdelay $0x3  }
0x96: {  	_ =	strace s2  }
0x97: {  	_ =	strace $0x8FFFFFFF  }
0x98: {  	s18 =	sld [smem:$0x3FDB];
	_ =	sdelay $0x1  }
0x99: {  	s19 =	simm.s32 $_scs_section_size  }
0x9a: {  	s4 =	simm.s32 $_size__tile_overlayer_lowered;
	s5 =	simm.s32 $_tile_overlayer_lowered  }
0x9b: {  	s22 =	simm.s32 $0x1BFF;
	s21 =	sshll.u32 s5, $0x1;
	s2 =	sadd.s32 s19, s18  }
0x9c: {  	s6 =	simm.s32 $0x0;
	s20 =	sshll.u32 s4, $0x1;
	s4 =	sadd.s32 s21, s2  }
0x9d: {  	[timem:s6], [sflag:s22] =	dma.local [hbm:s4], s20  }
0x9e: {  	_ =	swait.ge [sflag:s22], s20  }
0x9f: {  	s3 =	ssub.s32 $0x0, s20;
	[sflag:s22] =	ssyncset.done $0x0  }
0xa0: {  	[sflag:s22] =	ssyncadd.s32 s3;
	_ =	sdelay $0x1  }
0xa1: {  	s23 =	simm.s32 $0x1B8B  }
0xa2: {  	_ =	swait.ge [sflag:s23], $0x1  }
0xa3: {  	[sflag:s23] =	ssyncset.done $0x0  }
0xa4: {  	s25 =	simm.s32 $0x1B8E;
	s24 =	sld [smem:$0x3FFE];
	[sflag:s23] =	ssyncadd.s32 $0xFFFFFFFF  }
0xa5: {  	s26 =	simm.s32 $execute0_lowered;
	[smem:$0x3FD2] =	sst s25  }
0xa6: {  	s4 =	sshll.u32 s26, $0x1;
	_ =	strace $0x8000004F;
	[dreg:$0x1] =	wrdreg $0xFFFFFFFF  }
0xa7: {  	s28 =	simm.s32 $_size_execute0_lowered;
	s2 =	sadd.s32 s2, s4;
	[dreg:$0x0] =	wrdreg $0x0  }
0xa8: {  	s4 =	sshll.u32 s28, $0x1;
	[dreg:$0x2] =	wrdreg s2  }
0xa9: {  	[dreg:$0x3] =	wrdreg s4  }
0xaa: {  	[dreg:$0x4] =	wrdreg $0xC0  }
0xab: {  	_ =	task [dreg:s6], $0x5FFFF  }
0xac: {  	[dreg:$0x1] =	wrdreg $0xFFFFFFFF  }
0xad: {  	[dreg:$0x0] =	wrdreg $0x60  }
0xae: {  	[dreg:$0x2] =	wrdreg s24  }
0xaf: {  	[dreg:$0x3] =	wrdreg $0x90000  }
0xb0: {  	[dreg:$0x4] =	wrdreg $0x9  }
0xb1: {  	_ =	task.clear_ibuf [dreg:s6], $0x5FFFF;
	_ =	strace $0x9000004F  }
0xb2: {  	s29 =	simm.s32 $0x9;
	_ =	strace $0x80000051  }
0xb3: {  	_ =	swait.ge [sflag:s29], $0x1  }
0xb4: {  	[sflag:s29] =	ssyncadd.s32 $0xFFFFFFFF  }
0xb5: {  	_ =	strace $0x90000051  }
0xb6: {  	_ =	sfence  }
0xb7: {  	s30 =	sld [smem:$0x0];
	_ =	sdelay $0x2  }
0xb8: {  	s31 =	sshll.u32 s1, $0xD;
	s1 =	sshrl.u32 s1, $0x2  }
0xb9: {  	s3 =	sand.u32 $0x4000, s31;
	s1 =	sadd.s32 s1, s30  }
0xba: {  	s0 =	sor.u32 s3, s0;
	s1 =	sshll.u32 s1, $0x11  }
0xbb: {  	s0 =	sor.u32 s1, s0  }
0xbc: {  	s0 =	sadd.s32 $0x8F2B, s0  }
0xbd: {  	[sflag:s0] =	ssyncadd.remote.s32 $0x1  }
0xbe: {  	_ =	sfence.sel $0xFFFF  }
0xbf: {  	[dreg:$0x0] =	wrdreg $0xFFFFFFFF;
	(pc) =	sbr.abs _section_cstart, $3  }
0xc0: {  	[dreg:$0x1] =	wrdreg $0xFFFFFFFF  }
0xc1: {  	_ =	task.clear_ibuf [dreg:s6], $0x2FFFF;
	_ =	strace $0x9FFFFFFF  }
0xc2: {  	(tm) =	ssettm $0x7FFFFFFF  }
0xc3: {  	_ =	shalt  }
tec
execute0_lowered:
.L_overlay_start_1:
0x0: {  	(tag) =	ssettag $0x1  }
0x1: {  	s1 =	srdreg.scid;
	s5 =	rddreg [dreg:$0x0]  }
0x2: {  	s0 =	stileid.u32;
	s2 =	rddreg [dreg:$0x1];
	s3 =	simm.s32 $0x0  }
0x3: {  	s14 =	simm.s32 $0x5000;
	s15 =	simm.s32 $0x1;
	s16 =	simm.s32 $0x2  }
0x4: {  	s17 =	simm.s32 $0x4F80;
	s4 =	sand.u32 $0x1, s1;
	s1 =	rddreg [dreg:$0x2]  }
0x5: {  	s28 =	sshll.u32 s0, $0x1;
	[smem:$0x7FF] =	sst s3;
	s18 =	smul.u32 $0x2800, s0  }
0x6: {  	s9 =	smul.u32 $0x50000, s0;
	s31 =	sshll.u32 s0, $0x6;
	s6 =	sor.u32 s4, s28  }
0x7: {  	_ =	strace $0x80000050;
	s7 =	smul.u32 $0x28000, s4;
	s29 =	ssub.s32 $0x2, s4  }
0x8: {  	s4 =	sadd.s32 $0x68400, s5;
	s6 =	smul.u32 $0x500, s6;
	s10 =	sadd.s32 s18, s5  }
0x9: {  	s11 =	sshrl.u32 s29, $0x1;
	s30 =	sshrl.u32 s9, $0x2;
	s12 =	sadd.s32 s7, s5  }
0xa: {  	s11 =	ssub.s32 s29, s11;
	s13 =	sadd.s32 s30, s2;
	s8 =	sadd.s32 s6, s5  }
0xb: {  	s5 =	sadd.s32 $0x40400, s10;
	s6 =	sor.u32 $0x1C03, s31;
	s19 =	sadd.s32 $0x90400, s12  }
0xc: {  	s9 =	smax.u32 s11, $0x1;
	s10 =	sshrl.u32 s13, $0x3;
	s11 =	simm.s32 $0x3  }
0xd: {  	s12 =	simm.s32 $0x2800;
	s13 =	simm.s32 $0x80;
	s7 =	sadd.s32 $0x3E00, s8  }
0xe: {  	s8 =	sadd.s32 $0xDE00, s8;
	s18 =	sadd.s32 s18, s19;
	s19 =	simm.s32 $0x0  }
.LBB2_1:
0xf: {  	[spmem:s10], [sflag:s6] =	dma.local [hbm:s5], $0x2800  }
0x10: {  	_ =	swait.ge [sflag:s11], $0x2800  }
0x11: {  	[sflag:s11] =	ssyncset.done $0x0  }
0x12: {  	[sflag:s11] =	ssyncadd.s32 $0xFFFFD800  }
0x13: {  	[tilespmem:s3], [sflag:$0x3] =	stream.linear.gather [hbm4b:s7+s3], $0x2800, $0x38;
	[tilespmem:$0x1D000] =	vst v63  }
0x14: {  	_ =	swait.ge [sflag:s11], $0x2800  }
0x15: {  	[sflag:s11] =	ssyncset.done $0x0  }
0x16: {  	[sflag:s11] =	ssyncadd.s32 $0xFFFFD800  }
0x17: {  	[tilespmem:s12], [sflag:$0x3] =	stream.linear.gather [hbm4b:s8+s3], $0x2800, $0x38;
	[tilespmem:$0x1D000] =	vst v63  }
0x18: {  	_ =	swait.ge [sflag:s11], $0x2800  }
0x19: {  	[sflag:s11] =	ssyncset.done $0x0  }
0x1a: {  	[sflag:s11] =	ssyncadd.s32 $0xFFFFD800  }
0x1b: {  	[bflag:$0x0] =	sbarrier.arrive $0xFFFF  }
0x1c: {  	[tilespmem:s14], [sflag:$0x1] =	stream.indirect.gather [hbm4b:s4+s13], $0x80, s3, s13, $0xb8;
	[tilespmem:$0x1D000] =	vst v63  }
0x1d: {  	_ =	swait.ge [sflag:s15], $0x4000  }
0x1e: {  	[sflag:s15] =	ssyncset.done $0x0  }
0x1f: {  	s20 =	simm.s32 $0x2800;
	[sflag:s15] =	ssyncadd.s32 $0xFFFFC000  }
0x20: {  	[spmem:s2] =	stream.indirect.scatter.add.f32 [tilespmem:s14], [sflag:$0x2], $0x80, s20, s13, $0xb8;
	[tilespmem:$0x1D000] =	vst v63  }
0x21: {  	_ =	swait.ge [sflag:s16], $0x4000  }
0x22: {  	[sflag:s16] =	ssyncset.done $0x0  }
0x23: {  	s21 =	simm.s32 $0x80;
	s20 =	simm.s32 $0x200;
	[sflag:s16] =	ssyncadd.s32 $0xFFFFC000  }
.LBB2_2:
0x24: {  	[tilespmem:s14], [sflag:$0x1] =	stream.indirect.gather [hbm4b:s4+s13], $0x80, s21, s13, $0xb8;
	[tilespmem:$0x1D000] =	vst v63  }
0x25: {  	s21 =	smov.u32 s20  }
0x26: {  	p0 =	sne.s32 s20, $0x9C00;
	s20 =	sadd.s32 $0x200, s20;
	_ =	swait.ge [sflag:s15], $0x4000  }
0x27: {  	s21 =	sshra.s32 s21, $0x2;
	[sflag:s15] =	ssyncset.done $0x0  }
.Ltmp0:
0x28: {  	s22 =	sadd.s32 $0x2800, s21;
	[sflag:s15] =	ssyncadd.s32 $0xFFFFC000;
	(pc) =	sbr.rel @p0 .LBB2_2-.Ltmp0, $4  }
0x29: {  	[spmem:s2] =	stream.indirect.scatter.add.f32 [tilespmem:s14], [sflag:$0x2], $0x80, s22, s13, $0xb8;
	[tilespmem:$0x1D000] =	vst v63  }
0x2a: {  	_ =	swait.ge [sflag:s16], $0x4000  }
0x2b: {  	[sflag:s16] =	ssyncset.done $0x0  }
0x2c: {  	s21 =	sadd.s32 $0x80, s21;
	[sflag:s16] =	ssyncadd.s32 $0xFFFFC000  }
0x2d: {  	[tilespmem:s14], [sflag:$0x1] =	stream.indirect.gather [hbm4b:s4+s13], $0x80, s21, s13, $0xb8;
	[tilespmem:$0x1D000] =	vst v63  }
0x2e: {  	_ =	swait.ge [sflag:s15], $0x4000  }
0x2f: {  	[sflag:s15] =	ssyncset.done $0x0  }
0x30: {  	[sflag:s15] =	ssyncadd.s32 $0xFFFFC000  }
0x31: {  	[spmem:s2] =	stream.indirect.scatter.add.f32 [tilespmem:s14], [sflag:$0x2], $0x80, s17, s13, $0xb8;
	[tilespmem:$0x1D000] =	vst v63  }
0x32: {  	_ =	swait.ge [sflag:s16], $0x4000  }
0x33: {  	s19 =	sadd.s32 $0x1, s19;
	[sflag:s16] =	ssyncset.done $0x0  }
0x34: {  	p0 =	sne.s32 s19, s9;
	[sflag:s16] =	ssyncadd.s32 $0xFFFFC000  }
.Ltmp1:
0x35: {  	[bflag:$0x0] =	sbarrier.arrive $0xFFFF;
	(pc) =	sbr.rel @p0 .LBB2_1-.Ltmp1, $4  }
0x36: {  	[hbm:s18], [sflag:s6] =	dma.local [spmem:s10], $0x2800  }
0x37: {  	_ =	swait.ge [sflag:s11], $0x2800  }
0x38: {  	[sflag:s11] =	ssyncset.done $0x0  }
0x39: {  	[sflag:s11] =	ssyncadd.s32 $0xFFFFD800  }
0x3a: {  	_ =	sfence.sel $0x180000  }
0x3b: {  	[bflag:$0x0] =	sbarrier.arrive $0xFFFF  }
0x3c: {  	p0 =	sne.s32 s0, $0x0;
	_ =	strace $0x90000050  }
0x3d: {  	s0 =	sadd.s32 @!p0 $0x100000, s1;
	[bflag:$0x2] =	sbarrier.arrive $0xFFFF  }
0x3e: {  	[sflag:s0] =	ssyncadd.tile.s32 @!p0 $0x1;
	_ =	shalt  }
.Lfunc_end2:
_tile_overlayer_lowered:
.L_overlay_start_2:
0x3f: {  	(tag) =	ssettag $0x2  }
0x40: {  	s0 =	rddreg [dreg:$0x0];
	s2 =	stileid.u32  }
0x41: {  	s1 =	rddreg [dreg:$0x1];
	p0 =	sne.s32 s2, $0x0  }
0x42: {  	s3 =	rddreg [dreg:$0x2];
	[bflag:$0x3] =	sbarrier.arrive $0xFFFF;
	s2 =	simm.s32 @!p0 $0x1C03  }
0x43: {  	[timem:s3], [sflag:s2] =	dma.local @!p0 [hbm:s0], s1  }
0x44: {  	s0 =	simm.s32 @!p0 $0x3  }
0x45: {  	_ =	swait.ge @!p0 [sflag:s0], s1  }
0x46: {  	s1 =	ssub.s32 @!p0 $0x0, s1;
	[sflag:s0] =	ssyncset.done @!p0 $0x0  }
0x47: {  	[sflag:s0] =	ssyncadd.s32 @!p0 s1  }
0x48: {  	[bflag:$0x3] =	sbarrier.arrive $0xFFFF  }
0x49: {  	_ =	shalt  }

// kernel: kernel.36.cloned.1.call-start
scs
__scs_entry_jumppad:
0x0: {  	(pc) =	sbr.rel $0x88, $3  }
0x1: {  	(tag) =	ssettag $0x0;
	lr =	simm.s32 $0x1  }
0x2: {  	[smem:$0x3F95] =	sst lr;
	_ =	strace $0xD0000000  }
0x3: {  	_ = 	snop  }
0x4: {  	_ = 	snop  }
0x5: {  	_ = 	snop  }
0x6: {  	_ = 	snop  }
0x7: {  	_ = 	snop  }
__scs_overlays_trampoline_lowered:
0x8: {  	[smem:$0x3FA4] =	sst s0  }
0x9: {  	[smem:$0x3FA5] =	sst s1  }
0xa: {  	[smem:$0x3FA6] =	sst s2  }
0xb: {  	[smem:$0x3FA7] =	sst s3  }
0xc: {  	[smem:$0x3FA8] =	sst s4  }
0xd: {  	[smem:$0x3FA9] =	sst s5  }
0xe: {  	[smem:$0x3FAA] =	sst s6  }
0xf: {  	[smem:$0x3FAB] =	sst s7  }
0x10: {  	[smem:$0x3FAC] =	sst s8  }
0x11: {  	[smem:$0x3FAD] =	sst s9;
	s0 =	simm.s32 @!p0 $0x0  }
0x12: {  	s1 =	sld [smem:$0x3F93];
	s0 =	simm.s32 @p0 $0x1  }
0x13: {  	[smem:$0x3FAE] =	sst s0;
	s0 =	simm.s32 @!p1 $0x0  }
0x14: {  	s2 =	sld [smem:$0x3F92];
	s0 =	simm.s32 @p1 $0x1  }
0x15: {  	[smem:$0x3FAF] =	sst s0;
	s0 =	simm.s32 @!p2 $0x0  }
0x16: {  	s3 =	sld [smem:$0x3FDB];
	s0 =	simm.s32 @p2 $0x1  }
0x17: {  	s4 =	simm.s32 $0x1BF5;
	[smem:$0x3FB1] =	sst s0  }
0x18: {  	s0 =	sld [smem:$0x3F94];
	_ =	swait.ge [sflag:s4], $0x0  }
0x19: {  	s7 =	sld [smem:$0x3F95]  }
0x1a: {  	s8 =	sadd.s32 $0xFFFFE003, lr  }
0x1b: {  	s9 =	sadd.s32 $0xFFFFFEF7, lr;
	s5 =	simm.s32 $0xFFFFFFFF;
	p2 =	slt.u32 s8, $0xFFFFF086  }
0x1c: {  	p1 =	slt.u32 s9, $0xF7A;
	s5 =	simm.s32 @!p2 $0x0  }
0x1d: {  	s5 =	simm.s32 @p1 $0x1;
	p0 =	seq.s32 s7, s2  }
0x1e: {  	s7 =	smul.u32 @!p0 $0xF7A, s2;
	p2 =	seq.s32 @!p0 s5, $0x0  }
0x1f: {  	s9 =	smul.u32 $0xF7A, s1;
	s8 =	simm.s32 @!p0 $0x1BF5;
	p2 =	por !p2, p0  }
0x20: {  	[sflag:s8] =	ssyncset.s32 @!p0 $0xFFFFF086;
	s6 =	sadd.s32 @!p0 s3, s7;
	s7 =	simm.s32 @!p0 $0x108  }
0x21: {  	s3 =	sadd.s32 s3, s9;
	s6 =	sadd.s32 @!p0 $0x88, s6;
	s7 =	simm.s32 @p2 $0x1082  }
0x22: {  	[simem:s7], [sflag:s8] =	dma.local @!p0 [hbm:s6], $0xF7A  }
0x23: {  	s9 =	sor.u32 $0xD0000000, s2;
	s6 =	simm.s32 $0x108;
	_ =	swait.ge @!p0 [sflag:s8], $0x0  }
0x24: {  	s3 =	sadd.s32 $0x88, s3;
	s6 =	simm.s32 @!p1 $0x1082;
	[sflag:s4] =	ssyncset.s32 $0xFFFFF086  }
0x25: {  	[simem:s6], [sflag:s4] =	dma.local [hbm:s3], $0xF7A  }
0x26: {  	[smem:$0x3F95] =	sst s1;
	(tag) =	ssettag s2;
	_ =	strace s9  }
0x27: {  	s1 =	sld [smem:$0x3FA5]  }
0x28: {  	s2 =	sld [smem:$0x3FA6]  }
0x29: {  	s4 =	sld [smem:$0x3FA8]  }
0x2a: {  	p0 =	seq.s32 s5, $0x0;
	s5 =	sld [smem:$0x3FA9]  }
0x2b: {  	s6 =	sld [smem:$0x3FAA]  }
0x2c: {  	s7 =	sld [smem:$0x3FAB]  }
0x2d: {  	s3 =	simm.s32 $0x108;
	s8 =	sld [smem:$0x3FAC]  }
0x2e: {  	s3 =	simm.s32 @!p0 $0x1082;
	s9 =	sld [smem:$0x3FAD]  }
0x2f: {  	lr =	sadd.s32 s0, s3;
	s0 =	sld [smem:$0x3FA4]  }
0x30: {  	s3 =	sld [smem:$0x3FA7]  }
0x31: {  	[smem:$0x3FB0] =	sst s10  }
0x32: {  	s10 =	sld [smem:$0x3FAE];
	_ =	sdelay $0x3  }
0x33: {  	p0 =	seq.s32 s10, $0x1;
	s10 =	sld [smem:$0x3FB0];
	_ =	sdelay $0x3  }
0x34: {  	[smem:$0x3FB0] =	sst s10  }
0x35: {  	s10 =	sld [smem:$0x3FAF];
	_ =	sdelay $0x3  }
0x36: {  	p1 =	seq.s32 s10, $0x1;
	s10 =	sld [smem:$0x3FB0];
	_ =	sdelay $0x3  }
0x37: {  	[smem:$0x3FB0] =	sst s10  }
0x38: {  	s10 =	sld [smem:$0x3FB1]  }
0x39: {  	_ = 	snop;
	(pc) =	sbr.ind lr, $3  }
0x3a: {  	_ = 	snop  }
0x3b: {  	_ = 	snop  }
0x3c: {  	p2 =	seq.s32 s10, $0x1;
	s10 =	sld [smem:$0x3FB0]  }
0x3d: {  	_ =	shalt  }
0x3e: {  	_ =	shalt  }
0x3f: {  	_ =	shalt  }
0x40: {  	_ =	shalt  }
0x41: {  	_ =	shalt  }
0x42: {  	_ =	shalt  }
0x43: {  	_ =	shalt  }
0x44: {  	_ =	shalt  }
0x45: {  	_ =	shalt  }
0x46: {  	_ =	shalt  }
0x47: {  	_ =	shalt  }
0x48: {  	_ =	shalt  }
0x49: {  	_ =	shalt  }
0x4a: {  	_ =	shalt  }
0x4b: {  	_ =	shalt  }
0x4c: {  	_ =	shalt  }
0x4d: {  	_ =	shalt  }
0x4e: {  	_ =	shalt  }
0x4f: {  	_ =	shalt  }
0x50: {  	_ =	shalt  }
0x51: {  	_ =	shalt  }
0x52: {  	_ =	shalt  }
0x53: {  	_ =	shalt  }
0x54: {  	_ =	shalt  }
0x55: {  	_ =	shalt  }
0x56: {  	_ =	shalt  }
0x57: {  	_ =	shalt  }
0x58: {  	_ =	shalt  }
0x59: {  	_ =	shalt  }
0x5a: {  	_ =	shalt  }
0x5b: {  	_ =	shalt  }
0x5c: {  	_ =	shalt  }
0x5d: {  	_ =	shalt  }
0x5e: {  	_ =	shalt  }
0x5f: {  	_ =	shalt  }
0x60: {  	_ =	shalt  }
0x61: {  	_ =	shalt  }
0x62: {  	_ =	shalt  }
0x63: {  	_ =	shalt  }
0x64: {  	_ =	shalt  }
0x65: {  	_ =	shalt  }
0x66: {  	_ =	shalt  }
0x67: {  	_ =	shalt  }
0x68: {  	_ =	shalt  }
0x69: {  	_ =	shalt  }
0x6a: {  	_ =	shalt  }
0x6b: {  	_ =	shalt  }
0x6c: {  	_ =	shalt  }
0x6d: {  	_ =	shalt  }
0x6e: {  	_ =	shalt  }
0x6f: {  	_ =	shalt  }
0x70: {  	_ =	shalt  }
0x71: {  	_ =	shalt  }
0x72: {  	_ =	shalt  }
0x73: {  	_ =	shalt  }
0x74: {  	_ =	shalt  }
0x75: {  	_ =	shalt  }
0x76: {  	_ =	shalt  }
0x77: {  	_ =	shalt  }
0x78: {  	_ =	shalt  }
0x79: {  	_ =	shalt  }
0x7a: {  	_ =	shalt  }
0x7b: {  	_ =	shalt  }
0x7c: {  	_ =	shalt  }
0x7d: {  	_ =	shalt  }
0x7e: {  	_ =	shalt  }
0x7f: {  	_ =	shalt  }
0x80: {  	_ =	shalt  }
0x81: {  	_ =	shalt  }
0x82: {  	_ =	shalt  }
0x83: {  	_ =	shalt  }
0x84: {  	_ =	shalt  }
0x85: {  	_ =	shalt  }
0x86: {  	_ =	shalt  }
0x87: {  	_ =	shalt  }
.Lfunc_end0:
.L_simem_size_0:
called_computation.4_lowered:
.L_overlay_start_0:
0x88: {  	s2 =	sld [smem:$0x3FD9]  }
0x89: {  	s3 =	sld [smem:$0x3FFE];
	_ =	sdelay $0x1  }
0x8a: {  	s1 =	srdreg.scid  }
0x8b: {  	s0 =	sand.u32 $0x1, s1  }
0x8c: {  	s16 =	sshll.u32 s0, $0xA;
	s2 =	sadd.s32 s3, s2  }
0x8d: {  	s2 =	sadd.s32 s2, s16  }
0x8e: {  	[smem:$0x3FBC] =	sst s2  }
0x8f: {  	_ = 	snop  }
0x90: {  	(tm) =	ssettm $0x1  }
0x91: {  	s17 =	sld [smem:$0x3FFB];
	_ =	sdelay $0x3  }
0x92: {  	_ =	strace s17  }
0x93: {  	s2 =	sld [smem:$0x3FFC];
	_ =	sdelay $0x3  }
0x94: {  	_ =	strace s2  }
0x95: {  	s2 =	sld [smem:$0x3FFD];
	_ =	sdelay $0x3  }
0x96: {  	_ =	strace s2  }
0x97: {  	_ =	strace $0x8FFFFFFF  }
0x98: {  	s18 =	sld [smem:$0x3FDB];
	_ =	sdelay $0x1  }
0x99: {  	s19 =	simm.s32 $_scs_section_size  }
0x9a: {  	s4 =	simm.s32 $_size__tile_overlayer_lowered;
	s5 =	simm.s32 $_tile_overlayer_lowered  }
0x9b: {  	s22 =	simm.s32 $0x1BFF;
	s21 =	sshll.u32 s5, $0x1;
	s2 =	sadd.s32 s19, s18  }
0x9c: {  	s6 =	simm.s32 $0x0;
	s20 =	sshll.u32 s4, $0x1;
	s4 =	sadd.s32 s21, s2  }
0x9d: {  	[timem:s6], [sflag:s22] =	dma.local [hbm:s4], s20  }
0x9e: {  	_ =	swait.ge [sflag:s22], s20  }
0x9f: {  	s3 =	ssub.s32 $0x0, s20;
	[sflag:s22] =	ssyncset.done $0x0  }
0xa0: {  	[sflag:s22] =	ssyncadd.s32 s3;
	_ =	sdelay $0x1  }
0xa1: {  	s23 =	simm.s32 $0x1B8B  }
0xa2: {  	_ =	swait.ge [sflag:s23], $0x1  }
0xa3: {  	[sflag:s23] =	ssyncset.done $0x0  }
0xa4: {  	s25 =	simm.s32 $0x1B8E;
	s24 =	sld [smem:$0x3FFE];
	[sflag:s23] =	ssyncadd.s32 $0xFFFFFFFF  }
0xa5: {  	s26 =	simm.s32 $execute0_lowered;
	[smem:$0x3FD2] =	sst s25  }
0xa6: {  	s4 =	sshll.u32 s26, $0x1;
	_ =	strace $0x80000052;
	[dreg:$0x1] =	wrdreg $0xFFFFFFFF  }
0xa7: {  	s28 =	simm.s32 $_size_execute0_lowered;
	s2 =	sadd.s32 s2, s4;
	[dreg:$0x0] =	wrdreg $0x0  }
0xa8: {  	s4 =	sshll.u32 s28, $0x1;
	[dreg:$0x2] =	wrdreg s2  }
0xa9: {  	[dreg:$0x3] =	wrdreg s4  }
0xaa: {  	[dreg:$0x4] =	wrdreg $0xC0  }
0xab: {  	_ =	task [dreg:s6], $0x5FFFF  }
0xac: {  	[dreg:$0x1] =	wrdreg $0xFFFFFFFF  }
0xad: {  	[dreg:$0x0] =	wrdreg $0x60  }
0xae: {  	[dreg:$0x2] =	wrdreg s24  }
0xaf: {  	[dreg:$0x3] =	wrdreg $0x9  }
0xb0: {  	_ =	task.clear_ibuf [dreg:s6], $0x4FFFF;
	_ =	strace $0x90000052  }
0xb1: {  	s29 =	simm.s32 $0x9;
	_ =	strace $0x80000054  }
0xb2: {  	_ =	swait.ge [sflag:s29], $0x1  }
0xb3: {  	[sflag:s29] =	ssyncadd.s32 $0xFFFFFFFF  }
0xb4: {  	_ =	strace $0x90000054  }
0xb5: {  	_ =	sfence  }
0xb6: {  	s30 =	sld [smem:$0x0];
	_ =	sdelay $0x2  }
0xb7: {  	s31 =	sshll.u32 s1, $0xD;
	s1 =	sshrl.u32 s1, $0x2  }
0xb8: {  	s3 =	sand.u32 $0x4000, s31;
	s1 =	sadd.s32 s1, s30  }
0xb9: {  	s0 =	sor.u32 s3, s0;
	s1 =	sshll.u32 s1, $0x11  }
0xba: {  	s0 =	sor.u32 s1, s0  }
0xbb: {  	s0 =	sadd.s32 $0x8F2B, s0  }
0xbc: {  	[sflag:s0] =	ssyncadd.remote.s32 $0x1  }
0xbd: {  	_ =	sfence.sel $0xFFFF  }
0xbe: {  	[dreg:$0x0] =	wrdreg $0xFFFFFFFF;
	(pc) =	sbr.abs _section_cstart, $3  }
0xbf: {  	[dreg:$0x1] =	wrdreg $0xFFFFFFFF  }
0xc0: {  	_ =	task.clear_ibuf [dreg:s6], $0x2FFFF;
	_ =	strace $0x9FFFFFFF  }
0xc1: {  	(tm) =	ssettm $0x7FFFFFFF  }
tec
execute0_lowered:
.L_overlay_start_1:
0x0: {  	(tag) =	ssettag $0x1  }
0x1: {  	s1 =	srdreg.scid;
	s0 =	stileid.u32  }
0x2: {  	s5 =	rddreg [dreg:$0x0];
	s2 =	simm.s32 $0x0;
	s9 =	simm.s32 $0x7800  }
0x3: {  	s10 =	simm.s32 $0x1;
	s11 =	simm.s32 $0x5000;
	s12 =	simm.s32 $0x2800  }
0x4: {  	s13 =	simm.s32 $0x80;
	s14 =	simm.s32 $0x400;
	s15 =	simm.s32 $0x0  }
0x5: {  	s4 =	sand.u32 $0x1, s1;
	s30 =	sshll.u32 s0, $0x1;
	s7 =	sshrl.u32 s0, $0x2  }
0x6: {  	s1 =	rddreg [dreg:$0x1];
	s3 =	sor.u32 s4, s30;
	s7 =	smul.u32 $0x14000, s7  }
0x7: {  	[smem:$0x7FF] =	sst s2;
	s6 =	smul.u32 $0x500, s3;
	s3 =	sshll.u32 s3, $0x7  }
0x8: {  	_ =	strace $0x80000053;
	s8 =	ssub.s32 $0x2, s4;
	s3 =	sand.u32 $0x380, s3  }
0x9: {  	s4 =	sadd.s32 $0x17E00, s5;
	s31 =	sshrl.u32 s8, $0x1;
	s7 =	sor.u32 s7, s3  }
0xa: {  	s8 =	ssub.s32 s8, s31;
	s6 =	sadd.s32 s6, s5;
	s7 =	sshrl.u32 s7, $0x3  }
0xb: {  	s3 =	sadd.s32 $0x18400, s5;
	s8 =	smax.u32 s8, $0x1;
	s7 =	sadd.s32 s7, s5  }
0xc: {  	s5 =	sadd.s32 $0x3E00, s6;
	s6 =	sadd.s32 $0xDE00, s6;
	s7 =	sadd.s32 $0x18A00, s7  }
.LBB2_1:
0xd: {  	[tilespmem:s9], [sflag:$0x1] =	stream.linear.gather [hbm4b:s4+s2], $0x2800, $0x38;
	[tilespmem:$0xA000] =	vst v63  }
0xe: {  	_ =	swait.ge [sflag:s10], $0x2800  }
0xf: {  	[sflag:s10] =	ssyncset.done $0x0  }
0x10: {  	[sflag:s10] =	ssyncadd.s32 $0xFFFFD800  }
0x11: {  	[tilespmem:s11], [sflag:$0x1] =	stream.linear.gather [hbm4b:s3+s2], $0x2800, $0x38;
	[tilespmem:$0xA000] =	vst v63  }
0x12: {  	_ =	swait.ge [sflag:s10], $0x2800  }
0x13: {  	[sflag:s10] =	ssyncset.done $0x0  }
0x14: {  	[sflag:s10] =	ssyncadd.s32 $0xFFFFD800  }
0x15: {  	[tilespmem:s2], [sflag:$0x1] =	stream.linear.gather [hbm4b:s5+s2], $0x2800, $0x38;
	[tilespmem:$0xA000] =	vst v63  }
0x16: {  	_ =	swait.ge [sflag:s10], $0x2800  }
0x17: {  	[sflag:s10] =	ssyncset.done $0x0  }
0x18: {  	[sflag:s10] =	ssyncadd.s32 $0xFFFFD800  }
0x19: {  	[tilespmem:s12], [sflag:$0x1] =	stream.linear.gather [hbm4b:s6+s2], $0x2800, $0x38;
	[tilespmem:$0xA000] =	vst v63  }
0x1a: {  	_ =	swait.ge [sflag:s10], $0x2800  }
0x1b: {  	[sflag:s10] =	ssyncset.done $0x0  }
0x1c: {  	s16 =	simm.s32 $0x0;
	[sflag:s10] =	ssyncadd.s32 $0xFFFFD800  }
.LBB2_2:
0x1d: {  	s17 =	sshra.s32 s16, $0x2  }
0x1e: {  	v0 =	vld [tilespmem:s17+$0x0];
	_ =	sdelay $0x4  }
0x1f: {  	v1 =	vld [tilespmem:s17+$0x2800];
	_ =	sdelay $0x2  }
0x20: {  	v0 =	vld.idx.msk [tilespmem:v0+s11+$0x0], $0xffff;
	_ =	sdelay $0x4  }
0x21: {  	[tilespmem:v1+s9+$0x0] =	vst.idx.add.f32.msk $0xffff, v0  }
0x22: {  	v0 =	vld [tilespmem:s17+$0x10];
	_ =	sdelay $0x4  }
0x23: {  	v1 =	vld [tilespmem:s17+$0x2810];
	_ =	sdelay $0x2  }
0x24: {  	v0 =	vld.idx.msk [tilespmem:v0+s11+$0x0], $0xffff;
	_ =	sdelay $0x4  }
0x25: {  	[tilespmem:v1+s9+$0x0] =	vst.idx.add.f32.msk $0xffff, v0  }
0x26: {  	v0 =	vld [tilespmem:s17+$0x20];
	_ =	sdelay $0x4  }
0x27: {  	v1 =	vld [tilespmem:s17+$0x2820];
	_ =	sdelay $0x2  }
0x28: {  	v0 =	vld.idx.msk [tilespmem:v0+s11+$0x0], $0xffff;
	_ =	sdelay $0x4  }
0x29: {  	[tilespmem:v1+s9+$0x0] =	vst.idx.add.f32.msk $0xffff, v0  }
0x2a: {  	v0 =	vld [tilespmem:s17+$0x30];
	_ =	sdelay $0x4  }
0x2b: {  	v1 =	vld [tilespmem:s17+$0x2830];
	_ =	sdelay $0x2  }
0x2c: {  	v0 =	vld.idx.msk [tilespmem:v0+s11+$0x0], $0xffff;
	_ =	sdelay $0x4  }
0x2d: {  	[tilespmem:v1+s9+$0x0] =	vst.idx.add.f32.msk $0xffff, v0  }
0x2e: {  	v0 =	vld [tilespmem:s17+$0x40];
	_ =	sdelay $0x4  }
0x2f: {  	v1 =	vld [tilespmem:s17+$0x2840];
	_ =	sdelay $0x2  }
0x30: {  	v0 =	vld.idx.msk [tilespmem:v0+s11+$0x0], $0xffff;
	_ =	sdelay $0x4  }
0x31: {  	[tilespmem:v1+s9+$0x0] =	vst.idx.add.f32.msk $0xffff, v0  }
0x32: {  	v0 =	vld [tilespmem:s17+$0x50];
	_ =	sdelay $0x4  }
0x33: {  	v1 =	vld [tilespmem:s17+$0x2850];
	_ =	sdelay $0x2  }
0x34: {  	v0 =	vld.idx.msk [tilespmem:v0+s11+$0x0], $0xffff;
	_ =	sdelay $0x4  }
0x35: {  	[tilespmem:v1+s9+$0x0] =	vst.idx.add.f32.msk $0xffff, v0  }
0x36: {  	v0 =	vld [tilespmem:s17+$0x60];
	_ =	sdelay $0x4  }
0x37: {  	v1 =	vld [tilespmem:s17+$0x2860];
	_ =	sdelay $0x2  }
0x38: {  	v0 =	vld.idx.msk [tilespmem:v0+s11+$0x0], $0xffff;
	_ =	sdelay $0x4  }
0x39: {  	[tilespmem:v1+s9+$0x0] =	vst.idx.add.f32.msk $0xffff, v0  }
0x3a: {  	v0 =	vld [tilespmem:s17+$0x70];
	_ =	sdelay $0x4  }
0x3b: {  	v1 =	vld [tilespmem:s17+$0x2870];
	_ =	sdelay $0x2  }
0x3c: {  	p0 =	sne.s32 s16, $0x9E00;
	v0 =	vld.idx.msk [tilespmem:v0+s11+$0x0], $0xffff  }
.Ltmp0:
0x3d: {  	_ = 	snop;
	(pc) =	sbr.rel @p0 .LBB2_2-.Ltmp0, $2  }
0x3e: {  	_ =	sdelay $0x2  }
0x3f: {  	s16 =	sadd.s32 $0x200, s16;
	[tilespmem:v1+s9+$0x0] =	vst.idx.add.f32.msk $0xffff, v0  }
0x40: {  	s15 =	sadd.s32 $0x1, s15  }
0x41: {  	p0 =	sne.s32 s15, s8  }
.Ltmp1:
0x42: {  	_ = 	snop;
	(pc) =	sbr.rel @p0 .LBB2_1-.Ltmp1, $4  }
0x43: {  	[hbm4b:s7+s13] =	stream.strided.scatter [tilespmem:s9], [sflag:$0x1], $0x2800, s14, s13, $0x38;
	[tilespmem:$0xA000] =	vst v63  }
0x44: {  	_ =	swait.ge [sflag:s10], $0x2800  }
0x45: {  	[sflag:s10] =	ssyncset.done $0x0  }
0x46: {  	[sflag:s10] =	ssyncadd.s32 $0xFFFFD800  }
0x47: {  	_ =	sfence.sel $0x180000  }
0x48: {  	[bflag:$0x0] =	sbarrier.arrive $0xFFFF  }
0x49: {  	p0 =	sne.s32 s0, $0x0;
	_ =	strace $0x90000053  }
0x4a: {  	s0 =	sadd.s32 @!p0 $0x100000, s1;
	[bflag:$0x2] =	sbarrier.arrive $0xFFFF  }
0x4b: {  	[sflag:s0] =	ssyncadd.tile.s32 @!p0 $0x1;
	_ =	shalt  }
.Lfunc_end2:
_tile_overlayer_lowered:
.L_overlay_start_2:
0x4c: {  	(tag) =	ssettag $0x2  }
0x4d: {  	s0 =	rddreg [dreg:$0x0];
	s2 =	stileid.u32  }
0x4e: {  	s1 =	rddreg [dreg:$0x1];
	p0 =	sne.s32 s2, $0x0  }
0x4f: {  	s3 =	rddreg [dreg:$0x2];
	[bflag:$0x3] =	sbarrier.arrive $0xFFFF;
	s2 =	simm.s32 @!p0 $0x1C01  }
0x50: {  	[timem:s3], [sflag:s2] =	dma.local @!p0 [hbm:s0], s1  }
0x51: {  	s0 =	simm.s32 @!p0 $0x1  }
0x52: {  	_ =	swait.ge @!p0 [sflag:s0], s1  }
0x53: {  	s1 =	ssub.s32 @!p0 $0x0, s1;
	[sflag:s0] =	ssyncset.done @!p0 $0x0  }
0x54: {  	[sflag:s0] =	ssyncadd.s32 @!p0 s1  }
0x55: {  	[bflag:$0x3] =	sbarrier.arrive $0xFFFF  }
0x56: {  	_ =	shalt  }

// kernel: kernel.39.cloned.1.call-start
scs
__scs_entry_jumppad:
0x0: {  	(pc) =	sbr.rel $0x88, $3  }
0x1: {  	(tag) =	ssettag $0x0;
	lr =	simm.s32 $0x1  }
0x2: {  	[smem:$0x3F95] =	sst lr;
	_ =	strace $0xD0000000  }
0x3: {  	_ = 	snop  }
0x4: {  	_ = 	snop  }
0x5: {  	_ = 	snop  }
0x6: {  	_ = 	snop  }
0x7: {  	_ = 	snop  }
__scs_overlays_trampoline_lowered:
0x8: {  	[smem:$0x3FA4] =	sst s0  }
0x9: {  	[smem:$0x3FA5] =	sst s1  }
0xa: {  	[smem:$0x3FA6] =	sst s2  }
0xb: {  	[smem:$0x3FA7] =	sst s3  }
0xc: {  	[smem:$0x3FA8] =	sst s4  }
0xd: {  	[smem:$0x3FA9] =	sst s5  }
0xe: {  	[smem:$0x3FAA] =	sst s6  }
0xf: {  	[smem:$0x3FAB] =	sst s7  }
0x10: {  	[smem:$0x3FAC] =	sst s8  }
0x11: {  	[smem:$0x3FAD] =	sst s9;
	s0 =	simm.s32 @!p0 $0x0  }
0x12: {  	s1 =	sld [smem:$0x3F93];
	s0 =	simm.s32 @p0 $0x1  }
0x13: {  	[smem:$0x3FAE] =	sst s0;
	s0 =	simm.s32 @!p1 $0x0  }
0x14: {  	s2 =	sld [smem:$0x3F92];
	s0 =	simm.s32 @p1 $0x1  }
0x15: {  	[smem:$0x3FAF] =	sst s0;
	s0 =	simm.s32 @!p2 $0x0  }
0x16: {  	s3 =	sld [smem:$0x3FDB];
	s0 =	simm.s32 @p2 $0x1  }
0x17: {  	s4 =	simm.s32 $0x1BF5;
	[smem:$0x3FB1] =	sst s0  }
0x18: {  	s0 =	sld [smem:$0x3F94];
	_ =	swait.ge [sflag:s4], $0x0  }
0x19: {  	s7 =	sld [smem:$0x3F95]  }
0x1a: {  	s8 =	sadd.s32 $0xFFFFE003, lr  }
0x1b: {  	s9 =	sadd.s32 $0xFFFFFEF7, lr;
	s5 =	simm.s32 $0xFFFFFFFF;
	p2 =	slt.u32 s8, $0xFFFFF086  }
0x1c: {  	p1 =	slt.u32 s9, $0xF7A;
	s5 =	simm.s32 @!p2 $0x0  }
0x1d: {  	s5 =	simm.s32 @p1 $0x1;
	p0 =	seq.s32 s7, s2  }
0x1e: {  	s7 =	smul.u32 @!p0 $0xF7A, s2;
	p2 =	seq.s32 @!p0 s5, $0x0  }
0x1f: {  	s9 =	smul.u32 $0xF7A, s1;
	s8 =	simm.s32 @!p0 $0x1BF5;
	p2 =	por !p2, p0  }
0x20: {  	[sflag:s8] =	ssyncset.s32 @!p0 $0xFFFFF086;
	s6 =	sadd.s32 @!p0 s3, s7;
	s7 =	simm.s32 @!p0 $0x108  }
0x21: {  	s3 =	sadd.s32 s3, s9;
	s6 =	sadd.s32 @!p0 $0x88, s6;
	s7 =	simm.s32 @p2 $0x1082  }
0x22: {  	[simem:s7], [sflag:s8] =	dma.local @!p0 [hbm:s6], $0xF7A  }
0x23: {  	s9 =	sor.u32 $0xD0000000, s2;
	s6 =	simm.s32 $0x108;
	_ =	swait.ge @!p0 [sflag:s8], $0x0  }
0x24: {  	s3 =	sadd.s32 $0x88, s3;
	s6 =	simm.s32 @!p1 $0x1082;
	[sflag:s4] =	ssyncset.s32 $0xFFFFF086  }
0x25: {  	[simem:s6], [sflag:s4] =	dma.local [hbm:s3], $0xF7A  }
0x26: {  	[smem:$0x3F95] =	sst s1;
	(tag) =	ssettag s2;
	_ =	strace s9  }
0x27: {  	s1 =	sld [smem:$0x3FA5]  }
0x28: {  	s2 =	sld [smem:$0x3FA6]  }
0x29: {  	s4 =	sld [smem:$0x3FA8]  }
0x2a: {  	p0 =	seq.s32 s5, $0x0;
	s5 =	sld [smem:$0x3FA9]  }
0x2b: {  	s6 =	sld [smem:$0x3FAA]  }
0x2c: {  	s7 =	sld [smem:$0x3FAB]  }
0x2d: {  	s3 =	simm.s32 $0x108;
	s8 =	sld [smem:$0x3FAC]  }
0x2e: {  	s3 =	simm.s32 @!p0 $0x1082;
	s9 =	sld [smem:$0x3FAD]  }
0x2f: {  	lr =	sadd.s32 s0, s3;
	s0 =	sld [smem:$0x3FA4]  }
0x30: {  	s3 =	sld [smem:$0x3FA7]  }
0x31: {  	[smem:$0x3FB0] =	sst s10  }
0x32: {  	s10 =	sld [smem:$0x3FAE];
	_ =	sdelay $0x3  }
0x33: {  	p0 =	seq.s32 s10, $0x1;
	s10 =	sld [smem:$0x3FB0];
	_ =	sdelay $0x3  }
0x34: {  	[smem:$0x3FB0] =	sst s10  }
0x35: {  	s10 =	sld [smem:$0x3FAF];
	_ =	sdelay $0x3  }
0x36: {  	p1 =	seq.s32 s10, $0x1;
	s10 =	sld [smem:$0x3FB0];
	_ =	sdelay $0x3  }
0x37: {  	[smem:$0x3FB0] =	sst s10  }
0x38: {  	s10 =	sld [smem:$0x3FB1]  }
0x39: {  	_ = 	snop;
	(pc) =	sbr.ind lr, $3  }
0x3a: {  	_ = 	snop  }
0x3b: {  	_ = 	snop  }
0x3c: {  	p2 =	seq.s32 s10, $0x1;
	s10 =	sld [smem:$0x3FB0]  }
0x3d: {  	_ =	shalt  }
0x3e: {  	_ =	shalt  }
0x3f: {  	_ =	shalt  }
0x40: {  	_ =	shalt  }
0x41: {  	_ =	shalt  }
0x42: {  	_ =	shalt  }
0x43: {  	_ =	shalt  }
0x44: {  	_ =	shalt  }
0x45: {  	_ =	shalt  }
0x46: {  	_ =	shalt  }
0x47: {  	_ =	shalt  }
0x48: {  	_ =	shalt  }
0x49: {  	_ =	shalt  }
0x4a: {  	_ =	shalt  }
0x4b: {  	_ =	shalt  }
0x4c: {  	_ =	shalt  }
0x4d: {  	_ =	shalt  }
0x4e: {  	_ =	shalt  }
0x4f: {  	_ =	shalt  }
0x50: {  	_ =	shalt  }
0x51: {  	_ =	shalt  }
0x52: {  	_ =	shalt  }
0x53: {  	_ =	shalt  }
0x54: {  	_ =	shalt  }
0x55: {  	_ =	shalt  }
0x56: {  	_ =	shalt  }
0x57: {  	_ =	shalt  }
0x58: {  	_ =	shalt  }
0x59: {  	_ =	shalt  }
0x5a: {  	_ =	shalt  }
0x5b: {  	_ =	shalt  }
0x5c: {  	_ =	shalt  }
0x5d: {  	_ =	shalt  }
0x5e: {  	_ =	shalt  }
0x5f: {  	_ =	shalt  }
0x60: {  	_ =	shalt  }
0x61: {  	_ =	shalt  }
0x62: {  	_ =	shalt  }
0x63: {  	_ =	shalt  }
0x64: {  	_ =	shalt  }
0x65: {  	_ =	shalt  }
0x66: {  	_ =	shalt  }
0x67: {  	_ =	shalt  }
0x68: {  	_ =	shalt  }
0x69: {  	_ =	shalt  }
0x6a: {  	_ =	shalt  }
0x6b: {  	_ =	shalt  }
0x6c: {  	_ =	shalt  }
0x6d: {  	_ =	shalt  }
0x6e: {  	_ =	shalt  }
0x6f: {  	_ =	shalt  }
0x70: {  	_ =	shalt  }
0x71: {  	_ =	shalt  }
0x72: {  	_ =	shalt  }
0x73: {  	_ =	shalt  }
0x74: {  	_ =	shalt  }
0x75: {  	_ =	shalt  }
0x76: {  	_ =	shalt  }
0x77: {  	_ =	shalt  }
0x78: {  	_ =	shalt  }
0x79: {  	_ =	shalt  }
0x7a: {  	_ =	shalt  }
0x7b: {  	_ =	shalt  }
0x7c: {  	_ =	shalt  }
0x7d: {  	_ =	shalt  }
0x7e: {  	_ =	shalt  }
0x7f: {  	_ =	shalt  }
0x80: {  	_ =	shalt  }
0x81: {  	_ =	shalt  }
0x82: {  	_ =	shalt  }
0x83: {  	_ =	shalt  }
0x84: {  	_ =	shalt  }
0x85: {  	_ =	shalt  }
0x86: {  	_ =	shalt  }
0x87: {  	_ =	shalt  }
.Lfunc_end0:
.L_simem_size_0:
called_computation.5_lowered:
.L_overlay_start_0:
0x88: {  	s2 =	sld [smem:$0x3FD9]  }
0x89: {  	s3 =	sld [smem:$0x3FFE];
	_ =	sdelay $0x1  }
0x8a: {  	s1 =	srdreg.scid  }
0x8b: {  	s0 =	sand.u32 $0x1, s1  }
0x8c: {  	s16 =	sshll.u32 s0, $0xA;
	s2 =	sadd.s32 s3, s2  }
0x8d: {  	s2 =	sadd.s32 s2, s16  }
0x8e: {  	[smem:$0x3FBC] =	sst s2  }
0x8f: {  	_ = 	snop  }
0x90: {  	(tm) =	ssettm $0x1  }
0x91: {  	s17 =	sld [smem:$0x3FFB];
	_ =	sdelay $0x3  }
0x92: {  	_ =	strace s17  }
0x93: {  	s2 =	sld [smem:$0x3FFC];
	_ =	sdelay $0x3  }
0x94: {  	_ =	strace s2  }
0x95: {  	s2 =	sld [smem:$0x3FFD];
	_ =	sdelay $0x3  }
0x96: {  	_ =	strace s2  }
0x97: {  	_ =	strace $0x8FFFFFFF  }
0x98: {  	s18 =	sld [smem:$0x3FDB];
	_ =	sdelay $0x1  }
0x99: {  	s19 =	simm.s32 $_scs_section_size  }
0x9a: {  	s4 =	simm.s32 $_size__tile_overlayer_lowered;
	s5 =	simm.s32 $_tile_overlayer_lowered  }
0x9b: {  	s22 =	simm.s32 $0x1BFF;
	s21 =	sshll.u32 s5, $0x1;
	s2 =	sadd.s32 s19, s18  }
0x9c: {  	s6 =	simm.s32 $0x0;
	s20 =	sshll.u32 s4, $0x1;
	s4 =	sadd.s32 s21, s2  }
0x9d: {  	[timem:s6], [sflag:s22] =	dma.local [hbm:s4], s20  }
0x9e: {  	_ =	swait.ge [sflag:s22], s20  }
0x9f: {  	s3 =	ssub.s32 $0x0, s20;
	[sflag:s22] =	ssyncset.done $0x0  }
0xa0: {  	[sflag:s22] =	ssyncadd.s32 s3;
	_ =	sdelay $0x1  }
0xa1: {  	s23 =	simm.s32 $0x1B8B  }
0xa2: {  	_ =	swait.ge [sflag:s23], $0x1  }
0xa3: {  	[sflag:s23] =	ssyncset.done $0x0  }
0xa4: {  	s25 =	simm.s32 $0x1B8E;
	s24 =	sld [smem:$0x3FFE];
	[sflag:s23] =	ssyncadd.s32 $0xFFFFFFFF  }
0xa5: {  	s26 =	simm.s32 $execute0_lowered;
	[smem:$0x3FD2] =	sst s25  }
0xa6: {  	s4 =	sshll.u32 s26, $0x1;
	_ =	strace $0x80000055;
	[dreg:$0x1] =	wrdreg $0xFFFFFFFF  }
0xa7: {  	s28 =	simm.s32 $_size_execute0_lowered;
	s2 =	sadd.s32 s2, s4;
	[dreg:$0x0] =	wrdreg $0x0  }
0xa8: {  	s4 =	sshll.u32 s28, $0x1;
	[dreg:$0x2] =	wrdreg s2  }
0xa9: {  	[dreg:$0x3] =	wrdreg s4  }
0xaa: {  	[dreg:$0x4] =	wrdreg $0xC0  }
0xab: {  	_ =	task [dreg:s6], $0x5FFFF  }
0xac: {  	[dreg:$0x1] =	wrdreg $0xFFFFFFFF  }
0xad: {  	[dreg:$0x0] =	wrdreg $0x60  }
0xae: {  	[dreg:$0x2] =	wrdreg s24  }
0xaf: {  	[dreg:$0x3] =	wrdreg $0x90000  }
0xb0: {  	[dreg:$0x4] =	wrdreg $0x9  }
0xb1: {  	_ =	task.clear_ibuf [dreg:s6], $0x5FFFF;
	_ =	strace $0x90000055  }
0xb2: {  	s29 =	simm.s32 $0x9;
	_ =	strace $0x80000057  }
0xb3: {  	_ =	swait.ge [sflag:s29], $0x1  }
0xb4: {  	[sflag:s29] =	ssyncadd.s32 $0xFFFFFFFF  }
0xb5: {  	_ =	strace $0x90000057  }
0xb6: {  	_ =	sfence  }
0xb7: {  	s30 =	sld [smem:$0x0];
	_ =	sdelay $0x2  }
0xb8: {  	s31 =	sshll.u32 s1, $0xD;
	s1 =	sshrl.u32 s1, $0x2  }
0xb9: {  	s3 =	sand.u32 $0x4000, s31;
	s1 =	sadd.s32 s1, s30  }
0xba: {  	s0 =	sor.u32 s3, s0;
	s1 =	sshll.u32 s1, $0x11  }
0xbb: {  	s0 =	sor.u32 s1, s0  }
0xbc: {  	s0 =	sadd.s32 $0x8F2B, s0  }
0xbd: {  	[sflag:s0] =	ssyncadd.remote.s32 $0x1  }
0xbe: {  	_ =	sfence.sel $0xFFFF  }
0xbf: {  	[dreg:$0x0] =	wrdreg $0xFFFFFFFF;
	(pc) =	sbr.abs _section_cstart, $3  }
0xc0: {  	[dreg:$0x1] =	wrdreg $0xFFFFFFFF  }
0xc1: {  	_ =	task.clear_ibuf [dreg:s6], $0x2FFFF;
	_ =	strace $0x9FFFFFFF  }
0xc2: {  	(tm) =	ssettm $0x7FFFFFFF  }
0xc3: {  	_ =	shalt  }
tec
execute0_lowered:
.L_overlay_start_1:
0x0: {  	(tag) =	ssettag $0x1  }
0x1: {  	s1 =	srdreg.scid;
	s5 =	rddreg [dreg:$0x0]  }
0x2: {  	s0 =	stileid.u32;
	s2 =	rddreg [dreg:$0x1];
	s3 =	simm.s32 $0x0  }
0x3: {  	s14 =	simm.s32 $0x5000;
	s15 =	simm.s32 $0x1;
	s16 =	simm.s32 $0x2  }
0x4: {  	s17 =	simm.s32 $0x4F80;
	s4 =	sand.u32 $0x1, s1;
	s1 =	rddreg [dreg:$0x2]  }
0x5: {  	s28 =	sshll.u32 s0, $0x1;
	[smem:$0x7FF] =	sst s3;
	s18 =	smul.u32 $0x2800, s0  }
0x6: {  	s9 =	smul.u32 $0x50000, s0;
	s31 =	sshll.u32 s0, $0x6;
	s6 =	sor.u32 s4, s28  }
0x7: {  	_ =	strace $0x80000056;
	s7 =	smul.u32 $0x28000, s4;
	s29 =	ssub.s32 $0x2, s4  }
0x8: {  	s4 =	sadd.s32 $0x68400, s5;
	s6 =	smul.u32 $0x500, s6;
	s10 =	sadd.s32 s18, s5  }
0x9: {  	s11 =	sshrl.u32 s29, $0x1;
	s30 =	sshrl.u32 s9, $0x2;
	s12 =	sadd.s32 s7, s5  }
0xa: {  	s11 =	ssub.s32 s29, s11;
	s13 =	sadd.s32 s30, s2;
	s8 =	sadd.s32 s6, s5  }
0xb: {  	s5 =	sadd.s32 $0x40400, s10;
	s6 =	sor.u32 $0x1C03, s31;
	s19 =	sadd.s32 $0x90400, s12  }
0xc: {  	s9 =	smax.u32 s11, $0x1;
	s10 =	sshrl.u32 s13, $0x3;
	s11 =	simm.s32 $0x3  }
0xd: {  	s12 =	simm.s32 $0x2800;
	s13 =	simm.s32 $0x80;
	s7 =	sadd.s32 $0x3E00, s8  }
0xe: {  	s8 =	sadd.s32 $0xDE00, s8;
	s18 =	sadd.s32 s18, s19;
	s19 =	simm.s32 $0x0  }
.LBB2_1:
0xf: {  	[spmem:s10], [sflag:s6] =	dma.local [hbm:s5], $0x2800  }
0x10: {  	_ =	swait.ge [sflag:s11], $0x2800  }
0x11: {  	[sflag:s11] =	ssyncset.done $0x0  }
0x12: {  	[sflag:s11] =	ssyncadd.s32 $0xFFFFD800  }
0x13: {  	[tilespmem:s3], [sflag:$0x3] =	stream.linear.gather [hbm4b:s7+s3], $0x2800, $0x38;
	[tilespmem:$0x1D000] =	vst v63  }
0x14: {  	_ =	swait.ge [sflag:s11], $0x2800  }
0x15: {  	[sflag:s11] =	ssyncset.done $0x0  }
0x16: {  	[sflag:s11] =	ssyncadd.s32 $0xFFFFD800  }
0x17: {  	[tilespmem:s12], [sflag:$0x3] =	stream.linear.gather [hbm4b:s8+s3], $0x2800, $0x38;
	[tilespmem:$0x1D000] =	vst v63  }
0x18: {  	_ =	swait.ge [sflag:s11], $0x2800  }
0x19: {  	[sflag:s11] =	ssyncset.done $0x0  }
0x1a: {  	[sflag:s11] =	ssyncadd.s32 $0xFFFFD800  }
0x1b: {  	[bflag:$0x0] =	sbarrier.arrive $0xFFFF  }
0x1c: {  	[tilespmem:s14], [sflag:$0x1] =	stream.indirect.gather [hbm4b:s4+s13], $0x80, s3, s13, $0xb8;
	[tilespmem:$0x1D000] =	vst v63  }
0x1d: {  	_ =	swait.ge [sflag:s15], $0x4000  }
0x1e: {  	[sflag:s15] =	ssyncset.done $0x0  }
0x1f: {  	s20 =	simm.s32 $0x2800;
	[sflag:s15] =	ssyncadd.s32 $0xFFFFC000  }
0x20: {  	[spmem:s2] =	stream.indirect.scatter.add.f32 [tilespmem:s14], [sflag:$0x2], $0x80, s20, s13, $0xb8;
	[tilespmem:$0x1D000] =	vst v63  }
0x21: {  	_ =	swait.ge [sflag:s16], $0x4000  }
0x22: {  	[sflag:s16] =	ssyncset.done $0x0  }
0x23: {  	s21 =	simm.s32 $0x80;
	s20 =	simm.s32 $0x200;
	[sflag:s16] =	ssyncadd.s32 $0xFFFFC000  }
.LBB2_2:
0x24: {  	[tilespmem:s14], [sflag:$0x1] =	stream.indirect.gather [hbm4b:s4+s13], $0x80, s21, s13, $0xb8;
	[tilespmem:$0x1D000] =	vst v63  }
0x25: {  	s21 =	smov.u32 s20  }
0x26: {  	p0 =	sne.s32 s20, $0x9C00;
	s20 =	sadd.s32 $0x200, s20;
	_ =	swait.ge [sflag:s15], $0x4000  }
0x27: {  	s21 =	sshra.s32 s21, $0x2;
	[sflag:s15] =	ssyncset.done $0x0  }
.Ltmp0:
0x28: {  	s22 =	sadd.s32 $0x2800, s21;
	[sflag:s15] =	ssyncadd.s32 $0xFFFFC000;
	(pc) =	sbr.rel @p0 .LBB2_2-.Ltmp0, $4  }
0x29: {  	[spmem:s2] =	stream.indirect.scatter.add.f32 [tilespmem:s14], [sflag:$0x2], $0x80, s22, s13, $0xb8;
	[tilespmem:$0x1D000] =	vst v63  }
0x2a: {  	_ =	swait.ge [sflag:s16], $0x4000  }
0x2b: {  	[sflag:s16] =	ssyncset.done $0x0  }
0x2c: {  	s21 =	sadd.s32 $0x80, s21;
	[sflag:s16] =	ssyncadd.s32 $0xFFFFC000  }
0x2d: {  	[tilespmem:s14], [sflag:$0x1] =	stream.indirect.gather [hbm4b:s4+s13], $0x80, s21, s13, $0xb8;
	[tilespmem:$0x1D000] =	vst v63  }
0x2e: {  	_ =	swait.ge [sflag:s15], $0x4000  }
0x2f: {  	[sflag:s15] =	ssyncset.done $0x0  }
0x30: {  	[sflag:s15] =	ssyncadd.s32 $0xFFFFC000  }
0x31: {  	[spmem:s2] =	stream.indirect.scatter.add.f32 [tilespmem:s14], [sflag:$0x2], $0x80, s17, s13, $0xb8;
	[tilespmem:$0x1D000] =	vst v63  }
0x32: {  	_ =	swait.ge [sflag:s16], $0x4000  }
0x33: {  	s19 =	sadd.s32 $0x1, s19;
	[sflag:s16] =	ssyncset.done $0x0  }
0x34: {  	p0 =	sne.s32 s19, s9;
	[sflag:s16] =	ssyncadd.s32 $0xFFFFC000  }
.Ltmp1:
0x35: {  	[bflag:$0x0] =	sbarrier.arrive $0xFFFF;
	(pc) =	sbr.rel @p0 .LBB2_1-.Ltmp1, $4  }
0x36: {  	[hbm:s18], [sflag:s6] =	dma.local [spmem:s10], $0x2800  }
0x37: {  	_ =	swait.ge [sflag:s11], $0x2800  }
0x38: {  	[sflag:s11] =	ssyncset.done $0x0  }
0x39: {  	[sflag:s11] =	ssyncadd.s32 $0xFFFFD800  }
0x3a: {  	_ =	sfence.sel $0x180000  }
0x3b: {  	[bflag:$0x0] =	sbarrier.arrive $0xFFFF  }
0x3c: {  	p0 =	sne.s32 s0, $0x0;
	_ =	strace $0x90000056  }
0x3d: {  	s0 =	sadd.s32 @!p0 $0x100000, s1;
	[bflag:$0x2] =	sbarrier.arrive $0xFFFF  }
0x3e: {  	[sflag:s0] =	ssyncadd.tile.s32 @!p0 $0x1;
	_ =	shalt  }
.Lfunc_end2:
_tile_overlayer_lowered:
.L_overlay_start_2:
0x3f: {  	(tag) =	ssettag $0x2  }
0x40: {  	s0 =	rddreg [dreg:$0x0];
	s2 =	stileid.u32  }
0x41: {  	s1 =	rddreg [dreg:$0x1];
	p0 =	sne.s32 s2, $0x0  }
0x42: {  	s3 =	rddreg [dreg:$0x2];
	[bflag:$0x3] =	sbarrier.arrive $0xFFFF;
	s2 =	simm.s32 @!p0 $0x1C03  }
0x43: {  	[timem:s3], [sflag:s2] =	dma.local @!p0 [hbm:s0], s1  }
0x44: {  	s0 =	simm.s32 @!p0 $0x3  }
0x45: {  	_ =	swait.ge @!p0 [sflag:s0], s1  }
0x46: {  	s1 =	ssub.s32 @!p0 $0x0, s1;
	[sflag:s0] =	ssyncset.done @!p0 $0x0  }
0x47: {  	[sflag:s0] =	ssyncadd.s32 @!p0 s1  }
0x48: {  	[bflag:$0x3] =	sbarrier.arrive $0xFFFF  }
0x49: {  	_ =	shalt  }

</sc_bundles>
